<compile_context>
chip_gen: v7x
topology: tpu7x:2x2x1
jax: 0.10.2.dev20260603
libtpu: 0.0.44.dev20260713+nightly
codegen_flags: <defaults>
</compile_context>

<pallas_src>
import functools

import jax
import jax.numpy as jnp
from jax import lax
from jax.experimental import pallas as pl
from jax.experimental.pallas import tpu as pltpu
from jax.experimental.pallas import tpu_sc as plsc

N = 10000
E = 320000
F_IN = 128
H = 256
C = 10
B = 64

LANES = 128
CS = 96
RPT = 632
N_PAD = 16 * RPT
BN = 5056
CIN0 = 21
OUT0 = 5
CIN1 = 24
OUT1 = 9



def _sc_segsum_body(outer, cin, dst_pc, tab, src_i, dst_i, zer, out,
                    acc, sv0, dv0, sv1, dv1, r0, r1, r2,
                    g0, g1, g2, i0, i1):
    c = lax.axis_index("c")
    s = lax.axis_index("s")
    rows = (r0, r1, r2)
    gsem = (g0, g1, g2)
    idx = ((sv0, dv0), (sv1, dv1))

    def stage(o, bufs, sync):
        sv, dv = bufs
        if sync:
            pltpu.sync_copy(src_i.at[c, s, o], sv)
            pltpu.sync_copy(dst_i.at[c, s, o] if dst_pc else dst_i.at[s, o], dv)
        else:
            pltpu.async_copy(src_i.at[c, s, o], sv, i0)
            pltpu.async_copy(dst_i.at[c, s, o] if dst_pc else dst_i.at[s, o],
                             dv, i1)

    stage(0, idx[0], True)
    pltpu.sync_copy(zer.at[pl.ds(s * RPT, RPT)], acc.at[pl.ds(s * RPT, RPT)])
    plsc.subcore_barrier()

    for o in range(outer):
        sv, dv = idx[o % 2]
        if o + 1 < outer:
            stage(o + 1, idx[(o + 1) % 2], False)
        for b in range(3):
            pltpu.async_copy(tab.at[sv.at[b]], rows[b], gsem[b])

        def step(jj, cc, sv=sv, dv=dv):
            j0 = 3 * jj
            for b in range(3):
                pltpu.make_async_copy(tab.at[sv.at[0]], rows[b], gsem[b]).wait()
                pltpu.sync_copy(rows[b], acc.at[dv.at[j0 + b]], add=True)

                @pl.when(j0 + b + 3 < cin)
                def _nxt(b=b, j0=j0, sv=sv):
                    pltpu.async_copy(tab.at[sv.at[j0 + b + 3]], rows[b], gsem[b])

            return cc

        lax.fori_loop(0, cin // 3, step, 0)
        if o + 1 < outer:
            nsv, ndv = idx[(o + 1) % 2]
            pltpu.make_async_copy(src_i.at[c, s, 0], nsv, i0).wait()
            pltpu.make_async_copy(src_i.at[c, s, 0], ndv, i1).wait()

    plsc.subcore_barrier()
    pltpu.sync_copy(acc.at[pl.ds(s * RPT, RPT)], out.at[c, pl.ds(s * RPT, RPT)])


@functools.partial(jax.jit, static_argnums=(4, 5, 6))
def _sc_segsum(tab, src_i, dst_i, zer, outer, cin, dst_pc):
    mesh = plsc.VectorSubcoreMesh(core_axis_name="c", subcore_axis_name="s")
    return pl.kernel(
        functools.partial(_sc_segsum_body, outer, cin, dst_pc),
        out_type=jax.ShapeDtypeStruct((2, N_PAD, LANES), jnp.float32),
        mesh=mesh,
        scratch_types=[
            pltpu.VMEM_SHARED((N_PAD, LANES), jnp.float32),
            pltpu.VMEM((cin, CS), jnp.int32),
            pltpu.VMEM((cin, CS), jnp.int32),
            pltpu.VMEM((cin, CS), jnp.int32),
            pltpu.VMEM((cin, CS), jnp.int32),
            pltpu.VMEM((CS, LANES), jnp.float32),
            pltpu.VMEM((CS, LANES), jnp.float32),
            pltpu.VMEM((CS, LANES), jnp.float32),
            pltpu.SemaphoreType.DMA,
            pltpu.SemaphoreType.DMA,
            pltpu.SemaphoreType.DMA,
            pltpu.SemaphoreType.DMA,
            pltpu.SemaphoreType.DMA,
        ],
    )(tab, src_i, dst_i, zer)


def _pad_chunk(idx, outer, cin, n_tiles, pad_vals):
    total = outer * cin * CS * n_tiles
    pad = total - idx.shape[0]
    idx_p = jnp.concatenate([idx, pad_vals[:pad]])
    return idx_p.reshape(n_tiles, outer, cin, CS)



def _mlp0_body(x_ref, a_ref, eps_ref, w1_ref, b1_ref, w2_ref, b2_ref, o_ref):
    z = (1.0 + eps_ref[0, 0]) * x_ref[...] + a_ref[0] + a_ref[1]
    y = jnp.dot(z, w1_ref[...], preferred_element_type=jnp.float32) + b1_ref[...]
    y = jnp.maximum(y, 0.0)
    o = jnp.dot(y, w2_ref[...], preferred_element_type=jnp.float32) + b2_ref[...]
    o = jnp.maximum(o, 0.0)
    o_ref[0] = o[:, :128]
    o_ref[1] = o[:, 128:]


def _mlp0(x, a, eps, w1, b1, w2, b2):
    return pl.pallas_call(
        _mlp0_body,
        grid=(N // BN,),
        in_specs=[
            pl.BlockSpec((BN, F_IN), lambda i: (i, 0)),
            pl.BlockSpec((2, BN, 128), lambda i: (0, i, 0)),
            pl.BlockSpec(memory_space=pltpu.SMEM),
            pl.BlockSpec((F_IN, H), lambda i: (0, 0)),
            pl.BlockSpec((1, H), lambda i: (0, 0)),
            pl.BlockSpec((H, H), lambda i: (0, 0)),
            pl.BlockSpec((1, H), lambda i: (0, 0)),
        ],
        out_specs=pl.BlockSpec((2, BN, 128), lambda i: (0, i, 0)),
        out_shape=jax.ShapeDtypeStruct((2, N, 128), jnp.float32),
    )(x, a, eps, w1, b1, w2, b2)


def _mlp12_body(x_ref, a_ref, eps_ref, w1_ref, b1_ref, w2_ref, b2_ref, o_ref):
    e1 = 1.0 + eps_ref[0, 0]
    z0 = e1 * x_ref[0] + a_ref[0]
    z1 = e1 * x_ref[1] + a_ref[1]
    y = (jnp.dot(z0, w1_ref[:128, :], preferred_element_type=jnp.float32)
         + jnp.dot(z1, w1_ref[128:, :], preferred_element_type=jnp.float32)
         + b1_ref[...])
    y = jnp.maximum(y, 0.0)
    o = jnp.dot(y, w2_ref[...], preferred_element_type=jnp.float32) + b2_ref[...]
    o = jnp.maximum(o, 0.0)
    o_ref[0] = o[:, :128]
    o_ref[1] = o[:, 128:]


def _mlp12(x, a, eps, w1, b1, w2, b2):
    return pl.pallas_call(
        _mlp12_body,
        grid=(N // BN,),
        in_specs=[
            pl.BlockSpec((2, BN, 128), lambda i: (0, i, 0)),
            pl.BlockSpec((2, BN, 128), lambda i: (0, i, 0)),
            pl.BlockSpec(memory_space=pltpu.SMEM),
            pl.BlockSpec((H, H), lambda i: (0, 0)),
            pl.BlockSpec((1, H), lambda i: (0, 0)),
            pl.BlockSpec((H, H), lambda i: (0, 0)),
            pl.BlockSpec((1, H), lambda i: (0, 0)),
        ],
        out_specs=pl.BlockSpec((2, BN, 128), lambda i: (0, i, 0)),
        out_shape=jax.ShapeDtypeStruct((2, N, 128), jnp.float32),
    )(x, a, eps, w1, b1, w2, b2)



def _mlp2_pool_body(x_ref, a_ref, eps_ref, w1_ref, b1_ref, w2_ref, b2_ref,
                    b_ref, l1w_ref, l1b_ref, l2w_ref, l2b_ref, o_ref,
                    s0_ref, s1_ref, cnt_ref):
    i = pl.program_id(0)
    e1 = 1.0 + eps_ref[0, 0]
    z0 = e1 * x_ref[0] + a_ref[0]
    z1 = e1 * x_ref[1] + a_ref[1]
    y = (jnp.dot(z0, w1_ref[:128, :], preferred_element_type=jnp.float32)
         + jnp.dot(z1, w1_ref[128:, :], preferred_element_type=jnp.float32)
         + b1_ref[...])
    y = jnp.maximum(y, 0.0)
    o = jnp.dot(y, w2_ref[...], preferred_element_type=jnp.float32) + b2_ref[...]
    o = jnp.maximum(o, 0.0)
    bb = b_ref[...]
    oh = (lax.broadcasted_iota(jnp.int32, (BN, B), 1) == bb).astype(jnp.float32)
    dn = (((0,), (0,)), ((), ()))
    s0 = lax.dot_general(oh, o[:, :128], dn, preferred_element_type=jnp.float32)
    s1 = lax.dot_general(oh, o[:, 128:], dn, preferred_element_type=jnp.float32)
    cn = lax.dot_general(oh, jnp.ones((BN, 128), jnp.float32), dn,
                         preferred_element_type=jnp.float32)

    @pl.when(i == 0)
    def _init():
        s0_ref[...] = s0
        s1_ref[...] = s1
        cnt_ref[...] = cn

    @pl.when(i > 0)
    def _acc():
        s0_ref[...] += s0
        s1_ref[...] += s1
        cnt_ref[...] += cn

    @pl.when(i == N // BN - 1)
    def _fin():
        inv = 1.0 / jnp.maximum(cnt_ref[...], 1.0)
        p0 = s0_ref[...] * inv
        p1 = s1_ref[...] * inv
        t = (jnp.dot(p0, l1w_ref[:128, :], preferred_element_type=jnp.float32)
             + jnp.dot(p1, l1w_ref[128:, :], preferred_element_type=jnp.float32)
             + l1b_ref[...])
        t = jnp.maximum(t, 0.0)
        o_ref[...] = jnp.dot(t, l2w_ref[...], preferred_element_type=jnp.float32) + l2b_ref[...]


def _mlp2_pool(x, a, eps, w1, b1, w2, b2, batch2d, l1w, l1b, l2wp, l2bp):
    return pl.pallas_call(
        _mlp2_pool_body,
        grid=(N // BN,),
        in_specs=[
            pl.BlockSpec((2, BN, 128), lambda i: (0, i, 0)),
            pl.BlockSpec((2, BN, 128), lambda i: (0, i, 0)),
            pl.BlockSpec(memory_space=pltpu.SMEM),
            pl.BlockSpec((H, H), lambda i: (0, 0)),
            pl.BlockSpec((1, H), lambda i: (0, 0)),
            pl.BlockSpec((H, H), lambda i: (0, 0)),
            pl.BlockSpec((1, H), lambda i: (0, 0)),
            pl.BlockSpec((BN, 1), lambda i: (i, 0)),
            pl.BlockSpec((H, H), lambda i: (0, 0)),
            pl.BlockSpec((1, H), lambda i: (0, 0)),
            pl.BlockSpec((H, 128), lambda i: (0, 0)),
            pl.BlockSpec((1, 128), lambda i: (0, 0)),
        ],
        out_specs=pl.BlockSpec((B, 128), lambda i: (0, 0)),
        out_shape=jax.ShapeDtypeStruct((B, 128), jnp.float32),
        scratch_shapes=[
            pltpu.VMEM((B, 128), jnp.float32),
            pltpu.VMEM((B, 128), jnp.float32),
            pltpu.VMEM((B, 128), jnp.float32),
        ],
    )(x, a, eps, w1, b1, w2, b2, batch2d, l1w, l1b, l2wp, l2bp)



def kernel(x, edge_index, batch, eps0, W1_0, b1_0, W2_0, b2_0, eps1, W1_1,
           b1_1, W2_1, b2_1, eps2, W1_2, b1_2, W2_2, b2_2, lin1_W, lin1_b,
           lin2_W, lin2_b):
    src = edge_index[0]
    dst = edge_index[1]
    arang = jnp.arange(
        max(32 * OUT0 * CIN0, 16 * OUT1 * CIN1) * CS - E, dtype=jnp.int32)
    pad_src = arang % 256
    pad_dst = N + (arang % 96)

    s0 = _pad_chunk(src, OUT0, CIN0, 32, pad_src).reshape(2, 16, OUT0, CIN0, CS)
    d0 = _pad_chunk(dst, OUT0, CIN0, 32, pad_dst).reshape(2, 16, OUT0, CIN0, CS)

    s1h = _pad_chunk(src, OUT1, CIN1, 16, pad_src)
    s1_ = jnp.stack([s1h, s1h + N])
    d1_ = _pad_chunk(dst, OUT1, CIN1, 16, pad_dst)

    zer = jnp.zeros((N_PAD, LANES), jnp.float32)
    eps_s = lambda e: e.reshape(1, 1)
    b2d = lambda b: b.reshape(1, -1)

    a0 = _sc_segsum(x, s0, d0, zer, OUT0, CIN0, True)
    h1 = _mlp0(x, a0, eps_s(eps0), W1_0, b2d(b1_0), W2_0, b2d(b2_0))

    a1 = _sc_segsum(h1.reshape(2 * N, 128), s1_, d1_, zer, OUT1, CIN1, False)
    h2 = _mlp12(h1, a1, eps_s(eps1), W1_1, b2d(b1_1), W2_1, b2d(b2_1))

    a2 = _sc_segsum(h2.reshape(2 * N, 128), s1_, d1_, zer, OUT1, CIN1, False)

    l2wp = jnp.pad(lin2_W, ((0, 0), (0, 128 - C)))
    l2bp = jnp.pad(lin2_b, (0, 128 - C)).reshape(1, 128)
    out = _mlp2_pool(h2, a2, eps_s(eps2), W1_2, b2d(b1_2), W2_2, b2d(b2_2),
                     batch.reshape(N, 1), lin1_W, b2d(lin1_b), l2wp, l2bp)
    return out[:, :C]

# --- scband reference (transcript-rebuilt; emitter-appended) ---
"""Pipeline reference for scband-gin-8280696947366 (READ-ONLY COPY).

The authoritative reference and input builder live on the scoring server;
editing this copy changes nothing except your own understanding.
"""

import jax, jax.numpy as jnp
import numpy as np

N = 10000
E = 320000
F_IN = 128
H = 256
C = 10
B = 64


def _glorot(key, shape):
    fan_in, fan_out = shape[0], shape[1]
    s = jnp.sqrt(6.0 / (fan_in + fan_out))
    return jax.random.uniform(key, shape, jnp.float32, -s, s)


def setup_inputs(seed: int = 0) -> dict:
    key = jax.random.key(seed)
    ks = jax.random.split(key, 24)
    inp = {}
    inp["x"] = jax.random.normal(ks[0], (N, F_IN), dtype=jnp.float32)
    inp["edge_index"] = jax.random.randint(ks[1], (2, E), 0, N, dtype=jnp.int32)
    inp["batch"] = jnp.sort(jax.random.randint(ks[2], (N,), 0, B, dtype=jnp.int32))
    dims = [(F_IN, H), (H, H), (H, H)]
    for i, (din, dh) in enumerate(dims):
        inp["eps%d" % i] = jnp.array(0.0, dtype=jnp.float32)
        inp["W1_%d" % i] = _glorot(ks[3 + 4 * i], (din, dh))
        inp["b1_%d" % i] = jnp.zeros((dh,), dtype=jnp.float32)
        inp["W2_%d" % i] = _glorot(ks[4 + 4 * i], (dh, dh))
        inp["b2_%d" % i] = jnp.zeros((dh,), dtype=jnp.float32)
    inp["lin1_W"] = _glorot(ks[20], (H, H))
    inp["lin1_b"] = jnp.zeros((H,), dtype=jnp.float32)
    inp["lin2_W"] = _glorot(ks[21], (H, C))
    inp["lin2_b"] = jnp.zeros((C,), dtype=jnp.float32)
    return inp


def _gin_conv(x, edge_index, eps, W1, b1, W2, b2):
    # GINConv with train_eps: nn((1+eps)*x + sum_{j in N(i)} x_j)
    src = edge_index[0]
    dst = edge_index[1]
    agg = jax.ops.segment_sum(x[src], dst, num_segments=N)
    h = (1.0 + eps) * x + agg
    # make_base_net(in, hidden) assumed Sequential(Linear, ReLU, Linear, ReLU)
    h = jnp.maximum(h @ W1 + b1, 0.0)
    h = jnp.maximum(h @ W2 + b2, 0.0)
    return h


def reference(x, edge_index, batch, eps0, W1_0, b1_0, W2_0, b2_0, eps1, W1_1, b1_1, W2_1, b2_1, eps2, W1_2, b1_2, W2_2, b2_2, lin1_W, lin1_b, lin2_W, lin2_b):
    h = _gin_conv(x, edge_index, eps0, W1_0, b1_0, W2_0, b2_0)
    h = _gin_conv(h, edge_index, eps1, W1_1, b1_1, W2_1, b2_1)
    h = _gin_conv(h, edge_index, eps2, W1_2, b1_2, W2_2, b2_2)
    # global mean pooling per graph
    sums = jax.ops.segment_sum(h, batch, num_segments=B)
    counts = jax.ops.segment_sum(jnp.ones((N, 1), dtype=jnp.float32), batch, num_segments=B)
    pooled = sums / jnp.maximum(counts, 1.0)
    h = jnp.maximum(pooled @ lin1_W + lin1_b, 0.0)
    # dropout is identity in eval mode
    out = h @ lin2_W + lin2_b
    return out

if __name__ == "__main__":
    import jax
    _d = setup_inputs()
    print(jax.jit(kernel)(*tuple(_d.values())))

</pallas_src>

<mosaic_0001>
#map = affine_map<(d0, d1) -> (0, 0)>
#map1 = affine_map<(d0, d1) -> (0, 0, 0, 0, 0)>
#map2 = affine_map<(d0, d1) -> (0, 0, 0)>
module attributes {stable_mosaic.version = 14 : i64} {
  func.func @_sc_segsum_body(%arg0: i32, %arg1: i32, %arg2: memref<10000x128xf32, #tpu.memory_space<hbm>>, %arg3: memref<2x16x5x21x96xi32, #tpu.memory_space<hbm>>, %arg4: memref<2x16x5x21x96xi32, #tpu.memory_space<hbm>>, %arg5: memref<10112x128xf32, #tpu.memory_space<hbm>>, %arg6: memref<2x10112x128xf32, #tpu.memory_space<hbm>>, %arg7: memref<10112x128xf32, #tpu.memory_space<vmem_shared>>, %arg8: memref<21x96xi32, #tpu.memory_space<vmem>>, %arg9: memref<21x96xi32, #tpu.memory_space<vmem>>, %arg10: memref<21x96xi32, #tpu.memory_space<vmem>>, %arg11: memref<21x96xi32, #tpu.memory_space<vmem>>, %arg12: memref<96x128xf32, #tpu.memory_space<vmem>>, %arg13: memref<96x128xf32, #tpu.memory_space<vmem>>, %arg14: memref<96x128xf32, #tpu.memory_space<vmem>>, %arg15: memref<!tpu.dma_semaphore, #tpu.memory_space<semaphore_mem>>, %arg16: memref<!tpu.dma_semaphore, #tpu.memory_space<semaphore_mem>>, %arg17: memref<!tpu.dma_semaphore, #tpu.memory_space<semaphore_mem>>, %arg18: memref<!tpu.dma_semaphore, #tpu.memory_space<semaphore_mem>>, %arg19: memref<!tpu.dma_semaphore, #tpu.memory_space<semaphore_mem>>) attributes {dimension_semantics = [#tpu.dimension_semantics<core_parallel>, #tpu.dimension_semantics<subcore_parallel>], iteration_bounds = array<i64: 2, 16>, scalar_prefetch = 0 : i64, scratch_operands = 13 : i64, tpu.core_type = #tpu.core_type<sc_vector_subcore>, window_params = [{transform_indices = #map}, {transform_indices = #map1}, {transform_indices = #map1}, {transform_indices = #map}, {transform_indices = #map2}]} {
    %run_scoped3A = arith.constant 0 : i32
    "tpu.region"() ({
      %run_scoped3A_285 = tpu.sem_alloc : memref<!tpu.dma_semaphore, #tpu.memory_space<semaphore_mem>>
      %dma_start3A_286 = arith.constant 0 : i32
      %dma_start3A_287 = arith.constant 0 : i32
      %dma_start3A_288 = tpu.memref_slice %arg3[%arg0, %arg1, %run_scoped3A, %dma_start3A_286, %dma_start3A_287] : memref<2x16x5x21x96xi32, #tpu.memory_space<hbm>> -> memref<1x1x1x21x96xi32, #tpu.memory_space<hbm>>
      %dma_start3A_289 = tpu.memref_squeeze %dma_start3A_288 : memref<1x1x1x21x96xi32, #tpu.memory_space<hbm>> -> memref<21x96xi32, #tpu.memory_space<hbm>>
      %dma_start3A_290 = arith.constant 0 : i32
      %dma_start3A_291 = arith.constant 0 : i32
      %dma_start3A_292 = tpu.memref_slice %arg3[%arg0, %arg1, %run_scoped3A, %dma_start3A_290, %dma_start3A_291] : memref<2x16x5x21x96xi32, #tpu.memory_space<hbm>> -> memref<1x1x1x21x96xi32, #tpu.memory_space<hbm>>
      %dma_start3A_293 = tpu.memref_squeeze %dma_start3A_292 : memref<1x1x1x21x96xi32, #tpu.memory_space<hbm>> -> memref<21x96xi32, #tpu.memory_space<hbm>>
      tpu.enqueue_dma source(%dma_start3A_293 : memref<21x96xi32, #tpu.memory_space<hbm>>) target(%arg8 : memref<21x96xi32, #tpu.memory_space<vmem>>) target_semaphore(%run_scoped3A_285 : memref<!tpu.dma_semaphore, #tpu.memory_space<semaphore_mem>>)
      %dma_wait3A_294 = arith.constant 0 : i32
      %dma_wait3A_295 = arith.constant 0 : i32
      %dma_wait3A_296 = tpu.memref_slice %arg3[%arg0, %arg1, %run_scoped3A, %dma_wait3A_294, %dma_wait3A_295] : memref<2x16x5x21x96xi32, #tpu.memory_space<hbm>> -> memref<1x1x1x21x96xi32, #tpu.memory_space<hbm>>
      %dma_wait3A_297 = tpu.memref_squeeze %dma_wait3A_296 : memref<1x1x1x21x96xi32, #tpu.memory_space<hbm>> -> memref<21x96xi32, #tpu.memory_space<hbm>>
      %dma_wait3A_298 = arith.constant 0 : i32
      %dma_wait3A_299 = arith.constant 0 : i32
      %dma_wait3A_300 = tpu.memref_slice %arg3[%arg0, %arg1, %run_scoped3A, %dma_wait3A_298, %dma_wait3A_299] : memref<2x16x5x21x96xi32, #tpu.memory_space<hbm>> -> memref<1x1x1x21x96xi32, #tpu.memory_space<hbm>>
      %dma_wait3A_301 = tpu.memref_squeeze %dma_wait3A_300 : memref<1x1x1x21x96xi32, #tpu.memory_space<hbm>> -> memref<21x96xi32, #tpu.memory_space<hbm>>
      tpu.wait_dma2 semaphore(%run_scoped3A_285 : memref<!tpu.dma_semaphore, #tpu.memory_space<semaphore_mem>>) src(%dma_wait3A_301 : memref<21x96xi32, #tpu.memory_space<hbm>>) dst(%arg8 : memref<21x96xi32, #tpu.memory_space<vmem>>)
      tpu.yield
    }) : () -> ()
    %run_scoped3A_0 = arith.constant 0 : i32
    "tpu.region"() ({
      %run_scoped3A_285 = tpu.sem_alloc : memref<!tpu.dma_semaphore, #tpu.memory_space<semaphore_mem>>
      %dma_start3A_286 = arith.constant 0 : i32
      %dma_start3A_287 = arith.constant 0 : i32
      %dma_start3A_288 = tpu.memref_slice %arg4[%arg0, %arg1, %run_scoped3A_0, %dma_start3A_286, %dma_start3A_287] : memref<2x16x5x21x96xi32, #tpu.memory_space<hbm>> -> memref<1x1x1x21x96xi32, #tpu.memory_space<hbm>>
      %dma_start3A_289 = tpu.memref_squeeze %dma_start3A_288 : memref<1x1x1x21x96xi32, #tpu.memory_space<hbm>> -> memref<21x96xi32, #tpu.memory_space<hbm>>
      %dma_start3A_290 = arith.constant 0 : i32
      %dma_start3A_291 = arith.constant 0 : i32
      %dma_start3A_292 = tpu.memref_slice %arg4[%arg0, %arg1, %run_scoped3A_0, %dma_start3A_290, %dma_start3A_291] : memref<2x16x5x21x96xi32, #tpu.memory_space<hbm>> -> memref<1x1x1x21x96xi32, #tpu.memory_space<hbm>>
      %dma_start3A_293 = tpu.memref_squeeze %dma_start3A_292 : memref<1x1x1x21x96xi32, #tpu.memory_space<hbm>> -> memref<21x96xi32, #tpu.memory_space<hbm>>
      tpu.enqueue_dma source(%dma_start3A_293 : memref<21x96xi32, #tpu.memory_space<hbm>>) target(%arg9 : memref<21x96xi32, #tpu.memory_space<vmem>>) target_semaphore(%run_scoped3A_285 : memref<!tpu.dma_semaphore, #tpu.memory_space<semaphore_mem>>)
      %dma_wait3A_294 = arith.constant 0 : i32
      %dma_wait3A_295 = arith.constant 0 : i32
      %dma_wait3A_296 = tpu.memref_slice %arg4[%arg0, %arg1, %run_scoped3A_0, %dma_wait3A_294, %dma_wait3A_295] : memref<2x16x5x21x96xi32, #tpu.memory_space<hbm>> -> memref<1x1x1x21x96xi32, #tpu.memory_space<hbm>>
      %dma_wait3A_297 = tpu.memref_squeeze %dma_wait3A_296 : memref<1x1x1x21x96xi32, #tpu.memory_space<hbm>> -> memref<21x96xi32, #tpu.memory_space<hbm>>
      %dma_wait3A_298 = arith.constant 0 : i32
      %dma_wait3A_299 = arith.constant 0 : i32
      %dma_wait3A_300 = tpu.memref_slice %arg4[%arg0, %arg1, %run_scoped3A_0, %dma_wait3A_298, %dma_wait3A_299] : memref<2x16x5x21x96xi32, #tpu.memory_space<hbm>> -> memref<1x1x1x21x96xi32, #tpu.memory_space<hbm>>
      %dma_wait3A_301 = tpu.memref_squeeze %dma_wait3A_300 : memref<1x1x1x21x96xi32, #tpu.memory_space<hbm>> -> memref<21x96xi32, #tpu.memory_space<hbm>>
      tpu.wait_dma2 semaphore(%run_scoped3A_285 : memref<!tpu.dma_semaphore, #tpu.memory_space<semaphore_mem>>) src(%dma_wait3A_301 : memref<21x96xi32, #tpu.memory_space<hbm>>) dst(%arg9 : memref<21x96xi32, #tpu.memory_space<vmem>>)
      tpu.yield
    }) : () -> ()
    %mul3A = arith.constant 632 : i32
    %mul3A_1 = arith.muli %arg1, %mul3A : i32
    %mul3A_2 = arith.constant 632 : i32
    %mul3A_3 = arith.muli %arg1, %mul3A_2 : i32
    "tpu.region"() ({
      %run_scoped3A_285 = tpu.sem_alloc : memref<!tpu.dma_semaphore, #tpu.memory_space<semaphore_mem>>
      %dma_start3A_286 = arith.constant 0 : i32
      %dma_start3A_287 = tpu.memref_slice %arg7[%mul3A_3, %dma_start3A_286] : memref<10112x128xf32, #tpu.memory_space<vmem_shared>> -> memref<632x128xf32, #tpu.memory_space<vmem_shared>>
      %dma_start3A_288 = arith.constant 0 : i32
      %dma_start3A_289 = tpu.memref_slice %arg5[%mul3A_1, %dma_start3A_288] : memref<10112x128xf32, #tpu.memory_space<hbm>> -> memref<632x128xf32, #tpu.memory_space<hbm>>
      tpu.enqueue_dma source(%dma_start3A_289 : memref<632x128xf32, #tpu.memory_space<hbm>>) target(%dma_start3A_287 : memref<632x128xf32, #tpu.memory_space<vmem_shared>>) target_semaphore(%run_scoped3A_285 : memref<!tpu.dma_semaphore, #tpu.memory_space<semaphore_mem>>)
      %dma_wait3A_290 = arith.constant 0 : i32
      %dma_wait3A_291 = tpu.memref_slice %arg7[%mul3A_3, %dma_wait3A_290] : memref<10112x128xf32, #tpu.memory_space<vmem_shared>> -> memref<632x128xf32, #tpu.memory_space<vmem_shared>>
      %dma_wait3A_292 = arith.constant 0 : i32
      %dma_wait3A_293 = tpu.memref_slice %arg5[%mul3A_1, %dma_wait3A_292] : memref<10112x128xf32, #tpu.memory_space<hbm>> -> memref<632x128xf32, #tpu.memory_space<hbm>>
      tpu.wait_dma2 semaphore(%run_scoped3A_285 : memref<!tpu.dma_semaphore, #tpu.memory_space<semaphore_mem>>) src(%dma_wait3A_293 : memref<632x128xf32, #tpu.memory_space<hbm>>) dst(%dma_wait3A_291 : memref<632x128xf32, #tpu.memory_space<vmem_shared>>)
      tpu.yield
    }) : () -> ()
    %barrier3A = arith.constant 0 : index
    tpu.barrier barrier_id(%barrier3A)
    %dma_start3A = arith.constant 1 : i32
    %dma_start3A_4 = arith.constant 0 : i32
    %dma_start3A_5 = arith.constant 0 : i32
    %dma_start3A_6 = tpu.memref_slice %arg3[%arg0, %arg1, %dma_start3A, %dma_start3A_4, %dma_start3A_5] : memref<2x16x5x21x96xi32, #tpu.memory_space<hbm>> -> memref<1x1x1x21x96xi32, #tpu.memory_space<hbm>>
    %dma_start3A_7 = tpu.memref_squeeze %dma_start3A_6 : memref<1x1x1x21x96xi32, #tpu.memory_space<hbm>> -> memref<21x96xi32, #tpu.memory_space<hbm>>
    %dma_start3A_8 = arith.constant 0 : i32
    %dma_start3A_9 = arith.constant 0 : i32
    %dma_start3A_10 = tpu.memref_slice %arg3[%arg0, %arg1, %dma_start3A, %dma_start3A_8, %dma_start3A_9] : memref<2x16x5x21x96xi32, #tpu.memory_space<hbm>> -> memref<1x1x1x21x96xi32, #tpu.memory_space<hbm>>
    %dma_start3A_11 = tpu.memref_squeeze %dma_start3A_10 : memref<1x1x1x21x96xi32, #tpu.memory_space<hbm>> -> memref<21x96xi32, #tpu.memory_space<hbm>>
    tpu.enqueue_dma source(%dma_start3A_11 : memref<21x96xi32, #tpu.memory_space<hbm>>) target(%arg10 : memref<21x96xi32, #tpu.memory_space<vmem>>) target_semaphore(%arg18 : memref<!tpu.dma_semaphore, #tpu.memory_space<semaphore_mem>>)
    %dma_start3A_12 = arith.constant 1 : i32
    %dma_start3A_13 = arith.constant 0 : i32
    %dma_start3A_14 = arith.constant 0 : i32
    %dma_start3A_15 = tpu.memref_slice %arg4[%arg0, %arg1, %dma_start3A_12, %dma_start3A_13, %dma_start3A_14] : memref<2x16x5x21x96xi32, #tpu.memory_space<hbm>> -> memref<1x1x1x21x96xi32, #tpu.memory_space<hbm>>
    %dma_start3A_16 = tpu.memref_squeeze %dma_start3A_15 : memref<1x1x1x21x96xi32, #tpu.memory_space<hbm>> -> memref<21x96xi32, #tpu.memory_space<hbm>>
    %dma_start3A_17 = arith.constant 0 : i32
    %dma_start3A_18 = arith.constant 0 : i32
    %dma_start3A_19 = tpu.memref_slice %arg4[%arg0, %arg1, %dma_start3A_12, %dma_start3A_17, %dma_start3A_18] : memref<2x16x5x21x96xi32, #tpu.memory_space<hbm>> -> memref<1x1x1x21x96xi32, #tpu.memory_space<hbm>>
    %dma_start3A_20 = tpu.memref_squeeze %dma_start3A_19 : memref<1x1x1x21x96xi32, #tpu.memory_space<hbm>> -> memref<21x96xi32, #tpu.memory_space<hbm>>
    tpu.enqueue_dma source(%dma_start3A_20 : memref<21x96xi32, #tpu.memory_space<hbm>>) target(%arg11 : memref<21x96xi32, #tpu.memory_space<vmem>>) target_semaphore(%arg19 : memref<!tpu.dma_semaphore, #tpu.memory_space<semaphore_mem>>)
    %dma_start3A_21 = arith.constant 0 : i32
    %dma_start3A_22 = arith.constant 0 : i32
    %dma_start3A_23 = tpu.memref_slice %arg8[%dma_start3A_21, %dma_start3A_22] : memref<21x96xi32, #tpu.memory_space<vmem>> -> memref<1x96xi32, #tpu.memory_space<vmem>>
    %dma_start3A_24 = tpu.memref_squeeze %dma_start3A_23 : memref<1x96xi32, #tpu.memory_space<vmem>> -> memref<96xi32, #tpu.memory_space<vmem>>
    %dma_start3A_25 = arith.constant 0 : i32
    %dma_start3A_26 = arith.constant 0 : i32
    %dma_start3A_27 = tpu.memref_slice %arg2[%dma_start3A_25, %dma_start3A_26] : memref<10000x128xf32, #tpu.memory_space<hbm>> -> memref<10000x128xf32, #tpu.memory_space<hbm>>
    tpu.enqueue_indirect_dma source(%dma_start3A_27 : memref<10000x128xf32, #tpu.memory_space<hbm>>) target(%arg12 : memref<96x128xf32, #tpu.memory_space<vmem>>) offsets(%dma_start3A_24 : memref<96xi32, #tpu.memory_space<vmem>>) semaphore(%arg15 : memref<!tpu.dma_semaphore, #tpu.memory_space<semaphore_mem>>)
    %dma_start3A_28 = arith.constant 1 : i32
    %dma_start3A_29 = arith.constant 0 : i32
    %dma_start3A_30 = tpu.memref_slice %arg8[%dma_start3A_28, %dma_start3A_29] : memref<21x96xi32, #tpu.memory_space<vmem>> -> memref<1x96xi32, #tpu.memory_space<vmem>>
    %dma_start3A_31 = tpu.memref_squeeze %dma_start3A_30 : memref<1x96xi32, #tpu.memory_space<vmem>> -> memref<96xi32, #tpu.memory_space<vmem>>
    %dma_start3A_32 = arith.constant 0 : i32
    %dma_start3A_33 = arith.constant 0 : i32
    %dma_start3A_34 = tpu.memref_slice %arg2[%dma_start3A_32, %dma_start3A_33] : memref<10000x128xf32, #tpu.memory_space<hbm>> -> memref<10000x128xf32, #tpu.memory_space<hbm>>
    tpu.enqueue_indirect_dma source(%dma_start3A_34 : memref<10000x128xf32, #tpu.memory_space<hbm>>) target(%arg13 : memref<96x128xf32, #tpu.memory_space<vmem>>) offsets(%dma_start3A_31 : memref<96xi32, #tpu.memory_space<vmem>>) semaphore(%arg16 : memref<!tpu.dma_semaphore, #tpu.memory_space<semaphore_mem>>)
    %dma_start3A_35 = arith.constant 2 : i32
    %dma_start3A_36 = arith.constant 0 : i32
    %dma_start3A_37 = tpu.memref_slice %arg8[%dma_start3A_35, %dma_start3A_36] : memref<21x96xi32, #tpu.memory_space<vmem>> -> memref<1x96xi32, #tpu.memory_space<vmem>>
    %dma_start3A_38 = tpu.memref_squeeze %dma_start3A_37 : memref<1x96xi32, #tpu.memory_space<vmem>> -> memref<96xi32, #tpu.memory_space<vmem>>
    %dma_start3A_39 = arith.constant 0 : i32
    %dma_start3A_40 = arith.constant 0 : i32
    %dma_start3A_41 = tpu.memref_slice %arg2[%dma_start3A_39, %dma_start3A_40] : memref<10000x128xf32, #tpu.memory_space<hbm>> -> memref<10000x128xf32, #tpu.memory_space<hbm>>
    tpu.enqueue_indirect_dma source(%dma_start3A_41 : memref<10000x128xf32, #tpu.memory_space<hbm>>) target(%arg14 : memref<96x128xf32, #tpu.memory_space<vmem>>) offsets(%dma_start3A_38 : memref<96xi32, #tpu.memory_space<vmem>>) semaphore(%arg17 : memref<!tpu.dma_semaphore, #tpu.memory_space<semaphore_mem>>)
    %scan3A = arith.constant 0 : i32
    %scan3A_42 = arith.constant 0 : i32
    %scan3A_43 = arith.constant 7 : i32
    %scan3A_44 = arith.addi %scan3A_42, %scan3A_43 : i32
    %scan3A_45 = arith.constant 1 : i32
    scf.for %scan3A_285 = %scan3A_42 to %scan3A_44 step %scan3A_45  : i32 {
      %mul3A_286 = arith.constant 3 : i32
      %mul3A_287 = arith.muli %mul3A_286, %scan3A_285 : i32
      %dma_wait3A_288 = arith.constant 0 : i32
      %dma_wait3A_289 = arith.constant 0 : i32
      %dma_wait3A_290 = tpu.memref_slice %arg8[%dma_wait3A_288, %dma_wait3A_289] : memref<21x96xi32, #tpu.memory_space<vmem>> -> memref<1x96xi32, #tpu.memory_space<vmem>>
      %dma_wait3A_291 = tpu.memref_squeeze %dma_wait3A_290 : memref<1x96xi32, #tpu.memory_space<vmem>> -> memref<96xi32, #tpu.memory_space<vmem>>
      %dma_wait3A_292 = arith.constant 0 : i32
      %dma_wait3A_293 = arith.constant 0 : i32
      %dma_wait3A_294 = tpu.memref_slice %arg2[%dma_wait3A_292, %dma_wait3A_293] : memref<10000x128xf32, #tpu.memory_space<hbm>> -> memref<10000x128xf32, #tpu.memory_space<hbm>>
      tpu.wait_indirect_dma semaphore(%arg15 : memref<!tpu.dma_semaphore, #tpu.memory_space<semaphore_mem>>) src(%dma_wait3A_294 : memref<10000x128xf32, #tpu.memory_space<hbm>>) dst(%arg12 : memref<96x128xf32, #tpu.memory_space<vmem>>)
      %add3A = arith.constant 0 : i32
      %add3A_295 = arith.addi %mul3A_287, %add3A : i32
      "tpu.region"() ({
        %run_scoped3A_338 = tpu.sem_alloc : memref<!tpu.dma_semaphore, #tpu.memory_space<semaphore_mem>>
        %dma_start3A_339 = arith.constant 0 : i32
        %dma_start3A_340 = tpu.memref_slice %arg9[%add3A_295, %dma_start3A_339] : memref<21x96xi32, #tpu.memory_space<vmem>> -> memref<1x96xi32, #tpu.memory_space<vmem>>
        %dma_start3A_341 = tpu.memref_squeeze %dma_start3A_340 : memref<1x96xi32, #tpu.memory_space<vmem>> -> memref<96xi32, #tpu.memory_space<vmem>>
        %dma_start3A_342 = arith.constant 0 : i32
        %dma_start3A_343 = arith.constant 0 : i32
        %dma_start3A_344 = tpu.memref_slice %arg7[%dma_start3A_342, %dma_start3A_343] : memref<10112x128xf32, #tpu.memory_space<vmem_shared>> -> memref<10112x128xf32, #tpu.memory_space<vmem_shared>>
        tpu.enqueue_indirect_dma source(%arg12 : memref<96x128xf32, #tpu.memory_space<vmem>>) target(%dma_start3A_344 : memref<10112x128xf32, #tpu.memory_space<vmem_shared>>) offsets(%dma_start3A_341 : memref<96xi32, #tpu.memory_space<vmem>>) semaphore(%run_scoped3A_338 : memref<!tpu.dma_semaphore, #tpu.memory_space<semaphore_mem>>) {add = true}
        %dma_wait3A_345 = arith.constant 0 : i32
        %dma_wait3A_346 = tpu.memref_slice %arg9[%add3A_295, %dma_wait3A_345] : memref<21x96xi32, #tpu.memory_space<vmem>> -> memref<1x96xi32, #tpu.memory_space<vmem>>
        %dma_wait3A_347 = tpu.memref_squeeze %dma_wait3A_346 : memref<1x96xi32, #tpu.memory_space<vmem>> -> memref<96xi32, #tpu.memory_space<vmem>>
        %dma_wait3A_348 = arith.constant 0 : i32
        %dma_wait3A_349 = arith.constant 0 : i32
        %dma_wait3A_350 = tpu.memref_slice %arg7[%dma_wait3A_348, %dma_wait3A_349] : memref<10112x128xf32, #tpu.memory_space<vmem_shared>> -> memref<10112x128xf32, #tpu.memory_space<vmem_shared>>
        tpu.wait_indirect_dma semaphore(%run_scoped3A_338 : memref<!tpu.dma_semaphore, #tpu.memory_space<semaphore_mem>>) src(%arg12 : memref<96x128xf32, #tpu.memory_space<vmem>>) dst(%dma_wait3A_350 : memref<10112x128xf32, #tpu.memory_space<vmem_shared>>)
        tpu.yield
      }) : () -> ()
      %add3A_296 = arith.constant 0 : i32
      %add3A_297 = arith.addi %mul3A_287, %add3A_296 : i32
      %add3A_298 = arith.constant 3 : i32
      %add3A_299 = arith.addi %add3A_297, %add3A_298 : i32
      %lt3A = arith.constant 21 : i32
      %lt3A_300 = arith.cmpi slt, %add3A_299, %lt3A : i32
      %convert_element_type3A = arith.extui %lt3A_300 : i1 to i32
      %cond3A = arith.constant 0 : i32
      %cond3A_301 = arith.cmpi ne, %convert_element_type3A, %cond3A : i32
      scf.if %cond3A_301 {
        %add3A_338 = arith.constant 0 : i32
        %add3A_339 = arith.addi %mul3A_287, %add3A_338 : i32
        %add3A_340 = arith.constant 3 : i32
        %add3A_341 = arith.addi %add3A_339, %add3A_340 : i32
        %dma_start3A_342 = arith.constant 0 : i32
        %dma_start3A_343 = tpu.memref_slice %arg8[%add3A_341, %dma_start3A_342] : memref<21x96xi32, #tpu.memory_space<vmem>> -> memref<1x96xi32, #tpu.memory_space<vmem>>
        %dma_start3A_344 = tpu.memref_squeeze %dma_start3A_343 : memref<1x96xi32, #tpu.memory_space<vmem>> -> memref<96xi32, #tpu.memory_space<vmem>>
        %dma_start3A_345 = arith.constant 0 : i32
        %dma_start3A_346 = arith.constant 0 : i32
        %dma_start3A_347 = tpu.memref_slice %arg2[%dma_start3A_345, %dma_start3A_346] : memref<10000x128xf32, #tpu.memory_space<hbm>> -> memref<10000x128xf32, #tpu.memory_space<hbm>>
        tpu.enqueue_indirect_dma source(%dma_start3A_347 : memref<10000x128xf32, #tpu.memory_space<hbm>>) target(%arg12 : memref<96x128xf32, #tpu.memory_space<vmem>>) offsets(%dma_start3A_344 : memref<96xi32, #tpu.memory_space<vmem>>) semaphore(%arg15 : memref<!tpu.dma_semaphore, #tpu.memory_space<semaphore_mem>>)
      } else {
      }
      %dma_wait3A_302 = arith.constant 0 : i32
      %dma_wait3A_303 = arith.constant 0 : i32
      %dma_wait3A_304 = tpu.memref_slice %arg8[%dma_wait3A_302, %dma_wait3A_303] : memref<21x96xi32, #tpu.memory_space<vmem>> -> memref<1x96xi32, #tpu.memory_space<vmem>>
      %dma_wait3A_305 = tpu.memref_squeeze %dma_wait3A_304 : memref<1x96xi32, #tpu.memory_space<vmem>> -> memref<96xi32, #tpu.memory_space<vmem>>
      %dma_wait3A_306 = arith.constant 0 : i32
      %dma_wait3A_307 = arith.constant 0 : i32
      %dma_wait3A_308 = tpu.memref_slice %arg2[%dma_wait3A_306, %dma_wait3A_307] : memref<10000x128xf32, #tpu.memory_space<hbm>> -> memref<10000x128xf32, #tpu.memory_space<hbm>>
      tpu.wait_indirect_dma semaphore(%arg16 : memref<!tpu.dma_semaphore, #tpu.memory_space<semaphore_mem>>) src(%dma_wait3A_308 : memref<10000x128xf32, #tpu.memory_space<hbm>>) dst(%arg13 : memref<96x128xf32, #tpu.memory_space<vmem>>)
      %add3A_309 = arith.constant 1 : i32
      %add3A_310 = arith.addi %mul3A_287, %add3A_309 : i32
      "tpu.region"() ({
        %run_scoped3A_338 = tpu.sem_alloc : memref<!tpu.dma_semaphore, #tpu.memory_space<semaphore_mem>>
        %dma_start3A_339 = arith.constant 0 : i32
        %dma_start3A_340 = tpu.memref_slice %arg9[%add3A_310, %dma_start3A_339] : memref<21x96xi32, #tpu.memory_space<vmem>> -> memref<1x96xi32, #tpu.memory_space<vmem>>
        %dma_start3A_341 = tpu.memref_squeeze %dma_start3A_340 : memref<1x96xi32, #tpu.memory_space<vmem>> -> memref<96xi32, #tpu.memory_space<vmem>>
        %dma_start3A_342 = arith.constant 0 : i32
        %dma_start3A_343 = arith.constant 0 : i32
        %dma_start3A_344 = tpu.memref_slice %arg7[%dma_start3A_342, %dma_start3A_343] : memref<10112x128xf32, #tpu.memory_space<vmem_shared>> -> memref<10112x128xf32, #tpu.memory_space<vmem_shared>>
        tpu.enqueue_indirect_dma source(%arg13 : memref<96x128xf32, #tpu.memory_space<vmem>>) target(%dma_start3A_344 : memref<10112x128xf32, #tpu.memory_space<vmem_shared>>) offsets(%dma_start3A_341 : memref<96xi32, #tpu.memory_space<vmem>>) semaphore(%run_scoped3A_338 : memref<!tpu.dma_semaphore, #tpu.memory_space<semaphore_mem>>) {add = true}
        %dma_wait3A_345 = arith.constant 0 : i32
        %dma_wait3A_346 = tpu.memref_slice %arg9[%add3A_310, %dma_wait3A_345] : memref<21x96xi32, #tpu.memory_space<vmem>> -> memref<1x96xi32, #tpu.memory_space<vmem>>
        %dma_wait3A_347 = tpu.memref_squeeze %dma_wait3A_346 : memref<1x96xi32, #tpu.memory_space<vmem>> -> memref<96xi32, #tpu.memory_space<vmem>>
        %dma_wait3A_348 = arith.constant 0 : i32
        %dma_wait3A_349 = arith.constant 0 : i32
        %dma_wait3A_350 = tpu.memref_slice %arg7[%dma_wait3A_348, %dma_wait3A_349] : memref<10112x128xf32, #tpu.memory_space<vmem_shared>> -> memref<10112x128xf32, #tpu.memory_space<vmem_shared>>
        tpu.wait_indirect_dma semaphore(%run_scoped3A_338 : memref<!tpu.dma_semaphore, #tpu.memory_space<semaphore_mem>>) src(%arg13 : memref<96x128xf32, #tpu.memory_space<vmem>>) dst(%dma_wait3A_350 : memref<10112x128xf32, #tpu.memory_space<vmem_shared>>)
        tpu.yield
      }) : () -> ()
      %add3A_311 = arith.constant 1 : i32
      %add3A_312 = arith.addi %mul3A_287, %add3A_311 : i32
      %add3A_313 = arith.constant 3 : i32
      %add3A_314 = arith.addi %add3A_312, %add3A_313 : i32
      %lt3A_315 = arith.constant 21 : i32
      %lt3A_316 = arith.cmpi slt, %add3A_314, %lt3A_315 : i32
      %convert_element_type3A_317 = arith.extui %lt3A_316 : i1 to i32
      %cond3A_318 = arith.constant 0 : i32
      %cond3A_319 = arith.cmpi ne, %convert_element_type3A_317, %cond3A_318 : i32
      scf.if %cond3A_319 {
        %add3A_338 = arith.constant 1 : i32
        %add3A_339 = arith.addi %mul3A_287, %add3A_338 : i32
        %add3A_340 = arith.constant 3 : i32
        %add3A_341 = arith.addi %add3A_339, %add3A_340 : i32
        %dma_start3A_342 = arith.constant 0 : i32
        %dma_start3A_343 = tpu.memref_slice %arg8[%add3A_341, %dma_start3A_342] : memref<21x96xi32, #tpu.memory_space<vmem>> -> memref<1x96xi32, #tpu.memory_space<vmem>>
        %dma_start3A_344 = tpu.memref_squeeze %dma_start3A_343 : memref<1x96xi32, #tpu.memory_space<vmem>> -> memref<96xi32, #tpu.memory_space<vmem>>
        %dma_start3A_345 = arith.constant 0 : i32
        %dma_start3A_346 = arith.constant 0 : i32
        %dma_start3A_347 = tpu.memref_slice %arg2[%dma_start3A_345, %dma_start3A_346] : memref<10000x128xf32, #tpu.memory_space<hbm>> -> memref<10000x128xf32, #tpu.memory_space<hbm>>
        tpu.enqueue_indirect_dma source(%dma_start3A_347 : memref<10000x128xf32, #tpu.memory_space<hbm>>) target(%arg13 : memref<96x128xf32, #tpu.memory_space<vmem>>) offsets(%dma_start3A_344 : memref<96xi32, #tpu.memory_space<vmem>>) semaphore(%arg16 : memref<!tpu.dma_semaphore, #tpu.memory_space<semaphore_mem>>)
      } else {
      }
      %dma_wait3A_320 = arith.constant 0 : i32
      %dma_wait3A_321 = arith.constant 0 : i32
      %dma_wait3A_322 = tpu.memref_slice %arg8[%dma_wait3A_320, %dma_wait3A_321] : memref<21x96xi32, #tpu.memory_space<vmem>> -> memref<1x96xi32, #tpu.memory_space<vmem>>
      %dma_wait3A_323 = tpu.memref_squeeze %dma_wait3A_322 : memref<1x96xi32, #tpu.memory_space<vmem>> -> memref<96xi32, #tpu.memory_space<vmem>>
      %dma_wait3A_324 = arith.constant 0 : i32
      %dma_wait3A_325 = arith.constant 0 : i32
      %dma_wait3A_326 = tpu.memref_slice %arg2[%dma_wait3A_324, %dma_wait3A_325] : memref<10000x128xf32, #tpu.memory_space<hbm>> -> memref<10000x128xf32, #tpu.memory_space<hbm>>
      tpu.wait_indirect_dma semaphore(%arg17 : memref<!tpu.dma_semaphore, #tpu.memory_space<semaphore_mem>>) src(%dma_wait3A_326 : memref<10000x128xf32, #tpu.memory_space<hbm>>) dst(%arg14 : memref<96x128xf32, #tpu.memory_space<vmem>>)
      %add3A_327 = arith.constant 2 : i32
      %add3A_328 = arith.addi %mul3A_287, %add3A_327 : i32
      "tpu.region"() ({
        %run_scoped3A_338 = tpu.sem_alloc : memref<!tpu.dma_semaphore, #tpu.memory_space<semaphore_mem>>
        %dma_start3A_339 = arith.constant 0 : i32
        %dma_start3A_340 = tpu.memref_slice %arg9[%add3A_328, %dma_start3A_339] : memref<21x96xi32, #tpu.memory_space<vmem>> -> memref<1x96xi32, #tpu.memory_space<vmem>>
        %dma_start3A_341 = tpu.memref_squeeze %dma_start3A_340 : memref<1x96xi32, #tpu.memory_space<vmem>> -> memref<96xi32, #tpu.memory_space<vmem>>
        %dma_start3A_342 = arith.constant 0 : i32
        %dma_start3A_343 = arith.constant 0 : i32
        %dma_start3A_344 = tpu.memref_slice %arg7[%dma_start3A_342, %dma_start3A_343] : memref<10112x128xf32, #tpu.memory_space<vmem_shared>> -> memref<10112x128xf32, #tpu.memory_space<vmem_shared>>
        tpu.enqueue_indirect_dma source(%arg14 : memref<96x128xf32, #tpu.memory_space<vmem>>) target(%dma_start3A_344 : memref<10112x128xf32, #tpu.memory_space<vmem_shared>>) offsets(%dma_start3A_341 : memref<96xi32, #tpu.memory_space<vmem>>) semaphore(%run_scoped3A_338 : memref<!tpu.dma_semaphore, #tpu.memory_space<semaphore_mem>>) {add = true}
        %dma_wait3A_345 = arith.constant 0 : i32
        %dma_wait3A_346 = tpu.memref_slice %arg9[%add3A_328, %dma_wait3A_345] : memref<21x96xi32, #tpu.memory_space<vmem>> -> memref<1x96xi32, #tpu.memory_space<vmem>>
        %dma_wait3A_347 = tpu.memref_squeeze %dma_wait3A_346 : memref<1x96xi32, #tpu.memory_space<vmem>> -> memref<96xi32, #tpu.memory_space<vmem>>
        %dma_wait3A_348 = arith.constant 0 : i32
        %dma_wait3A_349 = arith.constant 0 : i32
        %dma_wait3A_350 = tpu.memref_slice %arg7[%dma_wait3A_348, %dma_wait3A_349] : memref<10112x128xf32, #tpu.memory_space<vmem_shared>> -> memref<10112x128xf32, #tpu.memory_space<vmem_shared>>
        tpu.wait_indirect_dma semaphore(%run_scoped3A_338 : memref<!tpu.dma_semaphore, #tpu.memory_space<semaphore_mem>>) src(%arg14 : memref<96x128xf32, #tpu.memory_space<vmem>>) dst(%dma_wait3A_350 : memref<10112x128xf32, #tpu.memory_space<vmem_shared>>)
        tpu.yield
      }) : () -> ()
      %add3A_329 = arith.constant 2 : i32
      %add3A_330 = arith.addi %mul3A_287, %add3A_329 : i32
      %add3A_331 = arith.constant 3 : i32
      %add3A_332 = arith.addi %add3A_330, %add3A_331 : i32
      %lt3A_333 = arith.constant 21 : i32
      %lt3A_334 = arith.cmpi slt, %add3A_332, %lt3A_333 : i32
      %convert_element_type3A_335 = arith.extui %lt3A_334 : i1 to i32
      %cond3A_336 = arith.constant 0 : i32
      %cond3A_337 = arith.cmpi ne, %convert_element_type3A_335, %cond3A_336 : i32
      scf.if %cond3A_337 {
        %add3A_338 = arith.constant 2 : i32
        %add3A_339 = arith.addi %mul3A_287, %add3A_338 : i32
        %add3A_340 = arith.constant 3 : i32
        %add3A_341 = arith.addi %add3A_339, %add3A_340 : i32
        %dma_start3A_342 = arith.constant 0 : i32
        %dma_start3A_343 = tpu.memref_slice %arg8[%add3A_341, %dma_start3A_342] : memref<21x96xi32, #tpu.memory_space<vmem>> -> memref<1x96xi32, #tpu.memory_space<vmem>>
        %dma_start3A_344 = tpu.memref_squeeze %dma_start3A_343 : memref<1x96xi32, #tpu.memory_space<vmem>> -> memref<96xi32, #tpu.memory_space<vmem>>
        %dma_start3A_345 = arith.constant 0 : i32
        %dma_start3A_346 = arith.constant 0 : i32
        %dma_start3A_347 = tpu.memref_slice %arg2[%dma_start3A_345, %dma_start3A_346] : memref<10000x128xf32, #tpu.memory_space<hbm>> -> memref<10000x128xf32, #tpu.memory_space<hbm>>
        tpu.enqueue_indirect_dma source(%dma_start3A_347 : memref<10000x128xf32, #tpu.memory_space<hbm>>) target(%arg14 : memref<96x128xf32, #tpu.memory_space<vmem>>) offsets(%dma_start3A_344 : memref<96xi32, #tpu.memory_space<vmem>>) semaphore(%arg17 : memref<!tpu.dma_semaphore, #tpu.memory_space<semaphore_mem>>)
      } else {
      }
    }
    %scan3A_46 = arith.constant 7 : i32
    %dma_wait3A = arith.constant 0 : i32
    %dma_wait3A_47 = arith.constant 0 : i32
    %dma_wait3A_48 = arith.constant 0 : i32
    %dma_wait3A_49 = tpu.memref_slice %arg3[%arg0, %arg1, %dma_wait3A, %dma_wait3A_47, %dma_wait3A_48] : memref<2x16x5x21x96xi32, #tpu.memory_space<hbm>> -> memref<1x1x1x21x96xi32, #tpu.memory_space<hbm>>
    %dma_wait3A_50 = tpu.memref_squeeze %dma_wait3A_49 : memref<1x1x1x21x96xi32, #tpu.memory_space<hbm>> -> memref<21x96xi32, #tpu.memory_space<hbm>>
    %dma_wait3A_51 = arith.constant 0 : i32
    %dma_wait3A_52 = arith.constant 0 : i32
    %dma_wait3A_53 = tpu.memref_slice %arg3[%arg0, %arg1, %dma_wait3A, %dma_wait3A_51, %dma_wait3A_52] : memref<2x16x5x21x96xi32, #tpu.memory_space<hbm>> -> memref<1x1x1x21x96xi32, #tpu.memory_space<hbm>>
    %dma_wait3A_54 = tpu.memref_squeeze %dma_wait3A_53 : memref<1x1x1x21x96xi32, #tpu.memory_space<hbm>> -> memref<21x96xi32, #tpu.memory_space<hbm>>
    tpu.wait_dma2 semaphore(%arg18 : memref<!tpu.dma_semaphore, #tpu.memory_space<semaphore_mem>>) src(%dma_wait3A_54 : memref<21x96xi32, #tpu.memory_space<hbm>>) dst(%arg10 : memref<21x96xi32, #tpu.memory_space<vmem>>)
    %dma_wait3A_55 = arith.constant 0 : i32
    %dma_wait3A_56 = arith.constant 0 : i32
    %dma_wait3A_57 = arith.constant 0 : i32
    %dma_wait3A_58 = tpu.memref_slice %arg3[%arg0, %arg1, %dma_wait3A_55, %dma_wait3A_56, %dma_wait3A_57] : memref<2x16x5x21x96xi32, #tpu.memory_space<hbm>> -> memref<1x1x1x21x96xi32, #tpu.memory_space<hbm>>
    %dma_wait3A_59 = tpu.memref_squeeze %dma_wait3A_58 : memref<1x1x1x21x96xi32, #tpu.memory_space<hbm>> -> memref<21x96xi32, #tpu.memory_space<hbm>>
    %dma_wait3A_60 = arith.constant 0 : i32
    %dma_wait3A_61 = arith.constant 0 : i32
    %dma_wait3A_62 = tpu.memref_slice %arg3[%arg0, %arg1, %dma_wait3A_55, %dma_wait3A_60, %dma_wait3A_61] : memref<2x16x5x21x96xi32, #tpu.memory_space<hbm>> -> memref<1x1x1x21x96xi32, #tpu.memory_space<hbm>>
    %dma_wait3A_63 = tpu.memref_squeeze %dma_wait3A_62 : memref<1x1x1x21x96xi32, #tpu.memory_space<hbm>> -> memref<21x96xi32, #tpu.memory_space<hbm>>
    tpu.wait_dma2 semaphore(%arg19 : memref<!tpu.dma_semaphore, #tpu.memory_space<semaphore_mem>>) src(%dma_wait3A_63 : memref<21x96xi32, #tpu.memory_space<hbm>>) dst(%arg11 : memref<21x96xi32, #tpu.memory_space<vmem>>)
    %dma_start3A_64 = arith.constant 2 : i32
    %dma_start3A_65 = arith.constant 0 : i32
    %dma_start3A_66 = arith.constant 0 : i32
    %dma_start3A_67 = tpu.memref_slice %arg3[%arg0, %arg1, %dma_start3A_64, %dma_start3A_65, %dma_start3A_66] : memref<2x16x5x21x96xi32, #tpu.memory_space<hbm>> -> memref<1x1x1x21x96xi32, #tpu.memory_space<hbm>>
    %dma_start3A_68 = tpu.memref_squeeze %dma_start3A_67 : memref<1x1x1x21x96xi32, #tpu.memory_space<hbm>> -> memref<21x96xi32, #tpu.memory_space<hbm>>
    %dma_start3A_69 = arith.constant 0 : i32
    %dma_start3A_70 = arith.constant 0 : i32
    %dma_start3A_71 = tpu.memref_slice %arg3[%arg0, %arg1, %dma_start3A_64, %dma_start3A_69, %dma_start3A_70] : memref<2x16x5x21x96xi32, #tpu.memory_space<hbm>> -> memref<1x1x1x21x96xi32, #tpu.memory_space<hbm>>
    %dma_start3A_72 = tpu.memref_squeeze %dma_start3A_71 : memref<1x1x1x21x96xi32, #tpu.memory_space<hbm>> -> memref<21x96xi32, #tpu.memory_space<hbm>>
    tpu.enqueue_dma source(%dma_start3A_72 : memref<21x96xi32, #tpu.memory_space<hbm>>) target(%arg8 : memref<21x96xi32, #tpu.memory_space<vmem>>) target_semaphore(%arg18 : memref<!tpu.dma_semaphore, #tpu.memory_space<semaphore_mem>>)
    %dma_start3A_73 = arith.constant 2 : i32
    %dma_start3A_74 = arith.constant 0 : i32
    %dma_start3A_75 = arith.constant 0 : i32
    %dma_start3A_76 = tpu.memref_slice %arg4[%arg0, %arg1, %dma_start3A_73, %dma_start3A_74, %dma_start3A_75] : memref<2x16x5x21x96xi32, #tpu.memory_space<hbm>> -> memref<1x1x1x21x96xi32, #tpu.memory_space<hbm>>
    %dma_start3A_77 = tpu.memref_squeeze %dma_start3A_76 : memref<1x1x1x21x96xi32, #tpu.memory_space<hbm>> -> memref<21x96xi32, #tpu.memory_space<hbm>>
    %dma_start3A_78 = arith.constant 0 : i32
    %dma_start3A_79 = arith.constant 0 : i32
    %dma_start3A_80 = tpu.memref_slice %arg4[%arg0, %arg1, %dma_start3A_73, %dma_start3A_78, %dma_start3A_79] : memref<2x16x5x21x96xi32, #tpu.memory_space<hbm>> -> memref<1x1x1x21x96xi32, #tpu.memory_space<hbm>>
    %dma_start3A_81 = tpu.memref_squeeze %dma_start3A_80 : memref<1x1x1x21x96xi32, #tpu.memory_space<hbm>> -> memref<21x96xi32, #tpu.memory_space<hbm>>
    tpu.enqueue_dma source(%dma_start3A_81 : memref<21x96xi32, #tpu.memory_space<hbm>>) target(%arg9 : memref<21x96xi32, #tpu.memory_space<vmem>>) target_semaphore(%arg19 : memref<!tpu.dma_semaphore, #tpu.memory_space<semaphore_mem>>)
    %dma_start3A_82 = arith.constant 0 : i32
    %dma_start3A_83 = arith.constant 0 : i32
    %dma_start3A_84 = tpu.memref_slice %arg10[%dma_start3A_82, %dma_start3A_83] : memref<21x96xi32, #tpu.memory_space<vmem>> -> memref<1x96xi32, #tpu.memory_space<vmem>>
    %dma_start3A_85 = tpu.memref_squeeze %dma_start3A_84 : memref<1x96xi32, #tpu.memory_space<vmem>> -> memref<96xi32, #tpu.memory_space<vmem>>
    %dma_start3A_86 = arith.constant 0 : i32
    %dma_start3A_87 = arith.constant 0 : i32
    %dma_start3A_88 = tpu.memref_slice %arg2[%dma_start3A_86, %dma_start3A_87] : memref<10000x128xf32, #tpu.memory_space<hbm>> -> memref<10000x128xf32, #tpu.memory_space<hbm>>
    tpu.enqueue_indirect_dma source(%dma_start3A_88 : memref<10000x128xf32, #tpu.memory_space<hbm>>) target(%arg12 : memref<96x128xf32, #tpu.memory_space<vmem>>) offsets(%dma_start3A_85 : memref<96xi32, #tpu.memory_space<vmem>>) semaphore(%arg15 : memref<!tpu.dma_semaphore, #tpu.memory_space<semaphore_mem>>)
    %dma_start3A_89 = arith.constant 1 : i32
    %dma_start3A_90 = arith.constant 0 : i32
    %dma_start3A_91 = tpu.memref_slice %arg10[%dma_start3A_89, %dma_start3A_90] : memref<21x96xi32, #tpu.memory_space<vmem>> -> memref<1x96xi32, #tpu.memory_space<vmem>>
    %dma_start3A_92 = tpu.memref_squeeze %dma_start3A_91 : memref<1x96xi32, #tpu.memory_space<vmem>> -> memref<96xi32, #tpu.memory_space<vmem>>
    %dma_start3A_93 = arith.constant 0 : i32
    %dma_start3A_94 = arith.constant 0 : i32
    %dma_start3A_95 = tpu.memref_slice %arg2[%dma_start3A_93, %dma_start3A_94] : memref<10000x128xf32, #tpu.memory_space<hbm>> -> memref<10000x128xf32, #tpu.memory_space<hbm>>
    tpu.enqueue_indirect_dma source(%dma_start3A_95 : memref<10000x128xf32, #tpu.memory_space<hbm>>) target(%arg13 : memref<96x128xf32, #tpu.memory_space<vmem>>) offsets(%dma_start3A_92 : memref<96xi32, #tpu.memory_space<vmem>>) semaphore(%arg16 : memref<!tpu.dma_semaphore, #tpu.memory_space<semaphore_mem>>)
    %dma_start3A_96 = arith.constant 2 : i32
    %dma_start3A_97 = arith.constant 0 : i32
    %dma_start3A_98 = tpu.memref_slice %arg10[%dma_start3A_96, %dma_start3A_97] : memref<21x96xi32, #tpu.memory_space<vmem>> -> memref<1x96xi32, #tpu.memory_space<vmem>>
    %dma_start3A_99 = tpu.memref_squeeze %dma_start3A_98 : memref<1x96xi32, #tpu.memory_space<vmem>> -> memref<96xi32, #tpu.memory_space<vmem>>
    %dma_start3A_100 = arith.constant 0 : i32
    %dma_start3A_101 = arith.constant 0 : i32
    %dma_start3A_102 = tpu.memref_slice %arg2[%dma_start3A_100, %dma_start3A_101] : memref<10000x128xf32, #tpu.memory_space<hbm>> -> memref<10000x128xf32, #tpu.memory_space<hbm>>
    tpu.enqueue_indirect_dma source(%dma_start3A_102 : memref<10000x128xf32, #tpu.memory_space<hbm>>) target(%arg14 : memref<96x128xf32, #tpu.memory_space<vmem>>) offsets(%dma_start3A_99 : memref<96xi32, #tpu.memory_space<vmem>>) semaphore(%arg17 : memref<!tpu.dma_semaphore, #tpu.memory_space<semaphore_mem>>)
    %scan3A_103 = arith.constant 0 : i32
    %scan3A_104 = arith.constant 0 : i32
    %scan3A_105 = arith.constant 7 : i32
    %scan3A_106 = arith.addi %scan3A_104, %scan3A_105 : i32
    %scan3A_107 = arith.constant 1 : i32
    scf.for %scan3A_285 = %scan3A_104 to %scan3A_106 step %scan3A_107  : i32 {
      %mul3A_286 = arith.constant 3 : i32
      %mul3A_287 = arith.muli %mul3A_286, %scan3A_285 : i32
      %dma_wait3A_288 = arith.constant 0 : i32
      %dma_wait3A_289 = arith.constant 0 : i32
      %dma_wait3A_290 = tpu.memref_slice %arg10[%dma_wait3A_288, %dma_wait3A_289] : memref<21x96xi32, #tpu.memory_space<vmem>> -> memref<1x96xi32, #tpu.memory_space<vmem>>
      %dma_wait3A_291 = tpu.memref_squeeze %dma_wait3A_290 : memref<1x96xi32, #tpu.memory_space<vmem>> -> memref<96xi32, #tpu.memory_space<vmem>>
      %dma_wait3A_292 = arith.constant 0 : i32
      %dma_wait3A_293 = arith.constant 0 : i32
      %dma_wait3A_294 = tpu.memref_slice %arg2[%dma_wait3A_292, %dma_wait3A_293] : memref<10000x128xf32, #tpu.memory_space<hbm>> -> memref<10000x128xf32, #tpu.memory_space<hbm>>
      tpu.wait_indirect_dma semaphore(%arg15 : memref<!tpu.dma_semaphore, #tpu.memory_space<semaphore_mem>>) src(%dma_wait3A_294 : memref<10000x128xf32, #tpu.memory_space<hbm>>) dst(%arg12 : memref<96x128xf32, #tpu.memory_space<vmem>>)
      %add3A = arith.constant 0 : i32
      %add3A_295 = arith.addi %mul3A_287, %add3A : i32
      "tpu.region"() ({
        %run_scoped3A_338 = tpu.sem_alloc : memref<!tpu.dma_semaphore, #tpu.memory_space<semaphore_mem>>
        %dma_start3A_339 = arith.constant 0 : i32
        %dma_start3A_340 = tpu.memref_slice %arg11[%add3A_295, %dma_start3A_339] : memref<21x96xi32, #tpu.memory_space<vmem>> -> memref<1x96xi32, #tpu.memory_space<vmem>>
        %dma_start3A_341 = tpu.memref_squeeze %dma_start3A_340 : memref<1x96xi32, #tpu.memory_space<vmem>> -> memref<96xi32, #tpu.memory_space<vmem>>
        %dma_start3A_342 = arith.constant 0 : i32
        %dma_start3A_343 = arith.constant 0 : i32
        %dma_start3A_344 = tpu.memref_slice %arg7[%dma_start3A_342, %dma_start3A_343] : memref<10112x128xf32, #tpu.memory_space<vmem_shared>> -> memref<10112x128xf32, #tpu.memory_space<vmem_shared>>
        tpu.enqueue_indirect_dma source(%arg12 : memref<96x128xf32, #tpu.memory_space<vmem>>) target(%dma_start3A_344 : memref<10112x128xf32, #tpu.memory_space<vmem_shared>>) offsets(%dma_start3A_341 : memref<96xi32, #tpu.memory_space<vmem>>) semaphore(%run_scoped3A_338 : memref<!tpu.dma_semaphore, #tpu.memory_space<semaphore_mem>>) {add = true}
        %dma_wait3A_345 = arith.constant 0 : i32
        %dma_wait3A_346 = tpu.memref_slice %arg11[%add3A_295, %dma_wait3A_345] : memref<21x96xi32, #tpu.memory_space<vmem>> -> memref<1x96xi32, #tpu.memory_space<vmem>>
        %dma_wait3A_347 = tpu.memref_squeeze %dma_wait3A_346 : memref<1x96xi32, #tpu.memory_space<vmem>> -> memref<96xi32, #tpu.memory_space<vmem>>
        %dma_wait3A_348 = arith.constant 0 : i32
        %dma_wait3A_349 = arith.constant 0 : i32
        %dma_wait3A_350 = tpu.memref_slice %arg7[%dma_wait3A_348, %dma_wait3A_349] : memref<10112x128xf32, #tpu.memory_space<vmem_shared>> -> memref<10112x128xf32, #tpu.memory_space<vmem_shared>>
        tpu.wait_indirect_dma semaphore(%run_scoped3A_338 : memref<!tpu.dma_semaphore, #tpu.memory_space<semaphore_mem>>) src(%arg12 : memref<96x128xf32, #tpu.memory_space<vmem>>) dst(%dma_wait3A_350 : memref<10112x128xf32, #tpu.memory_space<vmem_shared>>)
        tpu.yield
      }) : () -> ()
      %add3A_296 = arith.constant 0 : i32
      %add3A_297 = arith.addi %mul3A_287, %add3A_296 : i32
      %add3A_298 = arith.constant 3 : i32
      %add3A_299 = arith.addi %add3A_297, %add3A_298 : i32
      %lt3A = arith.constant 21 : i32
      %lt3A_300 = arith.cmpi slt, %add3A_299, %lt3A : i32
      %convert_element_type3A = arith.extui %lt3A_300 : i1 to i32
      %cond3A = arith.constant 0 : i32
      %cond3A_301 = arith.cmpi ne, %convert_element_type3A, %cond3A : i32
      scf.if %cond3A_301 {
        %add3A_338 = arith.constant 0 : i32
        %add3A_339 = arith.addi %mul3A_287, %add3A_338 : i32
        %add3A_340 = arith.constant 3 : i32
        %add3A_341 = arith.addi %add3A_339, %add3A_340 : i32
        %dma_start3A_342 = arith.constant 0 : i32
        %dma_start3A_343 = tpu.memref_slice %arg10[%add3A_341, %dma_start3A_342] : memref<21x96xi32, #tpu.memory_space<vmem>> -> memref<1x96xi32, #tpu.memory_space<vmem>>
        %dma_start3A_344 = tpu.memref_squeeze %dma_start3A_343 : memref<1x96xi32, #tpu.memory_space<vmem>> -> memref<96xi32, #tpu.memory_space<vmem>>
        %dma_start3A_345 = arith.constant 0 : i32
        %dma_start3A_346 = arith.constant 0 : i32
        %dma_start3A_347 = tpu.memref_slice %arg2[%dma_start3A_345, %dma_start3A_346] : memref<10000x128xf32, #tpu.memory_space<hbm>> -> memref<10000x128xf32, #tpu.memory_space<hbm>>
        tpu.enqueue_indirect_dma source(%dma_start3A_347 : memref<10000x128xf32, #tpu.memory_space<hbm>>) target(%arg12 : memref<96x128xf32, #tpu.memory_space<vmem>>) offsets(%dma_start3A_344 : memref<96xi32, #tpu.memory_space<vmem>>) semaphore(%arg15 : memref<!tpu.dma_semaphore, #tpu.memory_space<semaphore_mem>>)
      } else {
      }
      %dma_wait3A_302 = arith.constant 0 : i32
      %dma_wait3A_303 = arith.constant 0 : i32
      %dma_wait3A_304 = tpu.memref_slice %arg10[%dma_wait3A_302, %dma_wait3A_303] : memref<21x96xi32, #tpu.memory_space<vmem>> -> memref<1x96xi32, #tpu.memory_space<vmem>>
      %dma_wait3A_305 = tpu.memref_squeeze %dma_wait3A_304 : memref<1x96xi32, #tpu.memory_space<vmem>> -> memref<96xi32, #tpu.memory_space<vmem>>
      %dma_wait3A_306 = arith.constant 0 : i32
      %dma_wait3A_307 = arith.constant 0 : i32
      %dma_wait3A_308 = tpu.memref_slice %arg2[%dma_wait3A_306, %dma_wait3A_307] : memref<10000x128xf32, #tpu.memory_space<hbm>> -> memref<10000x128xf32, #tpu.memory_space<hbm>>
      tpu.wait_indirect_dma semaphore(%arg16 : memref<!tpu.dma_semaphore, #tpu.memory_space<semaphore_mem>>) src(%dma_wait3A_308 : memref<10000x128xf32, #tpu.memory_space<hbm>>) dst(%arg13 : memref<96x128xf32, #tpu.memory_space<vmem>>)
      %add3A_309 = arith.constant 1 : i32
      %add3A_310 = arith.addi %mul3A_287, %add3A_309 : i32
      "tpu.region"() ({
        %run_scoped3A_338 = tpu.sem_alloc : memref<!tpu.dma_semaphore, #tpu.memory_space<semaphore_mem>>
        %dma_start3A_339 = arith.constant 0 : i32
        %dma_start3A_340 = tpu.memref_slice %arg11[%add3A_310, %dma_start3A_339] : memref<21x96xi32, #tpu.memory_space<vmem>> -> memref<1x96xi32, #tpu.memory_space<vmem>>
        %dma_start3A_341 = tpu.memref_squeeze %dma_start3A_340 : memref<1x96xi32, #tpu.memory_space<vmem>> -> memref<96xi32, #tpu.memory_space<vmem>>
        %dma_start3A_342 = arith.constant 0 : i32
        %dma_start3A_343 = arith.constant 0 : i32
        %dma_start3A_344 = tpu.memref_slice %arg7[%dma_start3A_342, %dma_start3A_343] : memref<10112x128xf32, #tpu.memory_space<vmem_shared>> -> memref<10112x128xf32, #tpu.memory_space<vmem_shared>>
        tpu.enqueue_indirect_dma source(%arg13 : memref<96x128xf32, #tpu.memory_space<vmem>>) target(%dma_start3A_344 : memref<10112x128xf32, #tpu.memory_space<vmem_shared>>) offsets(%dma_start3A_341 : memref<96xi32, #tpu.memory_space<vmem>>) semaphore(%run_scoped3A_338 : memref<!tpu.dma_semaphore, #tpu.memory_space<semaphore_mem>>) {add = true}
        %dma_wait3A_345 = arith.constant 0 : i32
        %dma_wait3A_346 = tpu.memref_slice %arg11[%add3A_310, %dma_wait3A_345] : memref<21x96xi32, #tpu.memory_space<vmem>> -> memref<1x96xi32, #tpu.memory_space<vmem>>
        %dma_wait3A_347 = tpu.memref_squeeze %dma_wait3A_346 : memref<1x96xi32, #tpu.memory_space<vmem>> -> memref<96xi32, #tpu.memory_space<vmem>>
        %dma_wait3A_348 = arith.constant 0 : i32
        %dma_wait3A_349 = arith.constant 0 : i32
        %dma_wait3A_350 = tpu.memref_slice %arg7[%dma_wait3A_348, %dma_wait3A_349] : memref<10112x128xf32, #tpu.memory_space<vmem_shared>> -> memref<10112x128xf32, #tpu.memory_space<vmem_shared>>
        tpu.wait_indirect_dma semaphore(%run_scoped3A_338 : memref<!tpu.dma_semaphore, #tpu.memory_space<semaphore_mem>>) src(%arg13 : memref<96x128xf32, #tpu.memory_space<vmem>>) dst(%dma_wait3A_350 : memref<10112x128xf32, #tpu.memory_space<vmem_shared>>)
        tpu.yield
      }) : () -> ()
      %add3A_311 = arith.constant 1 : i32
      %add3A_312 = arith.addi %mul3A_287, %add3A_311 : i32
      %add3A_313 = arith.constant 3 : i32
      %add3A_314 = arith.addi %add3A_312, %add3A_313 : i32
      %lt3A_315 = arith.constant 21 : i32
      %lt3A_316 = arith.cmpi slt, %add3A_314, %lt3A_315 : i32
      %convert_element_type3A_317 = arith.extui %lt3A_316 : i1 to i32
      %cond3A_318 = arith.constant 0 : i32
      %cond3A_319 = arith.cmpi ne, %convert_element_type3A_317, %cond3A_318 : i32
      scf.if %cond3A_319 {
        %add3A_338 = arith.constant 1 : i32
        %add3A_339 = arith.addi %mul3A_287, %add3A_338 : i32
        %add3A_340 = arith.constant 3 : i32
        %add3A_341 = arith.addi %add3A_339, %add3A_340 : i32
        %dma_start3A_342 = arith.constant 0 : i32
        %dma_start3A_343 = tpu.memref_slice %arg10[%add3A_341, %dma_start3A_342] : memref<21x96xi32, #tpu.memory_space<vmem>> -> memref<1x96xi32, #tpu.memory_space<vmem>>
        %dma_start3A_344 = tpu.memref_squeeze %dma_start3A_343 : memref<1x96xi32, #tpu.memory_space<vmem>> -> memref<96xi32, #tpu.memory_space<vmem>>
        %dma_start3A_345 = arith.constant 0 : i32
        %dma_start3A_346 = arith.constant 0 : i32
        %dma_start3A_347 = tpu.memref_slice %arg2[%dma_start3A_345, %dma_start3A_346] : memref<10000x128xf32, #tpu.memory_space<hbm>> -> memref<10000x128xf32, #tpu.memory_space<hbm>>
        tpu.enqueue_indirect_dma source(%dma_start3A_347 : memref<10000x128xf32, #tpu.memory_space<hbm>>) target(%arg13 : memref<96x128xf32, #tpu.memory_space<vmem>>) offsets(%dma_start3A_344 : memref<96xi32, #tpu.memory_space<vmem>>) semaphore(%arg16 : memref<!tpu.dma_semaphore, #tpu.memory_space<semaphore_mem>>)
      } else {
      }
      %dma_wait3A_320 = arith.constant 0 : i32
      %dma_wait3A_321 = arith.constant 0 : i32
      %dma_wait3A_322 = tpu.memref_slice %arg10[%dma_wait3A_320, %dma_wait3A_321] : memref<21x96xi32, #tpu.memory_space<vmem>> -> memref<1x96xi32, #tpu.memory_space<vmem>>
      %dma_wait3A_323 = tpu.memref_squeeze %dma_wait3A_322 : memref<1x96xi32, #tpu.memory_space<vmem>> -> memref<96xi32, #tpu.memory_space<vmem>>
      %dma_wait3A_324 = arith.constant 0 : i32
      %dma_wait3A_325 = arith.constant 0 : i32
      %dma_wait3A_326 = tpu.memref_slice %arg2[%dma_wait3A_324, %dma_wait3A_325] : memref<10000x128xf32, #tpu.memory_space<hbm>> -> memref<10000x128xf32, #tpu.memory_space<hbm>>
      tpu.wait_indirect_dma semaphore(%arg17 : memref<!tpu.dma_semaphore, #tpu.memory_space<semaphore_mem>>) src(%dma_wait3A_326 : memref<10000x128xf32, #tpu.memory_space<hbm>>) dst(%arg14 : memref<96x128xf32, #tpu.memory_space<vmem>>)
      %add3A_327 = arith.constant 2 : i32
      %add3A_328 = arith.addi %mul3A_287, %add3A_327 : i32
      "tpu.region"() ({
        %run_scoped3A_338 = tpu.sem_alloc : memref<!tpu.dma_semaphore, #tpu.memory_space<semaphore_mem>>
        %dma_start3A_339 = arith.constant 0 : i32
        %dma_start3A_340 = tpu.memref_slice %arg11[%add3A_328, %dma_start3A_339] : memref<21x96xi32, #tpu.memory_space<vmem>> -> memref<1x96xi32, #tpu.memory_space<vmem>>
        %dma_start3A_341 = tpu.memref_squeeze %dma_start3A_340 : memref<1x96xi32, #tpu.memory_space<vmem>> -> memref<96xi32, #tpu.memory_space<vmem>>
        %dma_start3A_342 = arith.constant 0 : i32
        %dma_start3A_343 = arith.constant 0 : i32
        %dma_start3A_344 = tpu.memref_slice %arg7[%dma_start3A_342, %dma_start3A_343] : memref<10112x128xf32, #tpu.memory_space<vmem_shared>> -> memref<10112x128xf32, #tpu.memory_space<vmem_shared>>
        tpu.enqueue_indirect_dma source(%arg14 : memref<96x128xf32, #tpu.memory_space<vmem>>) target(%dma_start3A_344 : memref<10112x128xf32, #tpu.memory_space<vmem_shared>>) offsets(%dma_start3A_341 : memref<96xi32, #tpu.memory_space<vmem>>) semaphore(%run_scoped3A_338 : memref<!tpu.dma_semaphore, #tpu.memory_space<semaphore_mem>>) {add = true}
        %dma_wait3A_345 = arith.constant 0 : i32
        %dma_wait3A_346 = tpu.memref_slice %arg11[%add3A_328, %dma_wait3A_345] : memref<21x96xi32, #tpu.memory_space<vmem>> -> memref<1x96xi32, #tpu.memory_space<vmem>>
        %dma_wait3A_347 = tpu.memref_squeeze %dma_wait3A_346 : memref<1x96xi32, #tpu.memory_space<vmem>> -> memref<96xi32, #tpu.memory_space<vmem>>
        %dma_wait3A_348 = arith.constant 0 : i32
        %dma_wait3A_349 = arith.constant 0 : i32
        %dma_wait3A_350 = tpu.memref_slice %arg7[%dma_wait3A_348, %dma_wait3A_349] : memref<10112x128xf32, #tpu.memory_space<vmem_shared>> -> memref<10112x128xf32, #tpu.memory_space<vmem_shared>>
        tpu.wait_indirect_dma semaphore(%run_scoped3A_338 : memref<!tpu.dma_semaphore, #tpu.memory_space<semaphore_mem>>) src(%arg14 : memref<96x128xf32, #tpu.memory_space<vmem>>) dst(%dma_wait3A_350 : memref<10112x128xf32, #tpu.memory_space<vmem_shared>>)
        tpu.yield
      }) : () -> ()
      %add3A_329 = arith.constant 2 : i32
      %add3A_330 = arith.addi %mul3A_287, %add3A_329 : i32
      %add3A_331 = arith.constant 3 : i32
      %add3A_332 = arith.addi %add3A_330, %add3A_331 : i32
      %lt3A_333 = arith.constant 21 : i32
      %lt3A_334 = arith.cmpi slt, %add3A_332, %lt3A_333 : i32
      %convert_element_type3A_335 = arith.extui %lt3A_334 : i1 to i32
      %cond3A_336 = arith.constant 0 : i32
      %cond3A_337 = arith.cmpi ne, %convert_element_type3A_335, %cond3A_336 : i32
      scf.if %cond3A_337 {
        %add3A_338 = arith.constant 2 : i32
        %add3A_339 = arith.addi %mul3A_287, %add3A_338 : i32
        %add3A_340 = arith.constant 3 : i32
        %add3A_341 = arith.addi %add3A_339, %add3A_340 : i32
        %dma_start3A_342 = arith.constant 0 : i32
        %dma_start3A_343 = tpu.memref_slice %arg10[%add3A_341, %dma_start3A_342] : memref<21x96xi32, #tpu.memory_space<vmem>> -> memref<1x96xi32, #tpu.memory_space<vmem>>
        %dma_start3A_344 = tpu.memref_squeeze %dma_start3A_343 : memref<1x96xi32, #tpu.memory_space<vmem>> -> memref<96xi32, #tpu.memory_space<vmem>>
        %dma_start3A_345 = arith.constant 0 : i32
        %dma_start3A_346 = arith.constant 0 : i32
        %dma_start3A_347 = tpu.memref_slice %arg2[%dma_start3A_345, %dma_start3A_346] : memref<10000x128xf32, #tpu.memory_space<hbm>> -> memref<10000x128xf32, #tpu.memory_space<hbm>>
        tpu.enqueue_indirect_dma source(%dma_start3A_347 : memref<10000x128xf32, #tpu.memory_space<hbm>>) target(%arg14 : memref<96x128xf32, #tpu.memory_space<vmem>>) offsets(%dma_start3A_344 : memref<96xi32, #tpu.memory_space<vmem>>) semaphore(%arg17 : memref<!tpu.dma_semaphore, #tpu.memory_space<semaphore_mem>>)
      } else {
      }
    }
    %scan3A_108 = arith.constant 7 : i32
    %dma_wait3A_109 = arith.constant 0 : i32
    %dma_wait3A_110 = arith.constant 0 : i32
    %dma_wait3A_111 = arith.constant 0 : i32
    %dma_wait3A_112 = tpu.memref_slice %arg3[%arg0, %arg1, %dma_wait3A_109, %dma_wait3A_110, %dma_wait3A_111] : memref<2x16x5x21x96xi32, #tpu.memory_space<hbm>> -> memref<1x1x1x21x96xi32, #tpu.memory_space<hbm>>
    %dma_wait3A_113 = tpu.memref_squeeze %dma_wait3A_112 : memref<1x1x1x21x96xi32, #tpu.memory_space<hbm>> -> memref<21x96xi32, #tpu.memory_space<hbm>>
    %dma_wait3A_114 = arith.constant 0 : i32
    %dma_wait3A_115 = arith.constant 0 : i32
    %dma_wait3A_116 = tpu.memref_slice %arg3[%arg0, %arg1, %dma_wait3A_109, %dma_wait3A_114, %dma_wait3A_115] : memref<2x16x5x21x96xi32, #tpu.memory_space<hbm>> -> memref<1x1x1x21x96xi32, #tpu.memory_space<hbm>>
    %dma_wait3A_117 = tpu.memref_squeeze %dma_wait3A_116 : memref<1x1x1x21x96xi32, #tpu.memory_space<hbm>> -> memref<21x96xi32, #tpu.memory_space<hbm>>
    tpu.wait_dma2 semaphore(%arg18 : memref<!tpu.dma_semaphore, #tpu.memory_space<semaphore_mem>>) src(%dma_wait3A_117 : memref<21x96xi32, #tpu.memory_space<hbm>>) dst(%arg8 : memref<21x96xi32, #tpu.memory_space<vmem>>)
    %dma_wait3A_118 = arith.constant 0 : i32
    %dma_wait3A_119 = arith.constant 0 : i32
    %dma_wait3A_120 = arith.constant 0 : i32
    %dma_wait3A_121 = tpu.memref_slice %arg3[%arg0, %arg1, %dma_wait3A_118, %dma_wait3A_119, %dma_wait3A_120] : memref<2x16x5x21x96xi32, #tpu.memory_space<hbm>> -> memref<1x1x1x21x96xi32, #tpu.memory_space<hbm>>
    %dma_wait3A_122 = tpu.memref_squeeze %dma_wait3A_121 : memref<1x1x1x21x96xi32, #tpu.memory_space<hbm>> -> memref<21x96xi32, #tpu.memory_space<hbm>>
    %dma_wait3A_123 = arith.constant 0 : i32
    %dma_wait3A_124 = arith.constant 0 : i32
    %dma_wait3A_125 = tpu.memref_slice %arg3[%arg0, %arg1, %dma_wait3A_118, %dma_wait3A_123, %dma_wait3A_124] : memref<2x16x5x21x96xi32, #tpu.memory_space<hbm>> -> memref<1x1x1x21x96xi32, #tpu.memory_space<hbm>>
    %dma_wait3A_126 = tpu.memref_squeeze %dma_wait3A_125 : memref<1x1x1x21x96xi32, #tpu.memory_space<hbm>> -> memref<21x96xi32, #tpu.memory_space<hbm>>
    tpu.wait_dma2 semaphore(%arg19 : memref<!tpu.dma_semaphore, #tpu.memory_space<semaphore_mem>>) src(%dma_wait3A_126 : memref<21x96xi32, #tpu.memory_space<hbm>>) dst(%arg9 : memref<21x96xi32, #tpu.memory_space<vmem>>)
    %dma_start3A_127 = arith.constant 3 : i32
    %dma_start3A_128 = arith.constant 0 : i32
    %dma_start3A_129 = arith.constant 0 : i32
    %dma_start3A_130 = tpu.memref_slice %arg3[%arg0, %arg1, %dma_start3A_127, %dma_start3A_128, %dma_start3A_129] : memref<2x16x5x21x96xi32, #tpu.memory_space<hbm>> -> memref<1x1x1x21x96xi32, #tpu.memory_space<hbm>>
    %dma_start3A_131 = tpu.memref_squeeze %dma_start3A_130 : memref<1x1x1x21x96xi32, #tpu.memory_space<hbm>> -> memref<21x96xi32, #tpu.memory_space<hbm>>
    %dma_start3A_132 = arith.constant 0 : i32
    %dma_start3A_133 = arith.constant 0 : i32
    %dma_start3A_134 = tpu.memref_slice %arg3[%arg0, %arg1, %dma_start3A_127, %dma_start3A_132, %dma_start3A_133] : memref<2x16x5x21x96xi32, #tpu.memory_space<hbm>> -> memref<1x1x1x21x96xi32, #tpu.memory_space<hbm>>
    %dma_start3A_135 = tpu.memref_squeeze %dma_start3A_134 : memref<1x1x1x21x96xi32, #tpu.memory_space<hbm>> -> memref<21x96xi32, #tpu.memory_space<hbm>>
    tpu.enqueue_dma source(%dma_start3A_135 : memref<21x96xi32, #tpu.memory_space<hbm>>) target(%arg10 : memref<21x96xi32, #tpu.memory_space<vmem>>) target_semaphore(%arg18 : memref<!tpu.dma_semaphore, #tpu.memory_space<semaphore_mem>>)
    %dma_start3A_136 = arith.constant 3 : i32
    %dma_start3A_137 = arith.constant 0 : i32
    %dma_start3A_138 = arith.constant 0 : i32
    %dma_start3A_139 = tpu.memref_slice %arg4[%arg0, %arg1, %dma_start3A_136, %dma_start3A_137, %dma_start3A_138] : memref<2x16x5x21x96xi32, #tpu.memory_space<hbm>> -> memref<1x1x1x21x96xi32, #tpu.memory_space<hbm>>
    %dma_start3A_140 = tpu.memref_squeeze %dma_start3A_139 : memref<1x1x1x21x96xi32, #tpu.memory_space<hbm>> -> memref<21x96xi32, #tpu.memory_space<hbm>>
    %dma_start3A_141 = arith.constant 0 : i32
    %dma_start3A_142 = arith.constant 0 : i32
    %dma_start3A_143 = tpu.memref_slice %arg4[%arg0, %arg1, %dma_start3A_136, %dma_start3A_141, %dma_start3A_142] : memref<2x16x5x21x96xi32, #tpu.memory_space<hbm>> -> memref<1x1x1x21x96xi32, #tpu.memory_space<hbm>>
    %dma_start3A_144 = tpu.memref_squeeze %dma_start3A_143 : memref<1x1x1x21x96xi32, #tpu.memory_space<hbm>> -> memref<21x96xi32, #tpu.memory_space<hbm>>
    tpu.enqueue_dma source(%dma_start3A_144 : memref<21x96xi32, #tpu.memory_space<hbm>>) target(%arg11 : memref<21x96xi32, #tpu.memory_space<vmem>>) target_semaphore(%arg19 : memref<!tpu.dma_semaphore, #tpu.memory_space<semaphore_mem>>)
    %dma_start3A_145 = arith.constant 0 : i32
    %dma_start3A_146 = arith.constant 0 : i32
    %dma_start3A_147 = tpu.memref_slice %arg8[%dma_start3A_145, %dma_start3A_146] : memref<21x96xi32, #tpu.memory_space<vmem>> -> memref<1x96xi32, #tpu.memory_space<vmem>>
    %dma_start3A_148 = tpu.memref_squeeze %dma_start3A_147 : memref<1x96xi32, #tpu.memory_space<vmem>> -> memref<96xi32, #tpu.memory_space<vmem>>
    %dma_start3A_149 = arith.constant 0 : i32
    %dma_start3A_150 = arith.constant 0 : i32
    %dma_start3A_151 = tpu.memref_slice %arg2[%dma_start3A_149, %dma_start3A_150] : memref<10000x128xf32, #tpu.memory_space<hbm>> -> memref<10000x128xf32, #tpu.memory_space<hbm>>
    tpu.enqueue_indirect_dma source(%dma_start3A_151 : memref<10000x128xf32, #tpu.memory_space<hbm>>) target(%arg12 : memref<96x128xf32, #tpu.memory_space<vmem>>) offsets(%dma_start3A_148 : memref<96xi32, #tpu.memory_space<vmem>>) semaphore(%arg15 : memref<!tpu.dma_semaphore, #tpu.memory_space<semaphore_mem>>)
    %dma_start3A_152 = arith.constant 1 : i32
    %dma_start3A_153 = arith.constant 0 : i32
    %dma_start3A_154 = tpu.memref_slice %arg8[%dma_start3A_152, %dma_start3A_153] : memref<21x96xi32, #tpu.memory_space<vmem>> -> memref<1x96xi32, #tpu.memory_space<vmem>>
    %dma_start3A_155 = tpu.memref_squeeze %dma_start3A_154 : memref<1x96xi32, #tpu.memory_space<vmem>> -> memref<96xi32, #tpu.memory_space<vmem>>
    %dma_start3A_156 = arith.constant 0 : i32
    %dma_start3A_157 = arith.constant 0 : i32
    %dma_start3A_158 = tpu.memref_slice %arg2[%dma_start3A_156, %dma_start3A_157] : memref<10000x128xf32, #tpu.memory_space<hbm>> -> memref<10000x128xf32, #tpu.memory_space<hbm>>
    tpu.enqueue_indirect_dma source(%dma_start3A_158 : memref<10000x128xf32, #tpu.memory_space<hbm>>) target(%arg13 : memref<96x128xf32, #tpu.memory_space<vmem>>) offsets(%dma_start3A_155 : memref<96xi32, #tpu.memory_space<vmem>>) semaphore(%arg16 : memref<!tpu.dma_semaphore, #tpu.memory_space<semaphore_mem>>)
    %dma_start3A_159 = arith.constant 2 : i32
    %dma_start3A_160 = arith.constant 0 : i32
    %dma_start3A_161 = tpu.memref_slice %arg8[%dma_start3A_159, %dma_start3A_160] : memref<21x96xi32, #tpu.memory_space<vmem>> -> memref<1x96xi32, #tpu.memory_space<vmem>>
    %dma_start3A_162 = tpu.memref_squeeze %dma_start3A_161 : memref<1x96xi32, #tpu.memory_space<vmem>> -> memref<96xi32, #tpu.memory_space<vmem>>
    %dma_start3A_163 = arith.constant 0 : i32
    %dma_start3A_164 = arith.constant 0 : i32
    %dma_start3A_165 = tpu.memref_slice %arg2[%dma_start3A_163, %dma_start3A_164] : memref<10000x128xf32, #tpu.memory_space<hbm>> -> memref<10000x128xf32, #tpu.memory_space<hbm>>
    tpu.enqueue_indirect_dma source(%dma_start3A_165 : memref<10000x128xf32, #tpu.memory_space<hbm>>) target(%arg14 : memref<96x128xf32, #tpu.memory_space<vmem>>) offsets(%dma_start3A_162 : memref<96xi32, #tpu.memory_space<vmem>>) semaphore(%arg17 : memref<!tpu.dma_semaphore, #tpu.memory_space<semaphore_mem>>)
    %scan3A_166 = arith.constant 0 : i32
    %scan3A_167 = arith.constant 0 : i32
    %scan3A_168 = arith.constant 7 : i32
    %scan3A_169 = arith.addi %scan3A_167, %scan3A_168 : i32
    %scan3A_170 = arith.constant 1 : i32
    scf.for %scan3A_285 = %scan3A_167 to %scan3A_169 step %scan3A_170  : i32 {
      %mul3A_286 = arith.constant 3 : i32
      %mul3A_287 = arith.muli %mul3A_286, %scan3A_285 : i32
      %dma_wait3A_288 = arith.constant 0 : i32
      %dma_wait3A_289 = arith.constant 0 : i32
      %dma_wait3A_290 = tpu.memref_slice %arg8[%dma_wait3A_288, %dma_wait3A_289] : memref<21x96xi32, #tpu.memory_space<vmem>> -> memref<1x96xi32, #tpu.memory_space<vmem>>
      %dma_wait3A_291 = tpu.memref_squeeze %dma_wait3A_290 : memref<1x96xi32, #tpu.memory_space<vmem>> -> memref<96xi32, #tpu.memory_space<vmem>>
      %dma_wait3A_292 = arith.constant 0 : i32
      %dma_wait3A_293 = arith.constant 0 : i32
      %dma_wait3A_294 = tpu.memref_slice %arg2[%dma_wait3A_292, %dma_wait3A_293] : memref<10000x128xf32, #tpu.memory_space<hbm>> -> memref<10000x128xf32, #tpu.memory_space<hbm>>
      tpu.wait_indirect_dma semaphore(%arg15 : memref<!tpu.dma_semaphore, #tpu.memory_space<semaphore_mem>>) src(%dma_wait3A_294 : memref<10000x128xf32, #tpu.memory_space<hbm>>) dst(%arg12 : memref<96x128xf32, #tpu.memory_space<vmem>>)
      %add3A = arith.constant 0 : i32
      %add3A_295 = arith.addi %mul3A_287, %add3A : i32
      "tpu.region"() ({
        %run_scoped3A_338 = tpu.sem_alloc : memref<!tpu.dma_semaphore, #tpu.memory_space<semaphore_mem>>
        %dma_start3A_339 = arith.constant 0 : i32
        %dma_start3A_340 = tpu.memref_slice %arg9[%add3A_295, %dma_start3A_339] : memref<21x96xi32, #tpu.memory_space<vmem>> -> memref<1x96xi32, #tpu.memory_space<vmem>>
        %dma_start3A_341 = tpu.memref_squeeze %dma_start3A_340 : memref<1x96xi32, #tpu.memory_space<vmem>> -> memref<96xi32, #tpu.memory_space<vmem>>
        %dma_start3A_342 = arith.constant 0 : i32
        %dma_start3A_343 = arith.constant 0 : i32
        %dma_start3A_344 = tpu.memref_slice %arg7[%dma_start3A_342, %dma_start3A_343] : memref<10112x128xf32, #tpu.memory_space<vmem_shared>> -> memref<10112x128xf32, #tpu.memory_space<vmem_shared>>
        tpu.enqueue_indirect_dma source(%arg12 : memref<96x128xf32, #tpu.memory_space<vmem>>) target(%dma_start3A_344 : memref<10112x128xf32, #tpu.memory_space<vmem_shared>>) offsets(%dma_start3A_341 : memref<96xi32, #tpu.memory_space<vmem>>) semaphore(%run_scoped3A_338 : memref<!tpu.dma_semaphore, #tpu.memory_space<semaphore_mem>>) {add = true}
        %dma_wait3A_345 = arith.constant 0 : i32
        %dma_wait3A_346 = tpu.memref_slice %arg9[%add3A_295, %dma_wait3A_345] : memref<21x96xi32, #tpu.memory_space<vmem>> -> memref<1x96xi32, #tpu.memory_space<vmem>>
        %dma_wait3A_347 = tpu.memref_squeeze %dma_wait3A_346 : memref<1x96xi32, #tpu.memory_space<vmem>> -> memref<96xi32, #tpu.memory_space<vmem>>
        %dma_wait3A_348 = arith.constant 0 : i32
        %dma_wait3A_349 = arith.constant 0 : i32
        %dma_wait3A_350 = tpu.memref_slice %arg7[%dma_wait3A_348, %dma_wait3A_349] : memref<10112x128xf32, #tpu.memory_space<vmem_shared>> -> memref<10112x128xf32, #tpu.memory_space<vmem_shared>>
        tpu.wait_indirect_dma semaphore(%run_scoped3A_338 : memref<!tpu.dma_semaphore, #tpu.memory_space<semaphore_mem>>) src(%arg12 : memref<96x128xf32, #tpu.memory_space<vmem>>) dst(%dma_wait3A_350 : memref<10112x128xf32, #tpu.memory_space<vmem_shared>>)
        tpu.yield
      }) : () -> ()
      %add3A_296 = arith.constant 0 : i32
      %add3A_297 = arith.addi %mul3A_287, %add3A_296 : i32
      %add3A_298 = arith.constant 3 : i32
      %add3A_299 = arith.addi %add3A_297, %add3A_298 : i32
      %lt3A = arith.constant 21 : i32
      %lt3A_300 = arith.cmpi slt, %add3A_299, %lt3A : i32
      %convert_element_type3A = arith.extui %lt3A_300 : i1 to i32
      %cond3A = arith.constant 0 : i32
      %cond3A_301 = arith.cmpi ne, %convert_element_type3A, %cond3A : i32
      scf.if %cond3A_301 {
        %add3A_338 = arith.constant 0 : i32
        %add3A_339 = arith.addi %mul3A_287, %add3A_338 : i32
        %add3A_340 = arith.constant 3 : i32
        %add3A_341 = arith.addi %add3A_339, %add3A_340 : i32
        %dma_start3A_342 = arith.constant 0 : i32
        %dma_start3A_343 = tpu.memref_slice %arg8[%add3A_341, %dma_start3A_342] : memref<21x96xi32, #tpu.memory_space<vmem>> -> memref<1x96xi32, #tpu.memory_space<vmem>>
        %dma_start3A_344 = tpu.memref_squeeze %dma_start3A_343 : memref<1x96xi32, #tpu.memory_space<vmem>> -> memref<96xi32, #tpu.memory_space<vmem>>
        %dma_start3A_345 = arith.constant 0 : i32
        %dma_start3A_346 = arith.constant 0 : i32
        %dma_start3A_347 = tpu.memref_slice %arg2[%dma_start3A_345, %dma_start3A_346] : memref<10000x128xf32, #tpu.memory_space<hbm>> -> memref<10000x128xf32, #tpu.memory_space<hbm>>
        tpu.enqueue_indirect_dma source(%dma_start3A_347 : memref<10000x128xf32, #tpu.memory_space<hbm>>) target(%arg12 : memref<96x128xf32, #tpu.memory_space<vmem>>) offsets(%dma_start3A_344 : memref<96xi32, #tpu.memory_space<vmem>>) semaphore(%arg15 : memref<!tpu.dma_semaphore, #tpu.memory_space<semaphore_mem>>)
      } else {
      }
      %dma_wait3A_302 = arith.constant 0 : i32
      %dma_wait3A_303 = arith.constant 0 : i32
      %dma_wait3A_304 = tpu.memref_slice %arg8[%dma_wait3A_302, %dma_wait3A_303] : memref<21x96xi32, #tpu.memory_space<vmem>> -> memref<1x96xi32, #tpu.memory_space<vmem>>
      %dma_wait3A_305 = tpu.memref_squeeze %dma_wait3A_304 : memref<1x96xi32, #tpu.memory_space<vmem>> -> memref<96xi32, #tpu.memory_space<vmem>>
      %dma_wait3A_306 = arith.constant 0 : i32
      %dma_wait3A_307 = arith.constant 0 : i32
      %dma_wait3A_308 = tpu.memref_slice %arg2[%dma_wait3A_306, %dma_wait3A_307] : memref<10000x128xf32, #tpu.memory_space<hbm>> -> memref<10000x128xf32, #tpu.memory_space<hbm>>
      tpu.wait_indirect_dma semaphore(%arg16 : memref<!tpu.dma_semaphore, #tpu.memory_space<semaphore_mem>>) src(%dma_wait3A_308 : memref<10000x128xf32, #tpu.memory_space<hbm>>) dst(%arg13 : memref<96x128xf32, #tpu.memory_space<vmem>>)
      %add3A_309 = arith.constant 1 : i32
      %add3A_310 = arith.addi %mul3A_287, %add3A_309 : i32
      "tpu.region"() ({
        %run_scoped3A_338 = tpu.sem_alloc : memref<!tpu.dma_semaphore, #tpu.memory_space<semaphore_mem>>
        %dma_start3A_339 = arith.constant 0 : i32
        %dma_start3A_340 = tpu.memref_slice %arg9[%add3A_310, %dma_start3A_339] : memref<21x96xi32, #tpu.memory_space<vmem>> -> memref<1x96xi32, #tpu.memory_space<vmem>>
        %dma_start3A_341 = tpu.memref_squeeze %dma_start3A_340 : memref<1x96xi32, #tpu.memory_space<vmem>> -> memref<96xi32, #tpu.memory_space<vmem>>
        %dma_start3A_342 = arith.constant 0 : i32
        %dma_start3A_343 = arith.constant 0 : i32
        %dma_start3A_344 = tpu.memref_slice %arg7[%dma_start3A_342, %dma_start3A_343] : memref<10112x128xf32, #tpu.memory_space<vmem_shared>> -> memref<10112x128xf32, #tpu.memory_space<vmem_shared>>
        tpu.enqueue_indirect_dma source(%arg13 : memref<96x128xf32, #tpu.memory_space<vmem>>) target(%dma_start3A_344 : memref<10112x128xf32, #tpu.memory_space<vmem_shared>>) offsets(%dma_start3A_341 : memref<96xi32, #tpu.memory_space<vmem>>) semaphore(%run_scoped3A_338 : memref<!tpu.dma_semaphore, #tpu.memory_space<semaphore_mem>>) {add = true}
        %dma_wait3A_345 = arith.constant 0 : i32
        %dma_wait3A_346 = tpu.memref_slice %arg9[%add3A_310, %dma_wait3A_345] : memref<21x96xi32, #tpu.memory_space<vmem>> -> memref<1x96xi32, #tpu.memory_space<vmem>>
        %dma_wait3A_347 = tpu.memref_squeeze %dma_wait3A_346 : memref<1x96xi32, #tpu.memory_space<vmem>> -> memref<96xi32, #tpu.memory_space<vmem>>
        %dma_wait3A_348 = arith.constant 0 : i32
        %dma_wait3A_349 = arith.constant 0 : i32
        %dma_wait3A_350 = tpu.memref_slice %arg7[%dma_wait3A_348, %dma_wait3A_349] : memref<10112x128xf32, #tpu.memory_space<vmem_shared>> -> memref<10112x128xf32, #tpu.memory_space<vmem_shared>>
        tpu.wait_indirect_dma semaphore(%run_scoped3A_338 : memref<!tpu.dma_semaphore, #tpu.memory_space<semaphore_mem>>) src(%arg13 : memref<96x128xf32, #tpu.memory_space<vmem>>) dst(%dma_wait3A_350 : memref<10112x128xf32, #tpu.memory_space<vmem_shared>>)
        tpu.yield
      }) : () -> ()
      %add3A_311 = arith.constant 1 : i32
      %add3A_312 = arith.addi %mul3A_287, %add3A_311 : i32
      %add3A_313 = arith.constant 3 : i32
      %add3A_314 = arith.addi %add3A_312, %add3A_313 : i32
      %lt3A_315 = arith.constant 21 : i32
      %lt3A_316 = arith.cmpi slt, %add3A_314, %lt3A_315 : i32
      %convert_element_type3A_317 = arith.extui %lt3A_316 : i1 to i32
      %cond3A_318 = arith.constant 0 : i32
      %cond3A_319 = arith.cmpi ne, %convert_element_type3A_317, %cond3A_318 : i32
      scf.if %cond3A_319 {
        %add3A_338 = arith.constant 1 : i32
        %add3A_339 = arith.addi %mul3A_287, %add3A_338 : i32
        %add3A_340 = arith.constant 3 : i32
        %add3A_341 = arith.addi %add3A_339, %add3A_340 : i32
        %dma_start3A_342 = arith.constant 0 : i32
        %dma_start3A_343 = tpu.memref_slice %arg8[%add3A_341, %dma_start3A_342] : memref<21x96xi32, #tpu.memory_space<vmem>> -> memref<1x96xi32, #tpu.memory_space<vmem>>
        %dma_start3A_344 = tpu.memref_squeeze %dma_start3A_343 : memref<1x96xi32, #tpu.memory_space<vmem>> -> memref<96xi32, #tpu.memory_space<vmem>>
        %dma_start3A_345 = arith.constant 0 : i32
        %dma_start3A_346 = arith.constant 0 : i32
        %dma_start3A_347 = tpu.memref_slice %arg2[%dma_start3A_345, %dma_start3A_346] : memref<10000x128xf32, #tpu.memory_space<hbm>> -> memref<10000x128xf32, #tpu.memory_space<hbm>>
        tpu.enqueue_indirect_dma source(%dma_start3A_347 : memref<10000x128xf32, #tpu.memory_space<hbm>>) target(%arg13 : memref<96x128xf32, #tpu.memory_space<vmem>>) offsets(%dma_start3A_344 : memref<96xi32, #tpu.memory_space<vmem>>) semaphore(%arg16 : memref<!tpu.dma_semaphore, #tpu.memory_space<semaphore_mem>>)
      } else {
      }
      %dma_wait3A_320 = arith.constant 0 : i32
      %dma_wait3A_321 = arith.constant 0 : i32
      %dma_wait3A_322 = tpu.memref_slice %arg8[%dma_wait3A_320, %dma_wait3A_321] : memref<21x96xi32, #tpu.memory_space<vmem>> -> memref<1x96xi32, #tpu.memory_space<vmem>>
      %dma_wait3A_323 = tpu.memref_squeeze %dma_wait3A_322 : memref<1x96xi32, #tpu.memory_space<vmem>> -> memref<96xi32, #tpu.memory_space<vmem>>
      %dma_wait3A_324 = arith.constant 0 : i32
      %dma_wait3A_325 = arith.constant 0 : i32
      %dma_wait3A_326 = tpu.memref_slice %arg2[%dma_wait3A_324, %dma_wait3A_325] : memref<10000x128xf32, #tpu.memory_space<hbm>> -> memref<10000x128xf32, #tpu.memory_space<hbm>>
      tpu.wait_indirect_dma semaphore(%arg17 : memref<!tpu.dma_semaphore, #tpu.memory_space<semaphore_mem>>) src(%dma_wait3A_326 : memref<10000x128xf32, #tpu.memory_space<hbm>>) dst(%arg14 : memref<96x128xf32, #tpu.memory_space<vmem>>)
      %add3A_327 = arith.constant 2 : i32
      %add3A_328 = arith.addi %mul3A_287, %add3A_327 : i32
      "tpu.region"() ({
        %run_scoped3A_338 = tpu.sem_alloc : memref<!tpu.dma_semaphore, #tpu.memory_space<semaphore_mem>>
        %dma_start3A_339 = arith.constant 0 : i32
        %dma_start3A_340 = tpu.memref_slice %arg9[%add3A_328, %dma_start3A_339] : memref<21x96xi32, #tpu.memory_space<vmem>> -> memref<1x96xi32, #tpu.memory_space<vmem>>
        %dma_start3A_341 = tpu.memref_squeeze %dma_start3A_340 : memref<1x96xi32, #tpu.memory_space<vmem>> -> memref<96xi32, #tpu.memory_space<vmem>>
        %dma_start3A_342 = arith.constant 0 : i32
        %dma_start3A_343 = arith.constant 0 : i32
        %dma_start3A_344 = tpu.memref_slice %arg7[%dma_start3A_342, %dma_start3A_343] : memref<10112x128xf32, #tpu.memory_space<vmem_shared>> -> memref<10112x128xf32, #tpu.memory_space<vmem_shared>>
        tpu.enqueue_indirect_dma source(%arg14 : memref<96x128xf32, #tpu.memory_space<vmem>>) target(%dma_start3A_344 : memref<10112x128xf32, #tpu.memory_space<vmem_shared>>) offsets(%dma_start3A_341 : memref<96xi32, #tpu.memory_space<vmem>>) semaphore(%run_scoped3A_338 : memref<!tpu.dma_semaphore, #tpu.memory_space<semaphore_mem>>) {add = true}
        %dma_wait3A_345 = arith.constant 0 : i32
        %dma_wait3A_346 = tpu.memref_slice %arg9[%add3A_328, %dma_wait3A_345] : memref<21x96xi32, #tpu.memory_space<vmem>> -> memref<1x96xi32, #tpu.memory_space<vmem>>
        %dma_wait3A_347 = tpu.memref_squeeze %dma_wait3A_346 : memref<1x96xi32, #tpu.memory_space<vmem>> -> memref<96xi32, #tpu.memory_space<vmem>>
        %dma_wait3A_348 = arith.constant 0 : i32
        %dma_wait3A_349 = arith.constant 0 : i32
        %dma_wait3A_350 = tpu.memref_slice %arg7[%dma_wait3A_348, %dma_wait3A_349] : memref<10112x128xf32, #tpu.memory_space<vmem_shared>> -> memref<10112x128xf32, #tpu.memory_space<vmem_shared>>
        tpu.wait_indirect_dma semaphore(%run_scoped3A_338 : memref<!tpu.dma_semaphore, #tpu.memory_space<semaphore_mem>>) src(%arg14 : memref<96x128xf32, #tpu.memory_space<vmem>>) dst(%dma_wait3A_350 : memref<10112x128xf32, #tpu.memory_space<vmem_shared>>)
        tpu.yield
      }) : () -> ()
      %add3A_329 = arith.constant 2 : i32
      %add3A_330 = arith.addi %mul3A_287, %add3A_329 : i32
      %add3A_331 = arith.constant 3 : i32
      %add3A_332 = arith.addi %add3A_330, %add3A_331 : i32
      %lt3A_333 = arith.constant 21 : i32
      %lt3A_334 = arith.cmpi slt, %add3A_332, %lt3A_333 : i32
      %convert_element_type3A_335 = arith.extui %lt3A_334 : i1 to i32
      %cond3A_336 = arith.constant 0 : i32
      %cond3A_337 = arith.cmpi ne, %convert_element_type3A_335, %cond3A_336 : i32
      scf.if %cond3A_337 {
        %add3A_338 = arith.constant 2 : i32
        %add3A_339 = arith.addi %mul3A_287, %add3A_338 : i32
        %add3A_340 = arith.constant 3 : i32
        %add3A_341 = arith.addi %add3A_339, %add3A_340 : i32
        %dma_start3A_342 = arith.constant 0 : i32
        %dma_start3A_343 = tpu.memref_slice %arg8[%add3A_341, %dma_start3A_342] : memref<21x96xi32, #tpu.memory_space<vmem>> -> memref<1x96xi32, #tpu.memory_space<vmem>>
        %dma_start3A_344 = tpu.memref_squeeze %dma_start3A_343 : memref<1x96xi32, #tpu.memory_space<vmem>> -> memref<96xi32, #tpu.memory_space<vmem>>
        %dma_start3A_345 = arith.constant 0 : i32
        %dma_start3A_346 = arith.constant 0 : i32
        %dma_start3A_347 = tpu.memref_slice %arg2[%dma_start3A_345, %dma_start3A_346] : memref<10000x128xf32, #tpu.memory_space<hbm>> -> memref<10000x128xf32, #tpu.memory_space<hbm>>
        tpu.enqueue_indirect_dma source(%dma_start3A_347 : memref<10000x128xf32, #tpu.memory_space<hbm>>) target(%arg14 : memref<96x128xf32, #tpu.memory_space<vmem>>) offsets(%dma_start3A_344 : memref<96xi32, #tpu.memory_space<vmem>>) semaphore(%arg17 : memref<!tpu.dma_semaphore, #tpu.memory_space<semaphore_mem>>)
      } else {
      }
    }
    %scan3A_171 = arith.constant 7 : i32
    %dma_wait3A_172 = arith.constant 0 : i32
    %dma_wait3A_173 = arith.constant 0 : i32
    %dma_wait3A_174 = arith.constant 0 : i32
    %dma_wait3A_175 = tpu.memref_slice %arg3[%arg0, %arg1, %dma_wait3A_172, %dma_wait3A_173, %dma_wait3A_174] : memref<2x16x5x21x96xi32, #tpu.memory_space<hbm>> -> memref<1x1x1x21x96xi32, #tpu.memory_space<hbm>>
    %dma_wait3A_176 = tpu.memref_squeeze %dma_wait3A_175 : memref<1x1x1x21x96xi32, #tpu.memory_space<hbm>> -> memref<21x96xi32, #tpu.memory_space<hbm>>
    %dma_wait3A_177 = arith.constant 0 : i32
    %dma_wait3A_178 = arith.constant 0 : i32
    %dma_wait3A_179 = tpu.memref_slice %arg3[%arg0, %arg1, %dma_wait3A_172, %dma_wait3A_177, %dma_wait3A_178] : memref<2x16x5x21x96xi32, #tpu.memory_space<hbm>> -> memref<1x1x1x21x96xi32, #tpu.memory_space<hbm>>
    %dma_wait3A_180 = tpu.memref_squeeze %dma_wait3A_179 : memref<1x1x1x21x96xi32, #tpu.memory_space<hbm>> -> memref<21x96xi32, #tpu.memory_space<hbm>>
    tpu.wait_dma2 semaphore(%arg18 : memref<!tpu.dma_semaphore, #tpu.memory_space<semaphore_mem>>) src(%dma_wait3A_180 : memref<21x96xi32, #tpu.memory_space<hbm>>) dst(%arg10 : memref<21x96xi32, #tpu.memory_space<vmem>>)
    %dma_wait3A_181 = arith.constant 0 : i32
    %dma_wait3A_182 = arith.constant 0 : i32
    %dma_wait3A_183 = arith.constant 0 : i32
    %dma_wait3A_184 = tpu.memref_slice %arg3[%arg0, %arg1, %dma_wait3A_181, %dma_wait3A_182, %dma_wait3A_183] : memref<2x16x5x21x96xi32, #tpu.memory_space<hbm>> -> memref<1x1x1x21x96xi32, #tpu.memory_space<hbm>>
    %dma_wait3A_185 = tpu.memref_squeeze %dma_wait3A_184 : memref<1x1x1x21x96xi32, #tpu.memory_space<hbm>> -> memref<21x96xi32, #tpu.memory_space<hbm>>
    %dma_wait3A_186 = arith.constant 0 : i32
    %dma_wait3A_187 = arith.constant 0 : i32
    %dma_wait3A_188 = tpu.memref_slice %arg3[%arg0, %arg1, %dma_wait3A_181, %dma_wait3A_186, %dma_wait3A_187] : memref<2x16x5x21x96xi32, #tpu.memory_space<hbm>> -> memref<1x1x1x21x96xi32, #tpu.memory_space<hbm>>
    %dma_wait3A_189 = tpu.memref_squeeze %dma_wait3A_188 : memref<1x1x1x21x96xi32, #tpu.memory_space<hbm>> -> memref<21x96xi32, #tpu.memory_space<hbm>>
    tpu.wait_dma2 semaphore(%arg19 : memref<!tpu.dma_semaphore, #tpu.memory_space<semaphore_mem>>) src(%dma_wait3A_189 : memref<21x96xi32, #tpu.memory_space<hbm>>) dst(%arg11 : memref<21x96xi32, #tpu.memory_space<vmem>>)
    %dma_start3A_190 = arith.constant 4 : i32
    %dma_start3A_191 = arith.constant 0 : i32
    %dma_start3A_192 = arith.constant 0 : i32
    %dma_start3A_193 = tpu.memref_slice %arg3[%arg0, %arg1, %dma_start3A_190, %dma_start3A_191, %dma_start3A_192] : memref<2x16x5x21x96xi32, #tpu.memory_space<hbm>> -> memref<1x1x1x21x96xi32, #tpu.memory_space<hbm>>
    %dma_start3A_194 = tpu.memref_squeeze %dma_start3A_193 : memref<1x1x1x21x96xi32, #tpu.memory_space<hbm>> -> memref<21x96xi32, #tpu.memory_space<hbm>>
    %dma_start3A_195 = arith.constant 0 : i32
    %dma_start3A_196 = arith.constant 0 : i32
    %dma_start3A_197 = tpu.memref_slice %arg3[%arg0, %arg1, %dma_start3A_190, %dma_start3A_195, %dma_start3A_196] : memref<2x16x5x21x96xi32, #tpu.memory_space<hbm>> -> memref<1x1x1x21x96xi32, #tpu.memory_space<hbm>>
    %dma_start3A_198 = tpu.memref_squeeze %dma_start3A_197 : memref<1x1x1x21x96xi32, #tpu.memory_space<hbm>> -> memref<21x96xi32, #tpu.memory_space<hbm>>
    tpu.enqueue_dma source(%dma_start3A_198 : memref<21x96xi32, #tpu.memory_space<hbm>>) target(%arg8 : memref<21x96xi32, #tpu.memory_space<vmem>>) target_semaphore(%arg18 : memref<!tpu.dma_semaphore, #tpu.memory_space<semaphore_mem>>)
    %dma_start3A_199 = arith.constant 4 : i32
    %dma_start3A_200 = arith.constant 0 : i32
    %dma_start3A_201 = arith.constant 0 : i32
    %dma_start3A_202 = tpu.memref_slice %arg4[%arg0, %arg1, %dma_start3A_199, %dma_start3A_200, %dma_start3A_201] : memref<2x16x5x21x96xi32, #tpu.memory_space<hbm>> -> memref<1x1x1x21x96xi32, #tpu.memory_space<hbm>>
    %dma_start3A_203 = tpu.memref_squeeze %dma_start3A_202 : memref<1x1x1x21x96xi32, #tpu.memory_space<hbm>> -> memref<21x96xi32, #tpu.memory_space<hbm>>
    %dma_start3A_204 = arith.constant 0 : i32
    %dma_start3A_205 = arith.constant 0 : i32
    %dma_start3A_206 = tpu.memref_slice %arg4[%arg0, %arg1, %dma_start3A_199, %dma_start3A_204, %dma_start3A_205] : memref<2x16x5x21x96xi32, #tpu.memory_space<hbm>> -> memref<1x1x1x21x96xi32, #tpu.memory_space<hbm>>
    %dma_start3A_207 = tpu.memref_squeeze %dma_start3A_206 : memref<1x1x1x21x96xi32, #tpu.memory_space<hbm>> -> memref<21x96xi32, #tpu.memory_space<hbm>>
    tpu.enqueue_dma source(%dma_start3A_207 : memref<21x96xi32, #tpu.memory_space<hbm>>) target(%arg9 : memref<21x96xi32, #tpu.memory_space<vmem>>) target_semaphore(%arg19 : memref<!tpu.dma_semaphore, #tpu.memory_space<semaphore_mem>>)
    %dma_start3A_208 = arith.constant 0 : i32
    %dma_start3A_209 = arith.constant 0 : i32
    %dma_start3A_210 = tpu.memref_slice %arg10[%dma_start3A_208, %dma_start3A_209] : memref<21x96xi32, #tpu.memory_space<vmem>> -> memref<1x96xi32, #tpu.memory_space<vmem>>
    %dma_start3A_211 = tpu.memref_squeeze %dma_start3A_210 : memref<1x96xi32, #tpu.memory_space<vmem>> -> memref<96xi32, #tpu.memory_space<vmem>>
    %dma_start3A_212 = arith.constant 0 : i32
    %dma_start3A_213 = arith.constant 0 : i32
    %dma_start3A_214 = tpu.memref_slice %arg2[%dma_start3A_212, %dma_start3A_213] : memref<10000x128xf32, #tpu.memory_space<hbm>> -> memref<10000x128xf32, #tpu.memory_space<hbm>>
    tpu.enqueue_indirect_dma source(%dma_start3A_214 : memref<10000x128xf32, #tpu.memory_space<hbm>>) target(%arg12 : memref<96x128xf32, #tpu.memory_space<vmem>>) offsets(%dma_start3A_211 : memref<96xi32, #tpu.memory_space<vmem>>) semaphore(%arg15 : memref<!tpu.dma_semaphore, #tpu.memory_space<semaphore_mem>>)
    %dma_start3A_215 = arith.constant 1 : i32
    %dma_start3A_216 = arith.constant 0 : i32
    %dma_start3A_217 = tpu.memref_slice %arg10[%dma_start3A_215, %dma_start3A_216] : memref<21x96xi32, #tpu.memory_space<vmem>> -> memref<1x96xi32, #tpu.memory_space<vmem>>
    %dma_start3A_218 = tpu.memref_squeeze %dma_start3A_217 : memref<1x96xi32, #tpu.memory_space<vmem>> -> memref<96xi32, #tpu.memory_space<vmem>>
    %dma_start3A_219 = arith.constant 0 : i32
    %dma_start3A_220 = arith.constant 0 : i32
    %dma_start3A_221 = tpu.memref_slice %arg2[%dma_start3A_219, %dma_start3A_220] : memref<10000x128xf32, #tpu.memory_space<hbm>> -> memref<10000x128xf32, #tpu.memory_space<hbm>>
    tpu.enqueue_indirect_dma source(%dma_start3A_221 : memref<10000x128xf32, #tpu.memory_space<hbm>>) target(%arg13 : memref<96x128xf32, #tpu.memory_space<vmem>>) offsets(%dma_start3A_218 : memref<96xi32, #tpu.memory_space<vmem>>) semaphore(%arg16 : memref<!tpu.dma_semaphore, #tpu.memory_space<semaphore_mem>>)
    %dma_start3A_222 = arith.constant 2 : i32
    %dma_start3A_223 = arith.constant 0 : i32
    %dma_start3A_224 = tpu.memref_slice %arg10[%dma_start3A_222, %dma_start3A_223] : memref<21x96xi32, #tpu.memory_space<vmem>> -> memref<1x96xi32, #tpu.memory_space<vmem>>
    %dma_start3A_225 = tpu.memref_squeeze %dma_start3A_224 : memref<1x96xi32, #tpu.memory_space<vmem>> -> memref<96xi32, #tpu.memory_space<vmem>>
    %dma_start3A_226 = arith.constant 0 : i32
    %dma_start3A_227 = arith.constant 0 : i32
    %dma_start3A_228 = tpu.memref_slice %arg2[%dma_start3A_226, %dma_start3A_227] : memref<10000x128xf32, #tpu.memory_space<hbm>> -> memref<10000x128xf32, #tpu.memory_space<hbm>>
    tpu.enqueue_indirect_dma source(%dma_start3A_228 : memref<10000x128xf32, #tpu.memory_space<hbm>>) target(%arg14 : memref<96x128xf32, #tpu.memory_space<vmem>>) offsets(%dma_start3A_225 : memref<96xi32, #tpu.memory_space<vmem>>) semaphore(%arg17 : memref<!tpu.dma_semaphore, #tpu.memory_space<semaphore_mem>>)
    %scan3A_229 = arith.constant 0 : i32
    %scan3A_230 = arith.constant 0 : i32
    %scan3A_231 = arith.constant 7 : i32
    %scan3A_232 = arith.addi %scan3A_230, %scan3A_231 : i32
    %scan3A_233 = arith.constant 1 : i32
    scf.for %scan3A_285 = %scan3A_230 to %scan3A_232 step %scan3A_233  : i32 {
      %mul3A_286 = arith.constant 3 : i32
      %mul3A_287 = arith.muli %mul3A_286, %scan3A_285 : i32
      %dma_wait3A_288 = arith.constant 0 : i32
      %dma_wait3A_289 = arith.constant 0 : i32
      %dma_wait3A_290 = tpu.memref_slice %arg10[%dma_wait3A_288, %dma_wait3A_289] : memref<21x96xi32, #tpu.memory_space<vmem>> -> memref<1x96xi32, #tpu.memory_space<vmem>>
      %dma_wait3A_291 = tpu.memref_squeeze %dma_wait3A_290 : memref<1x96xi32, #tpu.memory_space<vmem>> -> memref<96xi32, #tpu.memory_space<vmem>>
      %dma_wait3A_292 = arith.constant 0 : i32
      %dma_wait3A_293 = arith.constant 0 : i32
      %dma_wait3A_294 = tpu.memref_slice %arg2[%dma_wait3A_292, %dma_wait3A_293] : memref<10000x128xf32, #tpu.memory_space<hbm>> -> memref<10000x128xf32, #tpu.memory_space<hbm>>
      tpu.wait_indirect_dma semaphore(%arg15 : memref<!tpu.dma_semaphore, #tpu.memory_space<semaphore_mem>>) src(%dma_wait3A_294 : memref<10000x128xf32, #tpu.memory_space<hbm>>) dst(%arg12 : memref<96x128xf32, #tpu.memory_space<vmem>>)
      %add3A = arith.constant 0 : i32
      %add3A_295 = arith.addi %mul3A_287, %add3A : i32
      "tpu.region"() ({
        %run_scoped3A_338 = tpu.sem_alloc : memref<!tpu.dma_semaphore, #tpu.memory_space<semaphore_mem>>
        %dma_start3A_339 = arith.constant 0 : i32
        %dma_start3A_340 = tpu.memref_slice %arg11[%add3A_295, %dma_start3A_339] : memref<21x96xi32, #tpu.memory_space<vmem>> -> memref<1x96xi32, #tpu.memory_space<vmem>>
        %dma_start3A_341 = tpu.memref_squeeze %dma_start3A_340 : memref<1x96xi32, #tpu.memory_space<vmem>> -> memref<96xi32, #tpu.memory_space<vmem>>
        %dma_start3A_342 = arith.constant 0 : i32
        %dma_start3A_343 = arith.constant 0 : i32
        %dma_start3A_344 = tpu.memref_slice %arg7[%dma_start3A_342, %dma_start3A_343] : memref<10112x128xf32, #tpu.memory_space<vmem_shared>> -> memref<10112x128xf32, #tpu.memory_space<vmem_shared>>
        tpu.enqueue_indirect_dma source(%arg12 : memref<96x128xf32, #tpu.memory_space<vmem>>) target(%dma_start3A_344 : memref<10112x128xf32, #tpu.memory_space<vmem_shared>>) offsets(%dma_start3A_341 : memref<96xi32, #tpu.memory_space<vmem>>) semaphore(%run_scoped3A_338 : memref<!tpu.dma_semaphore, #tpu.memory_space<semaphore_mem>>) {add = true}
        %dma_wait3A_345 = arith.constant 0 : i32
        %dma_wait3A_346 = tpu.memref_slice %arg11[%add3A_295, %dma_wait3A_345] : memref<21x96xi32, #tpu.memory_space<vmem>> -> memref<1x96xi32, #tpu.memory_space<vmem>>
        %dma_wait3A_347 = tpu.memref_squeeze %dma_wait3A_346 : memref<1x96xi32, #tpu.memory_space<vmem>> -> memref<96xi32, #tpu.memory_space<vmem>>
        %dma_wait3A_348 = arith.constant 0 : i32
        %dma_wait3A_349 = arith.constant 0 : i32
        %dma_wait3A_350 = tpu.memref_slice %arg7[%dma_wait3A_348, %dma_wait3A_349] : memref<10112x128xf32, #tpu.memory_space<vmem_shared>> -> memref<10112x128xf32, #tpu.memory_space<vmem_shared>>
        tpu.wait_indirect_dma semaphore(%run_scoped3A_338 : memref<!tpu.dma_semaphore, #tpu.memory_space<semaphore_mem>>) src(%arg12 : memref<96x128xf32, #tpu.memory_space<vmem>>) dst(%dma_wait3A_350 : memref<10112x128xf32, #tpu.memory_space<vmem_shared>>)
        tpu.yield
      }) : () -> ()
      %add3A_296 = arith.constant 0 : i32
      %add3A_297 = arith.addi %mul3A_287, %add3A_296 : i32
      %add3A_298 = arith.constant 3 : i32
      %add3A_299 = arith.addi %add3A_297, %add3A_298 : i32
      %lt3A = arith.constant 21 : i32
      %lt3A_300 = arith.cmpi slt, %add3A_299, %lt3A : i32
      %convert_element_type3A = arith.extui %lt3A_300 : i1 to i32
      %cond3A = arith.constant 0 : i32
      %cond3A_301 = arith.cmpi ne, %convert_element_type3A, %cond3A : i32
      scf.if %cond3A_301 {
        %add3A_338 = arith.constant 0 : i32
        %add3A_339 = arith.addi %mul3A_287, %add3A_338 : i32
        %add3A_340 = arith.constant 3 : i32
        %add3A_341 = arith.addi %add3A_339, %add3A_340 : i32
        %dma_start3A_342 = arith.constant 0 : i32
        %dma_start3A_343 = tpu.memref_slice %arg10[%add3A_341, %dma_start3A_342] : memref<21x96xi32, #tpu.memory_space<vmem>> -> memref<1x96xi32, #tpu.memory_space<vmem>>
        %dma_start3A_344 = tpu.memref_squeeze %dma_start3A_343 : memref<1x96xi32, #tpu.memory_space<vmem>> -> memref<96xi32, #tpu.memory_space<vmem>>
        %dma_start3A_345 = arith.constant 0 : i32
        %dma_start3A_346 = arith.constant 0 : i32
        %dma_start3A_347 = tpu.memref_slice %arg2[%dma_start3A_345, %dma_start3A_346] : memref<10000x128xf32, #tpu.memory_space<hbm>> -> memref<10000x128xf32, #tpu.memory_space<hbm>>
        tpu.enqueue_indirect_dma source(%dma_start3A_347 : memref<10000x128xf32, #tpu.memory_space<hbm>>) target(%arg12 : memref<96x128xf32, #tpu.memory_space<vmem>>) offsets(%dma_start3A_344 : memref<96xi32, #tpu.memory_space<vmem>>) semaphore(%arg15 : memref<!tpu.dma_semaphore, #tpu.memory_space<semaphore_mem>>)
      } else {
      }
      %dma_wait3A_302 = arith.constant 0 : i32
      %dma_wait3A_303 = arith.constant 0 : i32
      %dma_wait3A_304 = tpu.memref_slice %arg10[%dma_wait3A_302, %dma_wait3A_303] : memref<21x96xi32, #tpu.memory_space<vmem>> -> memref<1x96xi32, #tpu.memory_space<vmem>>
      %dma_wait3A_305 = tpu.memref_squeeze %dma_wait3A_304 : memref<1x96xi32, #tpu.memory_space<vmem>> -> memref<96xi32, #tpu.memory_space<vmem>>
      %dma_wait3A_306 = arith.constant 0 : i32
      %dma_wait3A_307 = arith.constant 0 : i32
      %dma_wait3A_308 = tpu.memref_slice %arg2[%dma_wait3A_306, %dma_wait3A_307] : memref<10000x128xf32, #tpu.memory_space<hbm>> -> memref<10000x128xf32, #tpu.memory_space<hbm>>
      tpu.wait_indirect_dma semaphore(%arg16 : memref<!tpu.dma_semaphore, #tpu.memory_space<semaphore_mem>>) src(%dma_wait3A_308 : memref<10000x128xf32, #tpu.memory_space<hbm>>) dst(%arg13 : memref<96x128xf32, #tpu.memory_space<vmem>>)
      %add3A_309 = arith.constant 1 : i32
      %add3A_310 = arith.addi %mul3A_287, %add3A_309 : i32
      "tpu.region"() ({
        %run_scoped3A_338 = tpu.sem_alloc : memref<!tpu.dma_semaphore, #tpu.memory_space<semaphore_mem>>
        %dma_start3A_339 = arith.constant 0 : i32
        %dma_start3A_340 = tpu.memref_slice %arg11[%add3A_310, %dma_start3A_339] : memref<21x96xi32, #tpu.memory_space<vmem>> -> memref<1x96xi32, #tpu.memory_space<vmem>>
        %dma_start3A_341 = tpu.memref_squeeze %dma_start3A_340 : memref<1x96xi32, #tpu.memory_space<vmem>> -> memref<96xi32, #tpu.memory_space<vmem>>
        %dma_start3A_342 = arith.constant 0 : i32
        %dma_start3A_343 = arith.constant 0 : i32
        %dma_start3A_344 = tpu.memref_slice %arg7[%dma_start3A_342, %dma_start3A_343] : memref<10112x128xf32, #tpu.memory_space<vmem_shared>> -> memref<10112x128xf32, #tpu.memory_space<vmem_shared>>
        tpu.enqueue_indirect_dma source(%arg13 : memref<96x128xf32, #tpu.memory_space<vmem>>) target(%dma_start3A_344 : memref<10112x128xf32, #tpu.memory_space<vmem_shared>>) offsets(%dma_start3A_341 : memref<96xi32, #tpu.memory_space<vmem>>) semaphore(%run_scoped3A_338 : memref<!tpu.dma_semaphore, #tpu.memory_space<semaphore_mem>>) {add = true}
        %dma_wait3A_345 = arith.constant 0 : i32
        %dma_wait3A_346 = tpu.memref_slice %arg11[%add3A_310, %dma_wait3A_345] : memref<21x96xi32, #tpu.memory_space<vmem>> -> memref<1x96xi32, #tpu.memory_space<vmem>>
        %dma_wait3A_347 = tpu.memref_squeeze %dma_wait3A_346 : memref<1x96xi32, #tpu.memory_space<vmem>> -> memref<96xi32, #tpu.memory_space<vmem>>
        %dma_wait3A_348 = arith.constant 0 : i32
        %dma_wait3A_349 = arith.constant 0 : i32
        %dma_wait3A_350 = tpu.memref_slice %arg7[%dma_wait3A_348, %dma_wait3A_349] : memref<10112x128xf32, #tpu.memory_space<vmem_shared>> -> memref<10112x128xf32, #tpu.memory_space<vmem_shared>>
        tpu.wait_indirect_dma semaphore(%run_scoped3A_338 : memref<!tpu.dma_semaphore, #tpu.memory_space<semaphore_mem>>) src(%arg13 : memref<96x128xf32, #tpu.memory_space<vmem>>) dst(%dma_wait3A_350 : memref<10112x128xf32, #tpu.memory_space<vmem_shared>>)
        tpu.yield
      }) : () -> ()
      %add3A_311 = arith.constant 1 : i32
      %add3A_312 = arith.addi %mul3A_287, %add3A_311 : i32
      %add3A_313 = arith.constant 3 : i32
      %add3A_314 = arith.addi %add3A_312, %add3A_313 : i32
      %lt3A_315 = arith.constant 21 : i32
      %lt3A_316 = arith.cmpi slt, %add3A_314, %lt3A_315 : i32
      %convert_element_type3A_317 = arith.extui %lt3A_316 : i1 to i32
      %cond3A_318 = arith.constant 0 : i32
      %cond3A_319 = arith.cmpi ne, %convert_element_type3A_317, %cond3A_318 : i32
      scf.if %cond3A_319 {
        %add3A_338 = arith.constant 1 : i32
        %add3A_339 = arith.addi %mul3A_287, %add3A_338 : i32
        %add3A_340 = arith.constant 3 : i32
        %add3A_341 = arith.addi %add3A_339, %add3A_340 : i32
        %dma_start3A_342 = arith.constant 0 : i32
        %dma_start3A_343 = tpu.memref_slice %arg10[%add3A_341, %dma_start3A_342] : memref<21x96xi32, #tpu.memory_space<vmem>> -> memref<1x96xi32, #tpu.memory_space<vmem>>
        %dma_start3A_344 = tpu.memref_squeeze %dma_start3A_343 : memref<1x96xi32, #tpu.memory_space<vmem>> -> memref<96xi32, #tpu.memory_space<vmem>>
        %dma_start3A_345 = arith.constant 0 : i32
        %dma_start3A_346 = arith.constant 0 : i32
        %dma_start3A_347 = tpu.memref_slice %arg2[%dma_start3A_345, %dma_start3A_346] : memref<10000x128xf32, #tpu.memory_space<hbm>> -> memref<10000x128xf32, #tpu.memory_space<hbm>>
        tpu.enqueue_indirect_dma source(%dma_start3A_347 : memref<10000x128xf32, #tpu.memory_space<hbm>>) target(%arg13 : memref<96x128xf32, #tpu.memory_space<vmem>>) offsets(%dma_start3A_344 : memref<96xi32, #tpu.memory_space<vmem>>) semaphore(%arg16 : memref<!tpu.dma_semaphore, #tpu.memory_space<semaphore_mem>>)
      } else {
      }
      %dma_wait3A_320 = arith.constant 0 : i32
      %dma_wait3A_321 = arith.constant 0 : i32
      %dma_wait3A_322 = tpu.memref_slice %arg10[%dma_wait3A_320, %dma_wait3A_321] : memref<21x96xi32, #tpu.memory_space<vmem>> -> memref<1x96xi32, #tpu.memory_space<vmem>>
      %dma_wait3A_323 = tpu.memref_squeeze %dma_wait3A_322 : memref<1x96xi32, #tpu.memory_space<vmem>> -> memref<96xi32, #tpu.memory_space<vmem>>
      %dma_wait3A_324 = arith.constant 0 : i32
      %dma_wait3A_325 = arith.constant 0 : i32
      %dma_wait3A_326 = tpu.memref_slice %arg2[%dma_wait3A_324, %dma_wait3A_325] : memref<10000x128xf32, #tpu.memory_space<hbm>> -> memref<10000x128xf32, #tpu.memory_space<hbm>>
      tpu.wait_indirect_dma semaphore(%arg17 : memref<!tpu.dma_semaphore, #tpu.memory_space<semaphore_mem>>) src(%dma_wait3A_326 : memref<10000x128xf32, #tpu.memory_space<hbm>>) dst(%arg14 : memref<96x128xf32, #tpu.memory_space<vmem>>)
      %add3A_327 = arith.constant 2 : i32
      %add3A_328 = arith.addi %mul3A_287, %add3A_327 : i32
      "tpu.region"() ({
        %run_scoped3A_338 = tpu.sem_alloc : memref<!tpu.dma_semaphore, #tpu.memory_space<semaphore_mem>>
        %dma_start3A_339 = arith.constant 0 : i32
        %dma_start3A_340 = tpu.memref_slice %arg11[%add3A_328, %dma_start3A_339] : memref<21x96xi32, #tpu.memory_space<vmem>> -> memref<1x96xi32, #tpu.memory_space<vmem>>
        %dma_start3A_341 = tpu.memref_squeeze %dma_start3A_340 : memref<1x96xi32, #tpu.memory_space<vmem>> -> memref<96xi32, #tpu.memory_space<vmem>>
        %dma_start3A_342 = arith.constant 0 : i32
        %dma_start3A_343 = arith.constant 0 : i32
        %dma_start3A_344 = tpu.memref_slice %arg7[%dma_start3A_342, %dma_start3A_343] : memref<10112x128xf32, #tpu.memory_space<vmem_shared>> -> memref<10112x128xf32, #tpu.memory_space<vmem_shared>>
        tpu.enqueue_indirect_dma source(%arg14 : memref<96x128xf32, #tpu.memory_space<vmem>>) target(%dma_start3A_344 : memref<10112x128xf32, #tpu.memory_space<vmem_shared>>) offsets(%dma_start3A_341 : memref<96xi32, #tpu.memory_space<vmem>>) semaphore(%run_scoped3A_338 : memref<!tpu.dma_semaphore, #tpu.memory_space<semaphore_mem>>) {add = true}
        %dma_wait3A_345 = arith.constant 0 : i32
        %dma_wait3A_346 = tpu.memref_slice %arg11[%add3A_328, %dma_wait3A_345] : memref<21x96xi32, #tpu.memory_space<vmem>> -> memref<1x96xi32, #tpu.memory_space<vmem>>
        %dma_wait3A_347 = tpu.memref_squeeze %dma_wait3A_346 : memref<1x96xi32, #tpu.memory_space<vmem>> -> memref<96xi32, #tpu.memory_space<vmem>>
        %dma_wait3A_348 = arith.constant 0 : i32
        %dma_wait3A_349 = arith.constant 0 : i32
        %dma_wait3A_350 = tpu.memref_slice %arg7[%dma_wait3A_348, %dma_wait3A_349] : memref<10112x128xf32, #tpu.memory_space<vmem_shared>> -> memref<10112x128xf32, #tpu.memory_space<vmem_shared>>
        tpu.wait_indirect_dma semaphore(%run_scoped3A_338 : memref<!tpu.dma_semaphore, #tpu.memory_space<semaphore_mem>>) src(%arg14 : memref<96x128xf32, #tpu.memory_space<vmem>>) dst(%dma_wait3A_350 : memref<10112x128xf32, #tpu.memory_space<vmem_shared>>)
        tpu.yield
      }) : () -> ()
      %add3A_329 = arith.constant 2 : i32
      %add3A_330 = arith.addi %mul3A_287, %add3A_329 : i32
      %add3A_331 = arith.constant 3 : i32
      %add3A_332 = arith.addi %add3A_330, %add3A_331 : i32
      %lt3A_333 = arith.constant 21 : i32
      %lt3A_334 = arith.cmpi slt, %add3A_332, %lt3A_333 : i32
      %convert_element_type3A_335 = arith.extui %lt3A_334 : i1 to i32
      %cond3A_336 = arith.constant 0 : i32
      %cond3A_337 = arith.cmpi ne, %convert_element_type3A_335, %cond3A_336 : i32
      scf.if %cond3A_337 {
        %add3A_338 = arith.constant 2 : i32
        %add3A_339 = arith.addi %mul3A_287, %add3A_338 : i32
        %add3A_340 = arith.constant 3 : i32
        %add3A_341 = arith.addi %add3A_339, %add3A_340 : i32
        %dma_start3A_342 = arith.constant 0 : i32
        %dma_start3A_343 = tpu.memref_slice %arg10[%add3A_341, %dma_start3A_342] : memref<21x96xi32, #tpu.memory_space<vmem>> -> memref<1x96xi32, #tpu.memory_space<vmem>>
        %dma_start3A_344 = tpu.memref_squeeze %dma_start3A_343 : memref<1x96xi32, #tpu.memory_space<vmem>> -> memref<96xi32, #tpu.memory_space<vmem>>
        %dma_start3A_345 = arith.constant 0 : i32
        %dma_start3A_346 = arith.constant 0 : i32
        %dma_start3A_347 = tpu.memref_slice %arg2[%dma_start3A_345, %dma_start3A_346] : memref<10000x128xf32, #tpu.memory_space<hbm>> -> memref<10000x128xf32, #tpu.memory_space<hbm>>
        tpu.enqueue_indirect_dma source(%dma_start3A_347 : memref<10000x128xf32, #tpu.memory_space<hbm>>) target(%arg14 : memref<96x128xf32, #tpu.memory_space<vmem>>) offsets(%dma_start3A_344 : memref<96xi32, #tpu.memory_space<vmem>>) semaphore(%arg17 : memref<!tpu.dma_semaphore, #tpu.memory_space<semaphore_mem>>)
      } else {
      }
    }
    %scan3A_234 = arith.constant 7 : i32
    %dma_wait3A_235 = arith.constant 0 : i32
    %dma_wait3A_236 = arith.constant 0 : i32
    %dma_wait3A_237 = arith.constant 0 : i32
    %dma_wait3A_238 = tpu.memref_slice %arg3[%arg0, %arg1, %dma_wait3A_235, %dma_wait3A_236, %dma_wait3A_237] : memref<2x16x5x21x96xi32, #tpu.memory_space<hbm>> -> memref<1x1x1x21x96xi32, #tpu.memory_space<hbm>>
    %dma_wait3A_239 = tpu.memref_squeeze %dma_wait3A_238 : memref<1x1x1x21x96xi32, #tpu.memory_space<hbm>> -> memref<21x96xi32, #tpu.memory_space<hbm>>
    %dma_wait3A_240 = arith.constant 0 : i32
    %dma_wait3A_241 = arith.constant 0 : i32
    %dma_wait3A_242 = tpu.memref_slice %arg3[%arg0, %arg1, %dma_wait3A_235, %dma_wait3A_240, %dma_wait3A_241] : memref<2x16x5x21x96xi32, #tpu.memory_space<hbm>> -> memref<1x1x1x21x96xi32, #tpu.memory_space<hbm>>
    %dma_wait3A_243 = tpu.memref_squeeze %dma_wait3A_242 : memref<1x1x1x21x96xi32, #tpu.memory_space<hbm>> -> memref<21x96xi32, #tpu.memory_space<hbm>>
    tpu.wait_dma2 semaphore(%arg18 : memref<!tpu.dma_semaphore, #tpu.memory_space<semaphore_mem>>) src(%dma_wait3A_243 : memref<21x96xi32, #tpu.memory_space<hbm>>) dst(%arg8 : memref<21x96xi32, #tpu.memory_space<vmem>>)
    %dma_wait3A_244 = arith.constant 0 : i32
    %dma_wait3A_245 = arith.constant 0 : i32
    %dma_wait3A_246 = arith.constant 0 : i32
    %dma_wait3A_247 = tpu.memref_slice %arg3[%arg0, %arg1, %dma_wait3A_244, %dma_wait3A_245, %dma_wait3A_246] : memref<2x16x5x21x96xi32, #tpu.memory_space<hbm>> -> memref<1x1x1x21x96xi32, #tpu.memory_space<hbm>>
    %dma_wait3A_248 = tpu.memref_squeeze %dma_wait3A_247 : memref<1x1x1x21x96xi32, #tpu.memory_space<hbm>> -> memref<21x96xi32, #tpu.memory_space<hbm>>
    %dma_wait3A_249 = arith.constant 0 : i32
    %dma_wait3A_250 = arith.constant 0 : i32
    %dma_wait3A_251 = tpu.memref_slice %arg3[%arg0, %arg1, %dma_wait3A_244, %dma_wait3A_249, %dma_wait3A_250] : memref<2x16x5x21x96xi32, #tpu.memory_space<hbm>> -> memref<1x1x1x21x96xi32, #tpu.memory_space<hbm>>
    %dma_wait3A_252 = tpu.memref_squeeze %dma_wait3A_251 : memref<1x1x1x21x96xi32, #tpu.memory_space<hbm>> -> memref<21x96xi32, #tpu.memory_space<hbm>>
    tpu.wait_dma2 semaphore(%arg19 : memref<!tpu.dma_semaphore, #tpu.memory_space<semaphore_mem>>) src(%dma_wait3A_252 : memref<21x96xi32, #tpu.memory_space<hbm>>) dst(%arg9 : memref<21x96xi32, #tpu.memory_space<vmem>>)
    %dma_start3A_253 = arith.constant 0 : i32
    %dma_start3A_254 = arith.constant 0 : i32
    %dma_start3A_255 = tpu.memref_slice %arg8[%dma_start3A_253, %dma_start3A_254] : memref<21x96xi32, #tpu.memory_space<vmem>> -> memref<1x96xi32, #tpu.memory_space<vmem>>
    %dma_start3A_256 = tpu.memref_squeeze %dma_start3A_255 : memref<1x96xi32, #tpu.memory_space<vmem>> -> memref<96xi32, #tpu.memory_space<vmem>>
    %dma_start3A_257 = arith.constant 0 : i32
    %dma_start3A_258 = arith.constant 0 : i32
    %dma_start3A_259 = tpu.memref_slice %arg2[%dma_start3A_257, %dma_start3A_258] : memref<10000x128xf32, #tpu.memory_space<hbm>> -> memref<10000x128xf32, #tpu.memory_space<hbm>>
    tpu.enqueue_indirect_dma source(%dma_start3A_259 : memref<10000x128xf32, #tpu.memory_space<hbm>>) target(%arg12 : memref<96x128xf32, #tpu.memory_space<vmem>>) offsets(%dma_start3A_256 : memref<96xi32, #tpu.memory_space<vmem>>) semaphore(%arg15 : memref<!tpu.dma_semaphore, #tpu.memory_space<semaphore_mem>>)
    %dma_start3A_260 = arith.constant 1 : i32
    %dma_start3A_261 = arith.constant 0 : i32
    %dma_start3A_262 = tpu.memref_slice %arg8[%dma_start3A_260, %dma_start3A_261] : memref<21x96xi32, #tpu.memory_space<vmem>> -> memref<1x96xi32, #tpu.memory_space<vmem>>
    %dma_start3A_263 = tpu.memref_squeeze %dma_start3A_262 : memref<1x96xi32, #tpu.memory_space<vmem>> -> memref<96xi32, #tpu.memory_space<vmem>>
    %dma_start3A_264 = arith.constant 0 : i32
    %dma_start3A_265 = arith.constant 0 : i32
    %dma_start3A_266 = tpu.memref_slice %arg2[%dma_start3A_264, %dma_start3A_265] : memref<10000x128xf32, #tpu.memory_space<hbm>> -> memref<10000x128xf32, #tpu.memory_space<hbm>>
    tpu.enqueue_indirect_dma source(%dma_start3A_266 : memref<10000x128xf32, #tpu.memory_space<hbm>>) target(%arg13 : memref<96x128xf32, #tpu.memory_space<vmem>>) offsets(%dma_start3A_263 : memref<96xi32, #tpu.memory_space<vmem>>) semaphore(%arg16 : memref<!tpu.dma_semaphore, #tpu.memory_space<semaphore_mem>>)
    %dma_start3A_267 = arith.constant 2 : i32
    %dma_start3A_268 = arith.constant 0 : i32
    %dma_start3A_269 = tpu.memref_slice %arg8[%dma_start3A_267, %dma_start3A_268] : memref<21x96xi32, #tpu.memory_space<vmem>> -> memref<1x96xi32, #tpu.memory_space<vmem>>
    %dma_start3A_270 = tpu.memref_squeeze %dma_start3A_269 : memref<1x96xi32, #tpu.memory_space<vmem>> -> memref<96xi32, #tpu.memory_space<vmem>>
    %dma_start3A_271 = arith.constant 0 : i32
    %dma_start3A_272 = arith.constant 0 : i32
    %dma_start3A_273 = tpu.memref_slice %arg2[%dma_start3A_271, %dma_start3A_272] : memref<10000x128xf32, #tpu.memory_space<hbm>> -> memref<10000x128xf32, #tpu.memory_space<hbm>>
    tpu.enqueue_indirect_dma source(%dma_start3A_273 : memref<10000x128xf32, #tpu.memory_space<hbm>>) target(%arg14 : memref<96x128xf32, #tpu.memory_space<vmem>>) offsets(%dma_start3A_270 : memref<96xi32, #tpu.memory_space<vmem>>) semaphore(%arg17 : memref<!tpu.dma_semaphore, #tpu.memory_space<semaphore_mem>>)
    %scan3A_274 = arith.constant 0 : i32
    %scan3A_275 = arith.constant 0 : i32
    %scan3A_276 = arith.constant 7 : i32
    %scan3A_277 = arith.addi %scan3A_275, %scan3A_276 : i32
    %scan3A_278 = arith.constant 1 : i32
    scf.for %scan3A_285 = %scan3A_275 to %scan3A_277 step %scan3A_278  : i32 {
      %mul3A_286 = arith.constant 3 : i32
      %mul3A_287 = arith.muli %mul3A_286, %scan3A_285 : i32
      %dma_wait3A_288 = arith.constant 0 : i32
      %dma_wait3A_289 = arith.constant 0 : i32
      %dma_wait3A_290 = tpu.memref_slice %arg8[%dma_wait3A_288, %dma_wait3A_289] : memref<21x96xi32, #tpu.memory_space<vmem>> -> memref<1x96xi32, #tpu.memory_space<vmem>>
      %dma_wait3A_291 = tpu.memref_squeeze %dma_wait3A_290 : memref<1x96xi32, #tpu.memory_space<vmem>> -> memref<96xi32, #tpu.memory_space<vmem>>
      %dma_wait3A_292 = arith.constant 0 : i32
      %dma_wait3A_293 = arith.constant 0 : i32
      %dma_wait3A_294 = tpu.memref_slice %arg2[%dma_wait3A_292, %dma_wait3A_293] : memref<10000x128xf32, #tpu.memory_space<hbm>> -> memref<10000x128xf32, #tpu.memory_space<hbm>>
      tpu.wait_indirect_dma semaphore(%arg15 : memref<!tpu.dma_semaphore, #tpu.memory_space<semaphore_mem>>) src(%dma_wait3A_294 : memref<10000x128xf32, #tpu.memory_space<hbm>>) dst(%arg12 : memref<96x128xf32, #tpu.memory_space<vmem>>)
      %add3A = arith.constant 0 : i32
      %add3A_295 = arith.addi %mul3A_287, %add3A : i32
      "tpu.region"() ({
        %run_scoped3A_338 = tpu.sem_alloc : memref<!tpu.dma_semaphore, #tpu.memory_space<semaphore_mem>>
        %dma_start3A_339 = arith.constant 0 : i32
        %dma_start3A_340 = tpu.memref_slice %arg9[%add3A_295, %dma_start3A_339] : memref<21x96xi32, #tpu.memory_space<vmem>> -> memref<1x96xi32, #tpu.memory_space<vmem>>
        %dma_start3A_341 = tpu.memref_squeeze %dma_start3A_340 : memref<1x96xi32, #tpu.memory_space<vmem>> -> memref<96xi32, #tpu.memory_space<vmem>>
        %dma_start3A_342 = arith.constant 0 : i32
        %dma_start3A_343 = arith.constant 0 : i32
        %dma_start3A_344 = tpu.memref_slice %arg7[%dma_start3A_342, %dma_start3A_343] : memref<10112x128xf32, #tpu.memory_space<vmem_shared>> -> memref<10112x128xf32, #tpu.memory_space<vmem_shared>>
        tpu.enqueue_indirect_dma source(%arg12 : memref<96x128xf32, #tpu.memory_space<vmem>>) target(%dma_start3A_344 : memref<10112x128xf32, #tpu.memory_space<vmem_shared>>) offsets(%dma_start3A_341 : memref<96xi32, #tpu.memory_space<vmem>>) semaphore(%run_scoped3A_338 : memref<!tpu.dma_semaphore, #tpu.memory_space<semaphore_mem>>) {add = true}
        %dma_wait3A_345 = arith.constant 0 : i32
        %dma_wait3A_346 = tpu.memref_slice %arg9[%add3A_295, %dma_wait3A_345] : memref<21x96xi32, #tpu.memory_space<vmem>> -> memref<1x96xi32, #tpu.memory_space<vmem>>
        %dma_wait3A_347 = tpu.memref_squeeze %dma_wait3A_346 : memref<1x96xi32, #tpu.memory_space<vmem>> -> memref<96xi32, #tpu.memory_space<vmem>>
        %dma_wait3A_348 = arith.constant 0 : i32
        %dma_wait3A_349 = arith.constant 0 : i32
        %dma_wait3A_350 = tpu.memref_slice %arg7[%dma_wait3A_348, %dma_wait3A_349] : memref<10112x128xf32, #tpu.memory_space<vmem_shared>> -> memref<10112x128xf32, #tpu.memory_space<vmem_shared>>
        tpu.wait_indirect_dma semaphore(%run_scoped3A_338 : memref<!tpu.dma_semaphore, #tpu.memory_space<semaphore_mem>>) src(%arg12 : memref<96x128xf32, #tpu.memory_space<vmem>>) dst(%dma_wait3A_350 : memref<10112x128xf32, #tpu.memory_space<vmem_shared>>)
        tpu.yield
      }) : () -> ()
      %add3A_296 = arith.constant 0 : i32
      %add3A_297 = arith.addi %mul3A_287, %add3A_296 : i32
      %add3A_298 = arith.constant 3 : i32
      %add3A_299 = arith.addi %add3A_297, %add3A_298 : i32
      %lt3A = arith.constant 21 : i32
      %lt3A_300 = arith.cmpi slt, %add3A_299, %lt3A : i32
      %convert_element_type3A = arith.extui %lt3A_300 : i1 to i32
      %cond3A = arith.constant 0 : i32
      %cond3A_301 = arith.cmpi ne, %convert_element_type3A, %cond3A : i32
      scf.if %cond3A_301 {
        %add3A_338 = arith.constant 0 : i32
        %add3A_339 = arith.addi %mul3A_287, %add3A_338 : i32
        %add3A_340 = arith.constant 3 : i32
        %add3A_341 = arith.addi %add3A_339, %add3A_340 : i32
        %dma_start3A_342 = arith.constant 0 : i32
        %dma_start3A_343 = tpu.memref_slice %arg8[%add3A_341, %dma_start3A_342] : memref<21x96xi32, #tpu.memory_space<vmem>> -> memref<1x96xi32, #tpu.memory_space<vmem>>
        %dma_start3A_344 = tpu.memref_squeeze %dma_start3A_343 : memref<1x96xi32, #tpu.memory_space<vmem>> -> memref<96xi32, #tpu.memory_space<vmem>>
        %dma_start3A_345 = arith.constant 0 : i32
        %dma_start3A_346 = arith.constant 0 : i32
        %dma_start3A_347 = tpu.memref_slice %arg2[%dma_start3A_345, %dma_start3A_346] : memref<10000x128xf32, #tpu.memory_space<hbm>> -> memref<10000x128xf32, #tpu.memory_space<hbm>>
        tpu.enqueue_indirect_dma source(%dma_start3A_347 : memref<10000x128xf32, #tpu.memory_space<hbm>>) target(%arg12 : memref<96x128xf32, #tpu.memory_space<vmem>>) offsets(%dma_start3A_344 : memref<96xi32, #tpu.memory_space<vmem>>) semaphore(%arg15 : memref<!tpu.dma_semaphore, #tpu.memory_space<semaphore_mem>>)
      } else {
      }
      %dma_wait3A_302 = arith.constant 0 : i32
      %dma_wait3A_303 = arith.constant 0 : i32
      %dma_wait3A_304 = tpu.memref_slice %arg8[%dma_wait3A_302, %dma_wait3A_303] : memref<21x96xi32, #tpu.memory_space<vmem>> -> memref<1x96xi32, #tpu.memory_space<vmem>>
      %dma_wait3A_305 = tpu.memref_squeeze %dma_wait3A_304 : memref<1x96xi32, #tpu.memory_space<vmem>> -> memref<96xi32, #tpu.memory_space<vmem>>
      %dma_wait3A_306 = arith.constant 0 : i32
      %dma_wait3A_307 = arith.constant 0 : i32
      %dma_wait3A_308 = tpu.memref_slice %arg2[%dma_wait3A_306, %dma_wait3A_307] : memref<10000x128xf32, #tpu.memory_space<hbm>> -> memref<10000x128xf32, #tpu.memory_space<hbm>>
      tpu.wait_indirect_dma semaphore(%arg16 : memref<!tpu.dma_semaphore, #tpu.memory_space<semaphore_mem>>) src(%dma_wait3A_308 : memref<10000x128xf32, #tpu.memory_space<hbm>>) dst(%arg13 : memref<96x128xf32, #tpu.memory_space<vmem>>)
      %add3A_309 = arith.constant 1 : i32
      %add3A_310 = arith.addi %mul3A_287, %add3A_309 : i32
      "tpu.region"() ({
        %run_scoped3A_338 = tpu.sem_alloc : memref<!tpu.dma_semaphore, #tpu.memory_space<semaphore_mem>>
        %dma_start3A_339 = arith.constant 0 : i32
        %dma_start3A_340 = tpu.memref_slice %arg9[%add3A_310, %dma_start3A_339] : memref<21x96xi32, #tpu.memory_space<vmem>> -> memref<1x96xi32, #tpu.memory_space<vmem>>
        %dma_start3A_341 = tpu.memref_squeeze %dma_start3A_340 : memref<1x96xi32, #tpu.memory_space<vmem>> -> memref<96xi32, #tpu.memory_space<vmem>>
        %dma_start3A_342 = arith.constant 0 : i32
        %dma_start3A_343 = arith.constant 0 : i32
        %dma_start3A_344 = tpu.memref_slice %arg7[%dma_start3A_342, %dma_start3A_343] : memref<10112x128xf32, #tpu.memory_space<vmem_shared>> -> memref<10112x128xf32, #tpu.memory_space<vmem_shared>>
        tpu.enqueue_indirect_dma source(%arg13 : memref<96x128xf32, #tpu.memory_space<vmem>>) target(%dma_start3A_344 : memref<10112x128xf32, #tpu.memory_space<vmem_shared>>) offsets(%dma_start3A_341 : memref<96xi32, #tpu.memory_space<vmem>>) semaphore(%run_scoped3A_338 : memref<!tpu.dma_semaphore, #tpu.memory_space<semaphore_mem>>) {add = true}
        %dma_wait3A_345 = arith.constant 0 : i32
        %dma_wait3A_346 = tpu.memref_slice %arg9[%add3A_310, %dma_wait3A_345] : memref<21x96xi32, #tpu.memory_space<vmem>> -> memref<1x96xi32, #tpu.memory_space<vmem>>
        %dma_wait3A_347 = tpu.memref_squeeze %dma_wait3A_346 : memref<1x96xi32, #tpu.memory_space<vmem>> -> memref<96xi32, #tpu.memory_space<vmem>>
        %dma_wait3A_348 = arith.constant 0 : i32
        %dma_wait3A_349 = arith.constant 0 : i32
        %dma_wait3A_350 = tpu.memref_slice %arg7[%dma_wait3A_348, %dma_wait3A_349] : memref<10112x128xf32, #tpu.memory_space<vmem_shared>> -> memref<10112x128xf32, #tpu.memory_space<vmem_shared>>
        tpu.wait_indirect_dma semaphore(%run_scoped3A_338 : memref<!tpu.dma_semaphore, #tpu.memory_space<semaphore_mem>>) src(%arg13 : memref<96x128xf32, #tpu.memory_space<vmem>>) dst(%dma_wait3A_350 : memref<10112x128xf32, #tpu.memory_space<vmem_shared>>)
        tpu.yield
      }) : () -> ()
      %add3A_311 = arith.constant 1 : i32
      %add3A_312 = arith.addi %mul3A_287, %add3A_311 : i32
      %add3A_313 = arith.constant 3 : i32
      %add3A_314 = arith.addi %add3A_312, %add3A_313 : i32
      %lt3A_315 = arith.constant 21 : i32
      %lt3A_316 = arith.cmpi slt, %add3A_314, %lt3A_315 : i32
      %convert_element_type3A_317 = arith.extui %lt3A_316 : i1 to i32
      %cond3A_318 = arith.constant 0 : i32
      %cond3A_319 = arith.cmpi ne, %convert_element_type3A_317, %cond3A_318 : i32
      scf.if %cond3A_319 {
        %add3A_338 = arith.constant 1 : i32
        %add3A_339 = arith.addi %mul3A_287, %add3A_338 : i32
        %add3A_340 = arith.constant 3 : i32
        %add3A_341 = arith.addi %add3A_339, %add3A_340 : i32
        %dma_start3A_342 = arith.constant 0 : i32
        %dma_start3A_343 = tpu.memref_slice %arg8[%add3A_341, %dma_start3A_342] : memref<21x96xi32, #tpu.memory_space<vmem>> -> memref<1x96xi32, #tpu.memory_space<vmem>>
        %dma_start3A_344 = tpu.memref_squeeze %dma_start3A_343 : memref<1x96xi32, #tpu.memory_space<vmem>> -> memref<96xi32, #tpu.memory_space<vmem>>
        %dma_start3A_345 = arith.constant 0 : i32
        %dma_start3A_346 = arith.constant 0 : i32
        %dma_start3A_347 = tpu.memref_slice %arg2[%dma_start3A_345, %dma_start3A_346] : memref<10000x128xf32, #tpu.memory_space<hbm>> -> memref<10000x128xf32, #tpu.memory_space<hbm>>
        tpu.enqueue_indirect_dma source(%dma_start3A_347 : memref<10000x128xf32, #tpu.memory_space<hbm>>) target(%arg13 : memref<96x128xf32, #tpu.memory_space<vmem>>) offsets(%dma_start3A_344 : memref<96xi32, #tpu.memory_space<vmem>>) semaphore(%arg16 : memref<!tpu.dma_semaphore, #tpu.memory_space<semaphore_mem>>)
      } else {
      }
      %dma_wait3A_320 = arith.constant 0 : i32
      %dma_wait3A_321 = arith.constant 0 : i32
      %dma_wait3A_322 = tpu.memref_slice %arg8[%dma_wait3A_320, %dma_wait3A_321] : memref<21x96xi32, #tpu.memory_space<vmem>> -> memref<1x96xi32, #tpu.memory_space<vmem>>
      %dma_wait3A_323 = tpu.memref_squeeze %dma_wait3A_322 : memref<1x96xi32, #tpu.memory_space<vmem>> -> memref<96xi32, #tpu.memory_space<vmem>>
      %dma_wait3A_324 = arith.constant 0 : i32
      %dma_wait3A_325 = arith.constant 0 : i32
      %dma_wait3A_326 = tpu.memref_slice %arg2[%dma_wait3A_324, %dma_wait3A_325] : memref<10000x128xf32, #tpu.memory_space<hbm>> -> memref<10000x128xf32, #tpu.memory_space<hbm>>
      tpu.wait_indirect_dma semaphore(%arg17 : memref<!tpu.dma_semaphore, #tpu.memory_space<semaphore_mem>>) src(%dma_wait3A_326 : memref<10000x128xf32, #tpu.memory_space<hbm>>) dst(%arg14 : memref<96x128xf32, #tpu.memory_space<vmem>>)
      %add3A_327 = arith.constant 2 : i32
      %add3A_328 = arith.addi %mul3A_287, %add3A_327 : i32
      "tpu.region"() ({
        %run_scoped3A_338 = tpu.sem_alloc : memref<!tpu.dma_semaphore, #tpu.memory_space<semaphore_mem>>
        %dma_start3A_339 = arith.constant 0 : i32
        %dma_start3A_340 = tpu.memref_slice %arg9[%add3A_328, %dma_start3A_339] : memref<21x96xi32, #tpu.memory_space<vmem>> -> memref<1x96xi32, #tpu.memory_space<vmem>>
        %dma_start3A_341 = tpu.memref_squeeze %dma_start3A_340 : memref<1x96xi32, #tpu.memory_space<vmem>> -> memref<96xi32, #tpu.memory_space<vmem>>
        %dma_start3A_342 = arith.constant 0 : i32
        %dma_start3A_343 = arith.constant 0 : i32
        %dma_start3A_344 = tpu.memref_slice %arg7[%dma_start3A_342, %dma_start3A_343] : memref<10112x128xf32, #tpu.memory_space<vmem_shared>> -> memref<10112x128xf32, #tpu.memory_space<vmem_shared>>
        tpu.enqueue_indirect_dma source(%arg14 : memref<96x128xf32, #tpu.memory_space<vmem>>) target(%dma_start3A_344 : memref<10112x128xf32, #tpu.memory_space<vmem_shared>>) offsets(%dma_start3A_341 : memref<96xi32, #tpu.memory_space<vmem>>) semaphore(%run_scoped3A_338 : memref<!tpu.dma_semaphore, #tpu.memory_space<semaphore_mem>>) {add = true}
        %dma_wait3A_345 = arith.constant 0 : i32
        %dma_wait3A_346 = tpu.memref_slice %arg9[%add3A_328, %dma_wait3A_345] : memref<21x96xi32, #tpu.memory_space<vmem>> -> memref<1x96xi32, #tpu.memory_space<vmem>>
        %dma_wait3A_347 = tpu.memref_squeeze %dma_wait3A_346 : memref<1x96xi32, #tpu.memory_space<vmem>> -> memref<96xi32, #tpu.memory_space<vmem>>
        %dma_wait3A_348 = arith.constant 0 : i32
        %dma_wait3A_349 = arith.constant 0 : i32
        %dma_wait3A_350 = tpu.memref_slice %arg7[%dma_wait3A_348, %dma_wait3A_349] : memref<10112x128xf32, #tpu.memory_space<vmem_shared>> -> memref<10112x128xf32, #tpu.memory_space<vmem_shared>>
        tpu.wait_indirect_dma semaphore(%run_scoped3A_338 : memref<!tpu.dma_semaphore, #tpu.memory_space<semaphore_mem>>) src(%arg14 : memref<96x128xf32, #tpu.memory_space<vmem>>) dst(%dma_wait3A_350 : memref<10112x128xf32, #tpu.memory_space<vmem_shared>>)
        tpu.yield
      }) : () -> ()
      %add3A_329 = arith.constant 2 : i32
      %add3A_330 = arith.addi %mul3A_287, %add3A_329 : i32
      %add3A_331 = arith.constant 3 : i32
      %add3A_332 = arith.addi %add3A_330, %add3A_331 : i32
      %lt3A_333 = arith.constant 21 : i32
      %lt3A_334 = arith.cmpi slt, %add3A_332, %lt3A_333 : i32
      %convert_element_type3A_335 = arith.extui %lt3A_334 : i1 to i32
      %cond3A_336 = arith.constant 0 : i32
      %cond3A_337 = arith.cmpi ne, %convert_element_type3A_335, %cond3A_336 : i32
      scf.if %cond3A_337 {
        %add3A_338 = arith.constant 2 : i32
        %add3A_339 = arith.addi %mul3A_287, %add3A_338 : i32
        %add3A_340 = arith.constant 3 : i32
        %add3A_341 = arith.addi %add3A_339, %add3A_340 : i32
        %dma_start3A_342 = arith.constant 0 : i32
        %dma_start3A_343 = tpu.memref_slice %arg8[%add3A_341, %dma_start3A_342] : memref<21x96xi32, #tpu.memory_space<vmem>> -> memref<1x96xi32, #tpu.memory_space<vmem>>
        %dma_start3A_344 = tpu.memref_squeeze %dma_start3A_343 : memref<1x96xi32, #tpu.memory_space<vmem>> -> memref<96xi32, #tpu.memory_space<vmem>>
        %dma_start3A_345 = arith.constant 0 : i32
        %dma_start3A_346 = arith.constant 0 : i32
        %dma_start3A_347 = tpu.memref_slice %arg2[%dma_start3A_345, %dma_start3A_346] : memref<10000x128xf32, #tpu.memory_space<hbm>> -> memref<10000x128xf32, #tpu.memory_space<hbm>>
        tpu.enqueue_indirect_dma source(%dma_start3A_347 : memref<10000x128xf32, #tpu.memory_space<hbm>>) target(%arg14 : memref<96x128xf32, #tpu.memory_space<vmem>>) offsets(%dma_start3A_344 : memref<96xi32, #tpu.memory_space<vmem>>) semaphore(%arg17 : memref<!tpu.dma_semaphore, #tpu.memory_space<semaphore_mem>>)
      } else {
      }
    }
    %scan3A_279 = arith.constant 7 : i32
    %barrier3A_280 = arith.constant 0 : index
    tpu.barrier barrier_id(%barrier3A_280)
    %mul3A_281 = arith.constant 632 : i32
    %mul3A_282 = arith.muli %arg1, %mul3A_281 : i32
    %mul3A_283 = arith.constant 632 : i32
    %mul3A_284 = arith.muli %arg1, %mul3A_283 : i32
    "tpu.region"() ({
      %run_scoped3A_285 = tpu.sem_alloc : memref<!tpu.dma_semaphore, #tpu.memory_space<semaphore_mem>>
      %dma_start3A_286 = arith.constant 0 : i32
      %dma_start3A_287 = tpu.memref_slice %arg6[%arg0, %mul3A_284, %dma_start3A_286] : memref<2x10112x128xf32, #tpu.memory_space<hbm>> -> memref<1x632x128xf32, #tpu.memory_space<hbm>>
      %dma_start3A_288 = tpu.memref_squeeze %dma_start3A_287 : memref<1x632x128xf32, #tpu.memory_space<hbm>> -> memref<632x128xf32, #tpu.memory_space<hbm>>
      %dma_start3A_289 = arith.constant 0 : i32
      %dma_start3A_290 = tpu.memref_slice %arg7[%mul3A_282, %dma_start3A_289] : memref<10112x128xf32, #tpu.memory_space<vmem_shared>> -> memref<632x128xf32, #tpu.memory_space<vmem_shared>>
      tpu.enqueue_dma source(%dma_start3A_290 : memref<632x128xf32, #tpu.memory_space<vmem_shared>>) target(%dma_start3A_288 : memref<632x128xf32, #tpu.memory_space<hbm>>) target_semaphore(%run_scoped3A_285 : memref<!tpu.dma_semaphore, #tpu.memory_space<semaphore_mem>>)
      %dma_wait3A_291 = arith.constant 0 : i32
      %dma_wait3A_292 = tpu.memref_slice %arg6[%arg0, %mul3A_284, %dma_wait3A_291] : memref<2x10112x128xf32, #tpu.memory_space<hbm>> -> memref<1x632x128xf32, #tpu.memory_space<hbm>>
      %dma_wait3A_293 = tpu.memref_squeeze %dma_wait3A_292 : memref<1x632x128xf32, #tpu.memory_space<hbm>> -> memref<632x128xf32, #tpu.memory_space<hbm>>
      %dma_wait3A_294 = arith.constant 0 : i32
      %dma_wait3A_295 = tpu.memref_slice %arg7[%mul3A_282, %dma_wait3A_294] : memref<10112x128xf32, #tpu.memory_space<vmem_shared>> -> memref<632x128xf32, #tpu.memory_space<vmem_shared>>
      tpu.wait_dma2 semaphore(%run_scoped3A_285 : memref<!tpu.dma_semaphore, #tpu.memory_space<semaphore_mem>>) src(%dma_wait3A_295 : memref<632x128xf32, #tpu.memory_space<vmem_shared>>) dst(%dma_wait3A_293 : memref<632x128xf32, #tpu.memory_space<hbm>>)
      tpu.yield
    }) : () -> ()
    return
  }
}

</mosaic_0001>

<sc_bundles>
// kernel: _sc_segsum.3.cloned.1.call-start
scs
__scs_entry_jumppad:
0x0: {  	(pc) =	sbr.rel $0x88, $3  }
0x1: {  	(tag) =	ssettag $0x0;
	lr =	simm.s32 $0x1  }
0x2: {  	[smem:$0x3F9D] =	sst lr;
	_ =	strace $0xD0000000  }
0x3: {  	_ = 	snop  }
0x4: {  	_ = 	snop  }
0x5: {  	_ = 	snop  }
0x6: {  	_ = 	snop  }
0x7: {  	_ = 	snop  }
__scs_overlays_trampoline_lowered:
0x8: {  	[smem:$0x3FAC] =	sst s0  }
0x9: {  	[smem:$0x3FAD] =	sst s1  }
0xa: {  	[smem:$0x3FAE] =	sst s2  }
0xb: {  	[smem:$0x3FAF] =	sst s3  }
0xc: {  	[smem:$0x3FB0] =	sst s4  }
0xd: {  	[smem:$0x3FB1] =	sst s5  }
0xe: {  	[smem:$0x3FB2] =	sst s6  }
0xf: {  	[smem:$0x3FB3] =	sst s7  }
0x10: {  	[smem:$0x3FB4] =	sst s8  }
0x11: {  	[smem:$0x3FB5] =	sst s9;
	s0 =	simm.s32 @!p0 $0x0  }
0x12: {  	s1 =	sld [smem:$0x3F9B];
	s0 =	simm.s32 @p0 $0x1  }
0x13: {  	[smem:$0x3FB6] =	sst s0;
	s0 =	simm.s32 @!p1 $0x0  }
0x14: {  	s2 =	sld [smem:$0x3F9A];
	s0 =	simm.s32 @p1 $0x1  }
0x15: {  	[smem:$0x3FB7] =	sst s0;
	s0 =	simm.s32 @!p2 $0x0  }
0x16: {  	s3 =	sld [smem:$0x3FDB];
	s0 =	simm.s32 @p2 $0x1  }
0x17: {  	s4 =	simm.s32 $0x1BF5;
	[smem:$0x3FB9] =	sst s0  }
0x18: {  	s0 =	sld [smem:$0x3F9C];
	_ =	swait.ge [sflag:s4], $0x0  }
0x19: {  	s7 =	sld [smem:$0x3F9D]  }
0x1a: {  	s8 =	sadd.s32 $0xFFFFE003, lr  }
0x1b: {  	s9 =	sadd.s32 $0xFFFFFEF7, lr;
	s5 =	simm.s32 $0xFFFFFFFF;
	p2 =	slt.u32 s8, $0xFFFFF086  }
0x1c: {  	p1 =	slt.u32 s9, $0xF7A;
	s5 =	simm.s32 @!p2 $0x0  }
0x1d: {  	s5 =	simm.s32 @p1 $0x1;
	p0 =	seq.s32 s7, s2  }
0x1e: {  	s7 =	smul.u32 @!p0 $0xF7A, s2;
	p2 =	seq.s32 @!p0 s5, $0x0  }
0x1f: {  	s9 =	smul.u32 $0xF7A, s1;
	s8 =	simm.s32 @!p0 $0x1BF5;
	p2 =	por !p2, p0  }
0x20: {  	[sflag:s8] =	ssyncset.s32 @!p0 $0xFFFFF086;
	s6 =	sadd.s32 @!p0 s3, s7;
	s7 =	simm.s32 @!p0 $0x108  }
0x21: {  	s3 =	sadd.s32 s3, s9;
	s6 =	sadd.s32 @!p0 $0x88, s6;
	s7 =	simm.s32 @p2 $0x1082  }
0x22: {  	[simem:s7], [sflag:s8] =	dma.local @!p0 [hbm:s6], $0xF7A  }
0x23: {  	s9 =	sor.u32 $0xD0000000, s2;
	s6 =	simm.s32 $0x108;
	_ =	swait.ge @!p0 [sflag:s8], $0x0  }
0x24: {  	s3 =	sadd.s32 $0x88, s3;
	s6 =	simm.s32 @!p1 $0x1082;
	[sflag:s4] =	ssyncset.s32 $0xFFFFF086  }
0x25: {  	[simem:s6], [sflag:s4] =	dma.local [hbm:s3], $0xF7A  }
0x26: {  	[smem:$0x3F9D] =	sst s1;
	(tag) =	ssettag s2;
	_ =	strace s9  }
0x27: {  	s1 =	sld [smem:$0x3FAD]  }
0x28: {  	s2 =	sld [smem:$0x3FAE]  }
0x29: {  	s4 =	sld [smem:$0x3FB0]  }
0x2a: {  	p0 =	seq.s32 s5, $0x0;
	s5 =	sld [smem:$0x3FB1]  }
0x2b: {  	s6 =	sld [smem:$0x3FB2]  }
0x2c: {  	s7 =	sld [smem:$0x3FB3]  }
0x2d: {  	s3 =	simm.s32 $0x108;
	s8 =	sld [smem:$0x3FB4]  }
0x2e: {  	s3 =	simm.s32 @!p0 $0x1082;
	s9 =	sld [smem:$0x3FB5]  }
0x2f: {  	lr =	sadd.s32 s0, s3;
	s0 =	sld [smem:$0x3FAC]  }
0x30: {  	s3 =	sld [smem:$0x3FAF]  }
0x31: {  	[smem:$0x3FB8] =	sst s10  }
0x32: {  	s10 =	sld [smem:$0x3FB6];
	_ =	sdelay $0x3  }
0x33: {  	p0 =	seq.s32 s10, $0x1;
	s10 =	sld [smem:$0x3FB8];
	_ =	sdelay $0x3  }
0x34: {  	[smem:$0x3FB8] =	sst s10  }
0x35: {  	s10 =	sld [smem:$0x3FB7];
	_ =	sdelay $0x3  }
0x36: {  	p1 =	seq.s32 s10, $0x1;
	s10 =	sld [smem:$0x3FB8];
	_ =	sdelay $0x3  }
0x37: {  	[smem:$0x3FB8] =	sst s10  }
0x38: {  	s10 =	sld [smem:$0x3FB9]  }
0x39: {  	_ = 	snop;
	(pc) =	sbr.ind lr, $3  }
0x3a: {  	_ = 	snop  }
0x3b: {  	_ = 	snop  }
0x3c: {  	p2 =	seq.s32 s10, $0x1;
	s10 =	sld [smem:$0x3FB8]  }
0x3d: {  	_ =	shalt  }
0x3e: {  	_ =	shalt  }
0x3f: {  	_ =	shalt  }
0x40: {  	_ =	shalt  }
0x41: {  	_ =	shalt  }
0x42: {  	_ =	shalt  }
0x43: {  	_ =	shalt  }
0x44: {  	_ =	shalt  }
0x45: {  	_ =	shalt  }
0x46: {  	_ =	shalt  }
0x47: {  	_ =	shalt  }
0x48: {  	_ =	shalt  }
0x49: {  	_ =	shalt  }
0x4a: {  	_ =	shalt  }
0x4b: {  	_ =	shalt  }
0x4c: {  	_ =	shalt  }
0x4d: {  	_ =	shalt  }
0x4e: {  	_ =	shalt  }
0x4f: {  	_ =	shalt  }
0x50: {  	_ =	shalt  }
0x51: {  	_ =	shalt  }
0x52: {  	_ =	shalt  }
0x53: {  	_ =	shalt  }
0x54: {  	_ =	shalt  }
0x55: {  	_ =	shalt  }
0x56: {  	_ =	shalt  }
0x57: {  	_ =	shalt  }
0x58: {  	_ =	shalt  }
0x59: {  	_ =	shalt  }
0x5a: {  	_ =	shalt  }
0x5b: {  	_ =	shalt  }
0x5c: {  	_ =	shalt  }
0x5d: {  	_ =	shalt  }
0x5e: {  	_ =	shalt  }
0x5f: {  	_ =	shalt  }
0x60: {  	_ =	shalt  }
0x61: {  	_ =	shalt  }
0x62: {  	_ =	shalt  }
0x63: {  	_ =	shalt  }
0x64: {  	_ =	shalt  }
0x65: {  	_ =	shalt  }
0x66: {  	_ =	shalt  }
0x67: {  	_ =	shalt  }
0x68: {  	_ =	shalt  }
0x69: {  	_ =	shalt  }
0x6a: {  	_ =	shalt  }
0x6b: {  	_ =	shalt  }
0x6c: {  	_ =	shalt  }
0x6d: {  	_ =	shalt  }
0x6e: {  	_ =	shalt  }
0x6f: {  	_ =	shalt  }
0x70: {  	_ =	shalt  }
0x71: {  	_ =	shalt  }
0x72: {  	_ =	shalt  }
0x73: {  	_ =	shalt  }
0x74: {  	_ =	shalt  }
0x75: {  	_ =	shalt  }
0x76: {  	_ =	shalt  }
0x77: {  	_ =	shalt  }
0x78: {  	_ =	shalt  }
0x79: {  	_ =	shalt  }
0x7a: {  	_ =	shalt  }
0x7b: {  	_ =	shalt  }
0x7c: {  	_ =	shalt  }
0x7d: {  	_ =	shalt  }
0x7e: {  	_ =	shalt  }
0x7f: {  	_ =	shalt  }
0x80: {  	_ =	shalt  }
0x81: {  	_ =	shalt  }
0x82: {  	_ =	shalt  }
0x83: {  	_ =	shalt  }
0x84: {  	_ =	shalt  }
0x85: {  	_ =	shalt  }
0x86: {  	_ =	shalt  }
0x87: {  	_ =	shalt  }
.Lfunc_end0:
.L_simem_size_0:
called_computation_lowered:
.L_overlay_start_0:
0x88: {  	s2 =	sld [smem:$0x3FD9]  }
0x89: {  	s3 =	sld [smem:$0x3FFE];
	_ =	sdelay $0x1  }
0x8a: {  	s1 =	srdreg.scid  }
0x8b: {  	s0 =	sand.u32 $0x1, s1  }
0x8c: {  	s17 =	sshll.u32 s0, $0xA;
	s2 =	sadd.s32 s3, s2  }
0x8d: {  	s2 =	sadd.s32 s2, s17  }
0x8e: {  	[smem:$0x3FC4] =	sst s2  }
0x8f: {  	_ = 	snop  }
0x90: {  	s2 =	sld [smem:$0x3FC9]  }
0x91: {  	s18 =	sld [smem:$0x3FC6]  }
0x92: {  	s4 =	sld [smem:$0x3FD0];
	(tm) =	ssettm $0x1  }
0x93: {  	s5 =	sld [smem:$0x3FFB];
	_ =	sdelay $0x3  }
0x94: {  	_ =	strace s5  }
0x95: {  	s5 =	sld [smem:$0x3FFC];
	_ =	sdelay $0x3  }
0x96: {  	_ =	strace s5  }
0x97: {  	s5 =	sld [smem:$0x3FFD];
	_ =	sdelay $0x3  }
0x98: {  	_ =	strace s5  }
0x99: {  	_ =	strace $0x8FFFFFFF  }
0x9a: {  	s19 =	sld [smem:$0x3FDB];
	_ =	sdelay $0x1  }
0x9b: {  	s6 =	simm.s32 $_scs_section_size  }
0x9c: {  	s7 =	simm.s32 $_size__tile_overlayer_lowered;
	s8 =	simm.s32 $_tile_overlayer_lowered  }
0x9d: {  	s22 =	simm.s32 $0x1BFF;
	s21 =	sshll.u32 s8, $0x1;
	s5 =	sadd.s32 s6, s19  }
0x9e: {  	s9 =	simm.s32 $0x0;
	s20 =	sshll.u32 s7, $0x1;
	s7 =	sadd.s32 s21, s5  }
0x9f: {  	[timem:s9], [sflag:s22] =	dma.local [hbm:s7], s20  }
0xa0: {  	_ =	swait.ge [sflag:s22], s20  }
0xa1: {  	s6 =	ssub.s32 $0x0, s20;
	[sflag:s22] =	ssyncset.done $0x0  }
0xa2: {  	[sflag:s22] =	ssyncadd.s32 s6;
	_ =	sdelay $0x1  }
0xa3: {  	s23 =	simm.s32 $0x1B8B  }
0xa4: {  	_ =	swait.ge [sflag:s23], $0x1  }
0xa5: {  	[sflag:s23] =	ssyncset.done $0x0  }
0xa6: {  	s25 =	simm.s32 $0x1B8E;
	s24 =	sld [smem:$0x3FFE];
	[sflag:s23] =	ssyncadd.s32 $0xFFFFFFFF  }
0xa7: {  	s26 =	simm.s32 $execute0_lowered;
	[smem:$0x3FD2] =	sst s25  }
0xa8: {  	s7 =	sshll.u32 s26, $0x1;
	_ =	strace $0x80000046;
	[dreg:$0x1] =	wrdreg $0xFFFFFFFF  }
0xa9: {  	s28 =	simm.s32 $_size_execute0_lowered;
	s5 =	sadd.s32 s5, s7;
	[dreg:$0x0] =	wrdreg $0x0  }
0xaa: {  	s7 =	sshll.u32 s28, $0x1;
	[dreg:$0x2] =	wrdreg s5  }
0xab: {  	[dreg:$0x3] =	wrdreg s7  }
0xac: {  	[dreg:$0x4] =	wrdreg $0xC0  }
0xad: {  	_ =	task [dreg:s9], $0x5FFFF  }
0xae: {  	[dreg:$0x1] =	wrdreg $0xFFFFFFFF  }
0xaf: {  	[dreg:$0x0] =	wrdreg $0x60  }
0xb0: {  	[dreg:$0x2] =	wrdreg s2  }
0xb1: {  	[dreg:$0x3] =	wrdreg s24  }
0xb2: {  	[dreg:$0x4] =	wrdreg s18  }
0xb3: {  	[dreg:$0x5] =	wrdreg s4  }
0xb4: {  	[dreg:$0x6] =	wrdreg $0x0  }
0xb5: {  	[dreg:$0x7] =	wrdreg $0x9  }
0xb6: {  	_ =	task.clear_ibuf [dreg:s9], $0x8FFFF;
	_ =	strace $0x90000046  }
0xb7: {  	s29 =	simm.s32 $0x9;
	_ =	strace $0x80000048  }
0xb8: {  	_ =	swait.ge [sflag:s29], $0x1  }
0xb9: {  	[sflag:s29] =	ssyncadd.s32 $0xFFFFFFFF  }
0xba: {  	_ =	strace $0x90000048  }
0xbb: {  	_ =	sfence  }
0xbc: {  	s30 =	sld [smem:$0x0];
	_ =	sdelay $0x2  }
0xbd: {  	s31 =	sshll.u32 s1, $0xD;
	s1 =	sshrl.u32 s1, $0x2  }
0xbe: {  	s3 =	sand.u32 $0x4000, s31;
	s1 =	sadd.s32 s1, s30  }
0xbf: {  	s0 =	sor.u32 s3, s0;
	s1 =	sshll.u32 s1, $0x11  }
0xc0: {  	s0 =	sor.u32 s1, s0  }
0xc1: {  	s0 =	sadd.s32 $0x8F2B, s0  }
0xc2: {  	[sflag:s0] =	ssyncadd.remote.s32 $0x1  }
0xc3: {  	_ =	sfence.sel $0xFFFF  }
0xc4: {  	[dreg:$0x0] =	wrdreg $0xFFFFFFFF;
	(pc) =	sbr.abs _section_cstart, $3  }
0xc5: {  	[dreg:$0x1] =	wrdreg $0xFFFFFFFF  }
0xc6: {  	_ =	task.clear_ibuf [dreg:s9], $0x2FFFF;
	_ =	strace $0x9FFFFFFF  }
0xc7: {  	(tm) =	ssettm $0x7FFFFFFF  }
tec
execute0_lowered:
.L_overlay_start_1:
0x0: {  	(tag) =	ssettag $0x1  }
0x1: {  	s1 =	rddreg [dreg:$0x0]  }
0x2: {  	s0 =	rddreg [dreg:$0x1]  }
0x3: {  	s2 =	rddreg [dreg:$0x2]  }
0x4: {  	s3 =	srdreg.scid;
	s11 =	stileid.u32  }
0x5: {  	s5 =	rddreg [dreg:$0x3];
	s28 =	simm.s32 $0x0;
	s7 =	smul.u32 $0x3C00, s11  }
0x6: {  	s8 =	sand.u32 $0x1, s3;
	s3 =	rddreg [dreg:$0x4];
	s4 =	smul.u32 $0x13C00, s11  }
0x7: {  	[smem:$0x7FF] =	sst s28;
	s6 =	smul.u32 $0x3C000, s8  }
0x8: {  	s19 =	sadd.s32 $0x600, s0;
	s0 =	sadd.s32 $0xF600, s0;
	[dreg:$0x14] =	wrdreg s8  }
0x9: {  	s8 =	smul.u32 $0x13C000, s8;
	s10 =	sshrl.u32 s4, $0x3;
	s6 =	sadd.s32 s7, s6  }
0xa: {  	_ =	strace $0x80000047;
	s2 =	sadd.s32 s2, s10;
	s6 =	sshrl.u32 s6, $0x3  }
0xb: {  	s12 =	sadd.s32 s4, s8;
	[dreg:$0x8] =	wrdreg s2;
	s9 =	sadd.s32 s19, s6  }
0xc: {  	s2 =	sshrl.u32 s12, $0x3;
	s20 =	sadd.s32 s0, s6;
	[dreg:$0x6] =	wrdreg s9  }
0xd: {  	s21 =	sadd.s32 $0x180, s6;
	s14 =	sadd.s32 s5, s2;
	[dreg:$0x7] =	wrdreg s20  }
0xe: {  	s22 =	sadd.s32 s19, s21;
	[dreg:$0x11] =	wrdreg s14  }
0xf: {  	s24 =	sadd.s32 $0x300, s6;
	s23 =	sadd.s32 s0, s21;
	[dreg:$0x9] =	wrdreg s22  }
0x10: {  	s25 =	sadd.s32 s19, s24;
	[dreg:$0xa] =	wrdreg s23  }
0x11: {  	s29 =	sadd.s32 $0x480, s6;
	s26 =	sadd.s32 s0, s24;
	[dreg:$0xb] =	wrdreg s25  }
0x12: {  	s30 =	sadd.s32 s19, s29;
	[dreg:$0xc] =	wrdreg s26  }
0x13: {  	s6 =	sadd.s32 $0x600, s6;
	s31 =	sadd.s32 s0, s29;
	[dreg:$0xd] =	wrdreg s30  }
0x14: {  	s10 =	sadd.s32 s19, s6;
	[dreg:$0xe] =	wrdreg s31  }
0x15: {  	[dreg:$0xf] =	wrdreg s10  }
0x16: {  	s0 =	sadd.s32 s0, s6;
	s13 =	rddreg [dreg:$0x6]  }
0x17: {  	s5 =	simm.s32 $0x6;
	s29 =	simm.s32 $0x13C00;
	[dreg:$0x10] =	wrdreg s0  }
0x18: {  	[tilespmem:s29], [sflag:$0x6] =	stream.linear.gather [hbm4b:s13+s28], $0xA80, $0x38;
	[tilespmem:$0x1FC00] =	vst v63  }
0x19: {  	_ =	swait.ge [sflag:s5], $0xA80  }
0x1a: {  	s16 =	smul.u32 $0x4F000, s11;
	[sflag:s5] =	ssyncset.done $0x0  }
0x1b: {  	s4 =	simm.s32 $0x14800;
	s15 =	rddreg [dreg:$0x7];
	[sflag:s5] =	ssyncadd.s32 $0xFFFFF580  }
0x1c: {  	[tilespmem:s4], [sflag:$0x6] =	stream.linear.gather [hbm4b:s15+s28], $0xA80, $0x38;
	[tilespmem:$0x1FC00] =	vst v63  }
0x1d: {  	s17 =	sshrl.u32 s16, $0x2;
	s19 =	sshll.u32 s11, $0x6;
	_ =	swait.ge [sflag:s5], $0xA80  }
0x1e: {  	s0 =	sadd.s32 s17, s3;
	s9 =	sor.u32 $0x1C06, s19;
	[sflag:s5] =	ssyncset.done $0x0  }
0x1f: {  	s30 =	sshrl.u32 s0, $0x3;
	s18 =	rddreg [dreg:$0x8];
	[sflag:s5] =	ssyncadd.s32 $0xFFFFF580  }
0x20: {  	[spmem:s30], [sflag:s9] =	dma.local [hbm:s18], $0x2780  }
0x21: {  	_ =	swait.ge [sflag:s5], $0x2780  }
0x22: {  	[sflag:s5] =	ssyncset.done $0x0  }
0x23: {  	[sflag:s5] =	ssyncadd.s32 $0xFFFFD880  }
0x24: {  	[bflag:$0x0] =	sbarrier.arrive $0xFFFF  }
0x25: {  	s26 =	simm.s32 $0x15400;
	s20 =	rddreg [dreg:$0x9]  }
0x26: {  	[tilespmem:s26], [sflag:$0x4] =	stream.linear.gather [hbm4b:s20+s28], $0xA80, $0x38;
	[tilespmem:$0x1FC00] =	vst v63  }
0x27: {  	s22 =	simm.s32 $0x16000;
	s21 =	rddreg [dreg:$0xa]  }
0x28: {  	[tilespmem:s22], [sflag:$0x5] =	stream.linear.gather [hbm4b:s21+s28], $0xA80, $0x38;
	[tilespmem:$0x1FC00] =	vst v63  }
0x29: {  	s12 =	simm.s32 $0x60;
	s13 =	simm.s32 $0x16C00  }
0x2a: {  	[tilespmem:s13], [sflag:$0x1] =	stream.indirect.gather [hbm4b:s1+s12], $0x80, s29, s12, $0xb8;
	[tilespmem:$0x1FC00] =	vst v63  }
0x2b: {  	s23 =	simm.s32 $0x13C80;
	s15 =	simm.s32 $0x19C00  }
0x2c: {  	[tilespmem:s15], [sflag:$0x2] =	stream.indirect.gather [hbm4b:s1+s12], $0x80, s23, s12, $0xb8;
	[tilespmem:$0x1FC00] =	vst v63  }
0x2d: {  	s24 =	simm.s32 $0x13D00;
	s17 =	simm.s32 $0x1CC00;
	s18 =	simm.s32 $0x1  }
0x2e: {  	[tilespmem:s17], [sflag:$0x3] =	stream.indirect.gather [hbm4b:s1+s12], $0x80, s24, s12, $0xb8;
	[tilespmem:$0x1FC00] =	vst v63  }
0x2f: {  	_ =	swait.ge [sflag:s18], $0x3000  }
0x30: {  	[sflag:s18] =	ssyncset.done $0x0  }
0x31: {  	[sflag:s18] =	ssyncadd.s32 $0xFFFFD000  }
0x32: {  	[spmem:s3] =	stream.indirect.scatter.add.f32 [tilespmem:s13], [sflag:$0x6], $0x80, s4, s12, $0xb8;
	[tilespmem:$0x1FC00] =	vst v63  }
0x33: {  	_ =	swait.ge [sflag:s5], $0x3000  }
0x34: {  	[sflag:s5] =	ssyncset.done $0x0  }
0x35: {  	s25 =	simm.s32 $0x13D80;
	s20 =	simm.s32 $0x2;
	[sflag:s5] =	ssyncadd.s32 $0xFFFFD000  }
0x36: {  	[tilespmem:s13], [sflag:$0x1] =	stream.indirect.gather [hbm4b:s1+s12], $0x80, s25, s12, $0xb8;
	[tilespmem:$0x1FC00] =	vst v63  }
0x37: {  	_ =	swait.ge [sflag:s20], $0x3000  }
0x38: {  	[sflag:s20] =	ssyncset.done $0x0  }
0x39: {  	s31 =	simm.s32 $0x14880;
	[sflag:s20] =	ssyncadd.s32 $0xFFFFD000  }
0x3a: {  	[spmem:s3] =	stream.indirect.scatter.add.f32 [tilespmem:s15], [sflag:$0x6], $0x80, s31, s12, $0xb8;
	[tilespmem:$0x1FC00] =	vst v63  }
0x3b: {  	_ =	swait.ge [sflag:s5], $0x3000  }
0x3c: {  	[sflag:s5] =	ssyncset.done $0x0  }
0x3d: {  	s6 =	simm.s32 $0x13E00;
	s23 =	simm.s32 $0x3;
	[sflag:s5] =	ssyncadd.s32 $0xFFFFD000  }
0x3e: {  	[tilespmem:s15], [sflag:$0x2] =	stream.indirect.gather [hbm4b:s1+s12], $0x80, s6, s12, $0xb8;
	[tilespmem:$0x1FC00] =	vst v63  }
0x3f: {  	_ =	swait.ge [sflag:s23], $0x3000  }
0x40: {  	[sflag:s23] =	ssyncset.done $0x0  }
0x41: {  	s7 =	simm.s32 $0x14900;
	[sflag:s23] =	ssyncadd.s32 $0xFFFFD000  }
0x42: {  	[spmem:s3] =	stream.indirect.scatter.add.f32 [tilespmem:s17], [sflag:$0x6], $0x80, s7, s12, $0xb8;
	[tilespmem:$0x1FC00] =	vst v63  }
0x43: {  	_ =	swait.ge [sflag:s5], $0x3000  }
0x44: {  	[sflag:s5] =	ssyncset.done $0x0  }
0x45: {  	s8 =	simm.s32 $0x13E80;
	[sflag:s5] =	ssyncadd.s32 $0xFFFFD000  }
0x46: {  	[tilespmem:s17], [sflag:$0x3] =	stream.indirect.gather [hbm4b:s1+s12], $0x80, s8, s12, $0xb8;
	[tilespmem:$0x1FC00] =	vst v63  }
0x47: {  	_ =	swait.ge [sflag:s18], $0x3000  }
0x48: {  	[sflag:s18] =	ssyncset.done $0x0  }
0x49: {  	s10 =	simm.s32 $0x14980;
	[sflag:s18] =	ssyncadd.s32 $0xFFFFD000  }
0x4a: {  	[spmem:s3] =	stream.indirect.scatter.add.f32 [tilespmem:s13], [sflag:$0x6], $0x80, s10, s12, $0xb8;
	[tilespmem:$0x1FC00] =	vst v63  }
0x4b: {  	_ =	swait.ge [sflag:s5], $0x3000  }
0x4c: {  	[sflag:s5] =	ssyncset.done $0x0  }
0x4d: {  	s11 =	simm.s32 $0x13F00;
	[sflag:s5] =	ssyncadd.s32 $0xFFFFD000  }
0x4e: {  	[tilespmem:s13], [sflag:$0x1] =	stream.indirect.gather [hbm4b:s1+s12], $0x80, s11, s12, $0xb8;
	[tilespmem:$0x1FC00] =	vst v63  }
0x4f: {  	_ =	swait.ge [sflag:s20], $0x3000  }
0x50: {  	[sflag:s20] =	ssyncset.done $0x0  }
0x51: {  	s14 =	simm.s32 $0x14A00;
	[sflag:s20] =	ssyncadd.s32 $0xFFFFD000  }
0x52: {  	[spmem:s3] =	stream.indirect.scatter.add.f32 [tilespmem:s15], [sflag:$0x6], $0x80, s14, s12, $0xb8;
	[tilespmem:$0x1FC00] =	vst v63  }
0x53: {  	_ =	swait.ge [sflag:s5], $0x3000  }
0x54: {  	[sflag:s5] =	ssyncset.done $0x0  }
0x55: {  	s16 =	simm.s32 $0x13F80;
	[sflag:s5] =	ssyncadd.s32 $0xFFFFD000  }
0x56: {  	[tilespmem:s15], [sflag:$0x2] =	stream.indirect.gather [hbm4b:s1+s12], $0x80, s16, s12, $0xb8;
	[tilespmem:$0x1FC00] =	vst v63  }
0x57: {  	_ =	swait.ge [sflag:s23], $0x3000  }
0x58: {  	[sflag:s23] =	ssyncset.done $0x0  }
0x59: {  	s19 =	simm.s32 $0x14A80;
	[sflag:s23] =	ssyncadd.s32 $0xFFFFD000  }
0x5a: {  	[spmem:s3] =	stream.indirect.scatter.add.f32 [tilespmem:s17], [sflag:$0x6], $0x80, s19, s12, $0xb8;
	[tilespmem:$0x1FC00] =	vst v63  }
0x5b: {  	_ =	swait.ge [sflag:s5], $0x3000  }
0x5c: {  	[sflag:s5] =	ssyncset.done $0x0  }
0x5d: {  	s21 =	simm.s32 $0x14000;
	[sflag:s5] =	ssyncadd.s32 $0xFFFFD000  }
0x5e: {  	[tilespmem:s17], [sflag:$0x3] =	stream.indirect.gather [hbm4b:s1+s12], $0x80, s21, s12, $0xb8;
	[tilespmem:$0x1FC00] =	vst v63  }
0x5f: {  	_ =	swait.ge [sflag:s18], $0x3000  }
0x60: {  	[sflag:s18] =	ssyncset.done $0x0  }
0x61: {  	s22 =	simm.s32 $0x14B00;
	[sflag:s18] =	ssyncadd.s32 $0xFFFFD000  }
0x62: {  	[spmem:s3] =	stream.indirect.scatter.add.f32 [tilespmem:s13], [sflag:$0x6], $0x80, s22, s12, $0xb8;
	[tilespmem:$0x1FC00] =	vst v63  }
0x63: {  	_ =	swait.ge [sflag:s5], $0x3000  }
0x64: {  	[sflag:s5] =	ssyncset.done $0x0  }
0x65: {  	s24 =	simm.s32 $0x14080;
	[sflag:s5] =	ssyncadd.s32 $0xFFFFD000  }
0x66: {  	[tilespmem:s13], [sflag:$0x1] =	stream.indirect.gather [hbm4b:s1+s12], $0x80, s24, s12, $0xb8;
	[tilespmem:$0x1FC00] =	vst v63  }
0x67: {  	_ =	swait.ge [sflag:s20], $0x3000  }
0x68: {  	[sflag:s20] =	ssyncset.done $0x0  }
0x69: {  	s25 =	simm.s32 $0x14B80;
	[sflag:s20] =	ssyncadd.s32 $0xFFFFD000  }
0x6a: {  	[spmem:s3] =	stream.indirect.scatter.add.f32 [tilespmem:s15], [sflag:$0x6], $0x80, s25, s12, $0xb8;
	[tilespmem:$0x1FC00] =	vst v63  }
0x6b: {  	_ =	swait.ge [sflag:s5], $0x3000  }
0x6c: {  	[sflag:s5] =	ssyncset.done $0x0  }
0x6d: {  	s31 =	simm.s32 $0x14100;
	[sflag:s5] =	ssyncadd.s32 $0xFFFFD000  }
0x6e: {  	[tilespmem:s15], [sflag:$0x2] =	stream.indirect.gather [hbm4b:s1+s12], $0x80, s31, s12, $0xb8;
	[tilespmem:$0x1FC00] =	vst v63  }
0x6f: {  	_ =	swait.ge [sflag:s23], $0x3000  }
0x70: {  	[sflag:s23] =	ssyncset.done $0x0  }
0x71: {  	s6 =	simm.s32 $0x14C00;
	[sflag:s23] =	ssyncadd.s32 $0xFFFFD000  }
0x72: {  	[spmem:s3] =	stream.indirect.scatter.add.f32 [tilespmem:s17], [sflag:$0x6], $0x80, s6, s12, $0xb8;
	[tilespmem:$0x1FC00] =	vst v63  }
0x73: {  	_ =	swait.ge [sflag:s5], $0x3000  }
0x74: {  	[sflag:s5] =	ssyncset.done $0x0  }
0x75: {  	s7 =	simm.s32 $0x14180;
	[sflag:s5] =	ssyncadd.s32 $0xFFFFD000  }
0x76: {  	[tilespmem:s17], [sflag:$0x3] =	stream.indirect.gather [hbm4b:s1+s12], $0x80, s7, s12, $0xb8;
	[tilespmem:$0x1FC00] =	vst v63  }
0x77: {  	_ =	swait.ge [sflag:s18], $0x3000  }
0x78: {  	[sflag:s18] =	ssyncset.done $0x0  }
0x79: {  	s8 =	simm.s32 $0x14C80;
	[sflag:s18] =	ssyncadd.s32 $0xFFFFD000  }
0x7a: {  	[spmem:s3] =	stream.indirect.scatter.add.f32 [tilespmem:s13], [sflag:$0x6], $0x80, s8, s12, $0xb8;
	[tilespmem:$0x1FC00] =	vst v63  }
0x7b: {  	_ =	swait.ge [sflag:s5], $0x3000  }
0x7c: {  	[sflag:s5] =	ssyncset.done $0x0  }
0x7d: {  	s10 =	simm.s32 $0x14200;
	[sflag:s5] =	ssyncadd.s32 $0xFFFFD000  }
0x7e: {  	[tilespmem:s13], [sflag:$0x1] =	stream.indirect.gather [hbm4b:s1+s12], $0x80, s10, s12, $0xb8;
	[tilespmem:$0x1FC00] =	vst v63  }
0x7f: {  	_ =	swait.ge [sflag:s20], $0x3000  }
0x80: {  	[sflag:s20] =	ssyncset.done $0x0  }
0x81: {  	s11 =	simm.s32 $0x14D00;
	[sflag:s20] =	ssyncadd.s32 $0xFFFFD000  }
0x82: {  	[spmem:s3] =	stream.indirect.scatter.add.f32 [tilespmem:s15], [sflag:$0x6], $0x80, s11, s12, $0xb8;
	[tilespmem:$0x1FC00] =	vst v63  }
0x83: {  	_ =	swait.ge [sflag:s5], $0x3000  }
0x84: {  	[sflag:s5] =	ssyncset.done $0x0  }
0x85: {  	s14 =	simm.s32 $0x14280;
	[sflag:s5] =	ssyncadd.s32 $0xFFFFD000  }
0x86: {  	[tilespmem:s15], [sflag:$0x2] =	stream.indirect.gather [hbm4b:s1+s12], $0x80, s14, s12, $0xb8;
	[tilespmem:$0x1FC00] =	vst v63  }
0x87: {  	_ =	swait.ge [sflag:s23], $0x3000  }
0x88: {  	[sflag:s23] =	ssyncset.done $0x0  }
0x89: {  	s16 =	simm.s32 $0x14D80;
	[sflag:s23] =	ssyncadd.s32 $0xFFFFD000  }
0x8a: {  	[spmem:s3] =	stream.indirect.scatter.add.f32 [tilespmem:s17], [sflag:$0x6], $0x80, s16, s12, $0xb8;
	[tilespmem:$0x1FC00] =	vst v63  }
0x8b: {  	_ =	swait.ge [sflag:s5], $0x3000  }
0x8c: {  	[sflag:s5] =	ssyncset.done $0x0  }
0x8d: {  	s19 =	simm.s32 $0x14300;
	[sflag:s5] =	ssyncadd.s32 $0xFFFFD000  }
0x8e: {  	[tilespmem:s17], [sflag:$0x3] =	stream.indirect.gather [hbm4b:s1+s12], $0x80, s19, s12, $0xb8;
	[tilespmem:$0x1FC00] =	vst v63  }
0x8f: {  	_ =	swait.ge [sflag:s18], $0x3000  }
0x90: {  	[sflag:s18] =	ssyncset.done $0x0  }
0x91: {  	s21 =	simm.s32 $0x14E00;
	[sflag:s18] =	ssyncadd.s32 $0xFFFFD000  }
0x92: {  	[spmem:s3] =	stream.indirect.scatter.add.f32 [tilespmem:s13], [sflag:$0x6], $0x80, s21, s12, $0xb8;
	[tilespmem:$0x1FC00] =	vst v63  }
0x93: {  	_ =	swait.ge [sflag:s5], $0x3000  }
0x94: {  	[sflag:s5] =	ssyncset.done $0x0  }
0x95: {  	s22 =	simm.s32 $0x14380;
	[sflag:s5] =	ssyncadd.s32 $0xFFFFD000  }
0x96: {  	[tilespmem:s13], [sflag:$0x1] =	stream.indirect.gather [hbm4b:s1+s12], $0x80, s22, s12, $0xb8;
	[tilespmem:$0x1FC00] =	vst v63  }
0x97: {  	_ =	swait.ge [sflag:s20], $0x3000  }
0x98: {  	[sflag:s20] =	ssyncset.done $0x0  }
0x99: {  	s24 =	simm.s32 $0x14E80;
	[sflag:s20] =	ssyncadd.s32 $0xFFFFD000  }
0x9a: {  	[spmem:s3] =	stream.indirect.scatter.add.f32 [tilespmem:s15], [sflag:$0x6], $0x80, s24, s12, $0xb8;
	[tilespmem:$0x1FC00] =	vst v63  }
0x9b: {  	_ =	swait.ge [sflag:s5], $0x3000  }
0x9c: {  	[sflag:s5] =	ssyncset.done $0x0  }
0x9d: {  	s25 =	simm.s32 $0x14400;
	[sflag:s5] =	ssyncadd.s32 $0xFFFFD000  }
0x9e: {  	[tilespmem:s15], [sflag:$0x2] =	stream.indirect.gather [hbm4b:s1+s12], $0x80, s25, s12, $0xb8;
	[tilespmem:$0x1FC00] =	vst v63  }
0x9f: {  	_ =	swait.ge [sflag:s23], $0x3000  }
0xa0: {  	[sflag:s23] =	ssyncset.done $0x0  }
0xa1: {  	s31 =	simm.s32 $0x14F00;
	[sflag:s23] =	ssyncadd.s32 $0xFFFFD000  }
0xa2: {  	[spmem:s3] =	stream.indirect.scatter.add.f32 [tilespmem:s17], [sflag:$0x6], $0x80, s31, s12, $0xb8;
	[tilespmem:$0x1FC00] =	vst v63  }
0xa3: {  	_ =	swait.ge [sflag:s5], $0x3000  }
0xa4: {  	[sflag:s5] =	ssyncset.done $0x0  }
0xa5: {  	s6 =	simm.s32 $0x14480;
	[sflag:s5] =	ssyncadd.s32 $0xFFFFD000  }
0xa6: {  	[tilespmem:s17], [sflag:$0x3] =	stream.indirect.gather [hbm4b:s1+s12], $0x80, s6, s12, $0xb8;
	[tilespmem:$0x1FC00] =	vst v63  }
0xa7: {  	_ =	swait.ge [sflag:s18], $0x3000  }
0xa8: {  	[sflag:s18] =	ssyncset.done $0x0  }
0xa9: {  	s7 =	simm.s32 $0x14F80;
	[sflag:s18] =	ssyncadd.s32 $0xFFFFD000  }
0xaa: {  	[spmem:s3] =	stream.indirect.scatter.add.f32 [tilespmem:s13], [sflag:$0x6], $0x80, s7, s12, $0xb8;
	[tilespmem:$0x1FC00] =	vst v63  }
0xab: {  	_ =	swait.ge [sflag:s5], $0x3000  }
0xac: {  	[sflag:s5] =	ssyncset.done $0x0  }
0xad: {  	s8 =	simm.s32 $0x14500;
	[sflag:s5] =	ssyncadd.s32 $0xFFFFD000  }
0xae: {  	[tilespmem:s13], [sflag:$0x1] =	stream.indirect.gather [hbm4b:s1+s12], $0x80, s8, s12, $0xb8;
	[tilespmem:$0x1FC00] =	vst v63  }
0xaf: {  	_ =	swait.ge [sflag:s20], $0x3000  }
0xb0: {  	[sflag:s20] =	ssyncset.done $0x0  }
0xb1: {  	s10 =	simm.s32 $0x15000;
	[sflag:s20] =	ssyncadd.s32 $0xFFFFD000  }
0xb2: {  	[spmem:s3] =	stream.indirect.scatter.add.f32 [tilespmem:s15], [sflag:$0x6], $0x80, s10, s12, $0xb8;
	[tilespmem:$0x1FC00] =	vst v63  }
0xb3: {  	_ =	swait.ge [sflag:s5], $0x3000  }
0xb4: {  	[sflag:s5] =	ssyncset.done $0x0  }
0xb5: {  	s11 =	simm.s32 $0x14580;
	[sflag:s5] =	ssyncadd.s32 $0xFFFFD000  }
0xb6: {  	[tilespmem:s15], [sflag:$0x2] =	stream.indirect.gather [hbm4b:s1+s12], $0x80, s11, s12, $0xb8;
	[tilespmem:$0x1FC00] =	vst v63  }
0xb7: {  	_ =	swait.ge [sflag:s23], $0x3000  }
0xb8: {  	[sflag:s23] =	ssyncset.done $0x0  }
0xb9: {  	s14 =	simm.s32 $0x15080;
	[sflag:s23] =	ssyncadd.s32 $0xFFFFD000  }
0xba: {  	[spmem:s3] =	stream.indirect.scatter.add.f32 [tilespmem:s17], [sflag:$0x6], $0x80, s14, s12, $0xb8;
	[tilespmem:$0x1FC00] =	vst v63  }
0xbb: {  	_ =	swait.ge [sflag:s5], $0x3000  }
0xbc: {  	[sflag:s5] =	ssyncset.done $0x0  }
0xbd: {  	s16 =	simm.s32 $0x14600;
	[sflag:s5] =	ssyncadd.s32 $0xFFFFD000  }
0xbe: {  	[tilespmem:s17], [sflag:$0x3] =	stream.indirect.gather [hbm4b:s1+s12], $0x80, s16, s12, $0xb8;
	[tilespmem:$0x1FC00] =	vst v63  }
0xbf: {  	_ =	swait.ge [sflag:s18], $0x3000  }
0xc0: {  	[sflag:s18] =	ssyncset.done $0x0  }
0xc1: {  	s19 =	simm.s32 $0x15100;
	[sflag:s18] =	ssyncadd.s32 $0xFFFFD000  }
0xc2: {  	[spmem:s3] =	stream.indirect.scatter.add.f32 [tilespmem:s13], [sflag:$0x6], $0x80, s19, s12, $0xb8;
	[tilespmem:$0x1FC00] =	vst v63  }
0xc3: {  	_ =	swait.ge [sflag:s5], $0x3000  }
0xc4: {  	[sflag:s5] =	ssyncset.done $0x0  }
0xc5: {  	[sflag:s5] =	ssyncadd.s32 $0xFFFFD000  }
0xc6: {  	_ =	swait.ge [sflag:s20], $0x3000  }
0xc7: {  	[sflag:s20] =	ssyncset.done $0x0  }
0xc8: {  	s21 =	simm.s32 $0x15180;
	[sflag:s20] =	ssyncadd.s32 $0xFFFFD000  }
0xc9: {  	[spmem:s3] =	stream.indirect.scatter.add.f32 [tilespmem:s15], [sflag:$0x6], $0x80, s21, s12, $0xb8;
	[tilespmem:$0x1FC00] =	vst v63  }
0xca: {  	_ =	swait.ge [sflag:s5], $0x3000  }
0xcb: {  	[sflag:s5] =	ssyncset.done $0x0  }
0xcc: {  	[sflag:s5] =	ssyncadd.s32 $0xFFFFD000  }
0xcd: {  	_ =	swait.ge [sflag:s23], $0x3000  }
0xce: {  	[sflag:s23] =	ssyncset.done $0x0  }
0xcf: {  	s22 =	simm.s32 $0x15200;
	[sflag:s23] =	ssyncadd.s32 $0xFFFFD000  }
0xd0: {  	[spmem:s3] =	stream.indirect.scatter.add.f32 [tilespmem:s17], [sflag:$0x6], $0x80, s22, s12, $0xb8;
	[tilespmem:$0x1FC00] =	vst v63  }
0xd1: {  	_ =	swait.ge [sflag:s5], $0x3000  }
0xd2: {  	[sflag:s5] =	ssyncset.done $0x0  }
0xd3: {  	s8 =	simm.s32 $0x4;
	[sflag:s5] =	ssyncadd.s32 $0xFFFFD000  }
0xd4: {  	_ =	swait.ge [sflag:s8], $0xA80  }
0xd5: {  	[sflag:s8] =	ssyncset.done $0x0  }
0xd6: {  	s0 =	simm.s32 $0x5;
	[sflag:s8] =	ssyncadd.s32 $0xFFFFF580  }
0xd7: {  	_ =	swait.ge [sflag:s0], $0xA80  }
0xd8: {  	[sflag:s0] =	ssyncset.done $0x0  }
0xd9: {  	s24 =	rddreg [dreg:$0xb];
	[sflag:s0] =	ssyncadd.s32 $0xFFFFF580  }
0xda: {  	[tilespmem:s29], [sflag:$0x4] =	stream.linear.gather [hbm4b:s24+s28], $0xA80, $0x38;
	[tilespmem:$0x1FC00] =	vst v63  }
0xdb: {  	s14 =	rddreg [dreg:$0xc]  }
0xdc: {  	[tilespmem:s4], [sflag:$0x5] =	stream.linear.gather [hbm4b:s14+s28], $0xA80, $0x38;
	[tilespmem:$0x1FC00] =	vst v63  }
0xdd: {  	_ = 	snop  }
0xde: {  	[tilespmem:s13], [sflag:$0x1] =	stream.indirect.gather [hbm4b:s1+s12], $0x80, s26, s12, $0xb8;
	[tilespmem:$0x1FC00] =	vst v63  }
0xdf: {  	s25 =	simm.s32 $0x15480  }
0xe0: {  	[tilespmem:s15], [sflag:$0x2] =	stream.indirect.gather [hbm4b:s1+s12], $0x80, s25, s12, $0xb8;
	[tilespmem:$0x1FC00] =	vst v63  }
0xe1: {  	s31 =	simm.s32 $0x15500  }
0xe2: {  	[tilespmem:s17], [sflag:$0x3] =	stream.indirect.gather [hbm4b:s1+s12], $0x80, s31, s12, $0xb8;
	[tilespmem:$0x1FC00] =	vst v63  }
0xe3: {  	_ =	swait.ge [sflag:s18], $0x3000  }
0xe4: {  	[sflag:s18] =	ssyncset.done $0x0  }
0xe5: {  	s2 =	simm.s32 $0x16000;
	[sflag:s18] =	ssyncadd.s32 $0xFFFFD000  }
0xe6: {  	[spmem:s3] =	stream.indirect.scatter.add.f32 [tilespmem:s13], [sflag:$0x6], $0x80, s2, s12, $0xb8;
	[tilespmem:$0x1FC00] =	vst v63  }
0xe7: {  	_ =	swait.ge [sflag:s5], $0x3000  }
0xe8: {  	[sflag:s5] =	ssyncset.done $0x0  }
0xe9: {  	s6 =	simm.s32 $0x15580;
	[sflag:s5] =	ssyncadd.s32 $0xFFFFD000  }
0xea: {  	[tilespmem:s13], [sflag:$0x1] =	stream.indirect.gather [hbm4b:s1+s12], $0x80, s6, s12, $0xb8;
	[tilespmem:$0x1FC00] =	vst v63  }
0xeb: {  	_ =	swait.ge [sflag:s20], $0x3000  }
0xec: {  	[sflag:s20] =	ssyncset.done $0x0  }
0xed: {  	s7 =	simm.s32 $0x16080;
	[sflag:s20] =	ssyncadd.s32 $0xFFFFD000  }
0xee: {  	[spmem:s3] =	stream.indirect.scatter.add.f32 [tilespmem:s15], [sflag:$0x6], $0x80, s7, s12, $0xb8;
	[tilespmem:$0x1FC00] =	vst v63  }
0xef: {  	_ =	swait.ge [sflag:s5], $0x3000  }
0xf0: {  	[sflag:s5] =	ssyncset.done $0x0  }
0xf1: {  	s10 =	simm.s32 $0x15600;
	[sflag:s5] =	ssyncadd.s32 $0xFFFFD000  }
0xf2: {  	[tilespmem:s15], [sflag:$0x2] =	stream.indirect.gather [hbm4b:s1+s12], $0x80, s10, s12, $0xb8;
	[tilespmem:$0x1FC00] =	vst v63  }
0xf3: {  	_ =	swait.ge [sflag:s23], $0x3000  }
0xf4: {  	[sflag:s23] =	ssyncset.done $0x0  }
0xf5: {  	s11 =	simm.s32 $0x16100;
	[sflag:s23] =	ssyncadd.s32 $0xFFFFD000  }
0xf6: {  	[spmem:s3] =	stream.indirect.scatter.add.f32 [tilespmem:s17], [sflag:$0x6], $0x80, s11, s12, $0xb8;
	[tilespmem:$0x1FC00] =	vst v63  }
0xf7: {  	_ =	swait.ge [sflag:s5], $0x3000  }
0xf8: {  	[sflag:s5] =	ssyncset.done $0x0  }
0xf9: {  	s14 =	simm.s32 $0x15680;
	[sflag:s5] =	ssyncadd.s32 $0xFFFFD000  }
0xfa: {  	[tilespmem:s17], [sflag:$0x3] =	stream.indirect.gather [hbm4b:s1+s12], $0x80, s14, s12, $0xb8;
	[tilespmem:$0x1FC00] =	vst v63  }
0xfb: {  	_ =	swait.ge [sflag:s18], $0x3000  }
0xfc: {  	[sflag:s18] =	ssyncset.done $0x0  }
0xfd: {  	s16 =	simm.s32 $0x16180;
	[sflag:s18] =	ssyncadd.s32 $0xFFFFD000  }
0xfe: {  	[spmem:s3] =	stream.indirect.scatter.add.f32 [tilespmem:s13], [sflag:$0x6], $0x80, s16, s12, $0xb8;
	[tilespmem:$0x1FC00] =	vst v63  }
0xff: {  	_ =	swait.ge [sflag:s5], $0x3000  }
0x100: {  	[sflag:s5] =	ssyncset.done $0x0  }
0x101: {  	s19 =	simm.s32 $0x15700;
	[sflag:s5] =	ssyncadd.s32 $0xFFFFD000  }
0x102: {  	[tilespmem:s13], [sflag:$0x1] =	stream.indirect.gather [hbm4b:s1+s12], $0x80, s19, s12, $0xb8;
	[tilespmem:$0x1FC00] =	vst v63  }
0x103: {  	_ =	swait.ge [sflag:s20], $0x3000  }
0x104: {  	[sflag:s20] =	ssyncset.done $0x0  }
0x105: {  	s21 =	simm.s32 $0x16200;
	[sflag:s20] =	ssyncadd.s32 $0xFFFFD000  }
0x106: {  	[spmem:s3] =	stream.indirect.scatter.add.f32 [tilespmem:s15], [sflag:$0x6], $0x80, s21, s12, $0xb8;
	[tilespmem:$0x1FC00] =	vst v63  }
0x107: {  	_ =	swait.ge [sflag:s5], $0x3000  }
0x108: {  	[sflag:s5] =	ssyncset.done $0x0  }
0x109: {  	s22 =	simm.s32 $0x15780;
	[sflag:s5] =	ssyncadd.s32 $0xFFFFD000  }
0x10a: {  	[tilespmem:s15], [sflag:$0x2] =	stream.indirect.gather [hbm4b:s1+s12], $0x80, s22, s12, $0xb8;
	[tilespmem:$0x1FC00] =	vst v63  }
0x10b: {  	_ =	swait.ge [sflag:s23], $0x3000  }
0x10c: {  	[sflag:s23] =	ssyncset.done $0x0  }
0x10d: {  	s24 =	simm.s32 $0x16280;
	[sflag:s23] =	ssyncadd.s32 $0xFFFFD000  }
0x10e: {  	[spmem:s3] =	stream.indirect.scatter.add.f32 [tilespmem:s17], [sflag:$0x6], $0x80, s24, s12, $0xb8;
	[tilespmem:$0x1FC00] =	vst v63  }
0x10f: {  	_ =	swait.ge [sflag:s5], $0x3000  }
0x110: {  	[sflag:s5] =	ssyncset.done $0x0  }
0x111: {  	s25 =	simm.s32 $0x15800;
	[sflag:s5] =	ssyncadd.s32 $0xFFFFD000  }
0x112: {  	[tilespmem:s17], [sflag:$0x3] =	stream.indirect.gather [hbm4b:s1+s12], $0x80, s25, s12, $0xb8;
	[tilespmem:$0x1FC00] =	vst v63  }
0x113: {  	_ =	swait.ge [sflag:s18], $0x3000  }
0x114: {  	[sflag:s18] =	ssyncset.done $0x0  }
0x115: {  	s31 =	simm.s32 $0x16300;
	[sflag:s18] =	ssyncadd.s32 $0xFFFFD000  }
0x116: {  	[spmem:s3] =	stream.indirect.scatter.add.f32 [tilespmem:s13], [sflag:$0x6], $0x80, s31, s12, $0xb8;
	[tilespmem:$0x1FC00] =	vst v63  }
0x117: {  	_ =	swait.ge [sflag:s5], $0x3000  }
0x118: {  	[sflag:s5] =	ssyncset.done $0x0  }
0x119: {  	s6 =	simm.s32 $0x15880;
	[sflag:s5] =	ssyncadd.s32 $0xFFFFD000  }
0x11a: {  	[tilespmem:s13], [sflag:$0x1] =	stream.indirect.gather [hbm4b:s1+s12], $0x80, s6, s12, $0xb8;
	[tilespmem:$0x1FC00] =	vst v63  }
0x11b: {  	_ =	swait.ge [sflag:s20], $0x3000  }
0x11c: {  	[sflag:s20] =	ssyncset.done $0x0  }
0x11d: {  	s7 =	simm.s32 $0x16380;
	[sflag:s20] =	ssyncadd.s32 $0xFFFFD000  }
0x11e: {  	[spmem:s3] =	stream.indirect.scatter.add.f32 [tilespmem:s15], [sflag:$0x6], $0x80, s7, s12, $0xb8;
	[tilespmem:$0x1FC00] =	vst v63  }
0x11f: {  	_ =	swait.ge [sflag:s5], $0x3000  }
0x120: {  	[sflag:s5] =	ssyncset.done $0x0  }
0x121: {  	s10 =	simm.s32 $0x15900;
	[sflag:s5] =	ssyncadd.s32 $0xFFFFD000  }
0x122: {  	[tilespmem:s15], [sflag:$0x2] =	stream.indirect.gather [hbm4b:s1+s12], $0x80, s10, s12, $0xb8;
	[tilespmem:$0x1FC00] =	vst v63  }
0x123: {  	_ =	swait.ge [sflag:s23], $0x3000  }
0x124: {  	[sflag:s23] =	ssyncset.done $0x0  }
0x125: {  	s11 =	simm.s32 $0x16400;
	[sflag:s23] =	ssyncadd.s32 $0xFFFFD000  }
0x126: {  	[spmem:s3] =	stream.indirect.scatter.add.f32 [tilespmem:s17], [sflag:$0x6], $0x80, s11, s12, $0xb8;
	[tilespmem:$0x1FC00] =	vst v63  }
0x127: {  	_ =	swait.ge [sflag:s5], $0x3000  }
0x128: {  	[sflag:s5] =	ssyncset.done $0x0  }
0x129: {  	s14 =	simm.s32 $0x15980;
	[sflag:s5] =	ssyncadd.s32 $0xFFFFD000  }
0x12a: {  	[tilespmem:s17], [sflag:$0x3] =	stream.indirect.gather [hbm4b:s1+s12], $0x80, s14, s12, $0xb8;
	[tilespmem:$0x1FC00] =	vst v63  }
0x12b: {  	_ =	swait.ge [sflag:s18], $0x3000  }
0x12c: {  	[sflag:s18] =	ssyncset.done $0x0  }
0x12d: {  	s16 =	simm.s32 $0x16480;
	[sflag:s18] =	ssyncadd.s32 $0xFFFFD000  }
0x12e: {  	[spmem:s3] =	stream.indirect.scatter.add.f32 [tilespmem:s13], [sflag:$0x6], $0x80, s16, s12, $0xb8;
	[tilespmem:$0x1FC00] =	vst v63  }
0x12f: {  	_ =	swait.ge [sflag:s5], $0x3000  }
0x130: {  	[sflag:s5] =	ssyncset.done $0x0  }
0x131: {  	s19 =	simm.s32 $0x15A00;
	[sflag:s5] =	ssyncadd.s32 $0xFFFFD000  }
0x132: {  	[tilespmem:s13], [sflag:$0x1] =	stream.indirect.gather [hbm4b:s1+s12], $0x80, s19, s12, $0xb8;
	[tilespmem:$0x1FC00] =	vst v63  }
0x133: {  	_ =	swait.ge [sflag:s20], $0x3000  }
0x134: {  	[sflag:s20] =	ssyncset.done $0x0  }
0x135: {  	s21 =	simm.s32 $0x16500;
	[sflag:s20] =	ssyncadd.s32 $0xFFFFD000  }
0x136: {  	[spmem:s3] =	stream.indirect.scatter.add.f32 [tilespmem:s15], [sflag:$0x6], $0x80, s21, s12, $0xb8;
	[tilespmem:$0x1FC00] =	vst v63  }
0x137: {  	_ =	swait.ge [sflag:s5], $0x3000  }
0x138: {  	[sflag:s5] =	ssyncset.done $0x0  }
0x139: {  	s22 =	simm.s32 $0x15A80;
	[sflag:s5] =	ssyncadd.s32 $0xFFFFD000  }
0x13a: {  	[tilespmem:s15], [sflag:$0x2] =	stream.indirect.gather [hbm4b:s1+s12], $0x80, s22, s12, $0xb8;
	[tilespmem:$0x1FC00] =	vst v63  }
0x13b: {  	_ =	swait.ge [sflag:s23], $0x3000  }
0x13c: {  	[sflag:s23] =	ssyncset.done $0x0  }
0x13d: {  	s24 =	simm.s32 $0x16580;
	[sflag:s23] =	ssyncadd.s32 $0xFFFFD000  }
0x13e: {  	[spmem:s3] =	stream.indirect.scatter.add.f32 [tilespmem:s17], [sflag:$0x6], $0x80, s24, s12, $0xb8;
	[tilespmem:$0x1FC00] =	vst v63  }
0x13f: {  	_ =	swait.ge [sflag:s5], $0x3000  }
0x140: {  	[sflag:s5] =	ssyncset.done $0x0  }
0x141: {  	s25 =	simm.s32 $0x15B00;
	[sflag:s5] =	ssyncadd.s32 $0xFFFFD000  }
0x142: {  	[tilespmem:s17], [sflag:$0x3] =	stream.indirect.gather [hbm4b:s1+s12], $0x80, s25, s12, $0xb8;
	[tilespmem:$0x1FC00] =	vst v63  }
0x143: {  	_ =	swait.ge [sflag:s18], $0x3000  }
0x144: {  	[sflag:s18] =	ssyncset.done $0x0  }
0x145: {  	s31 =	simm.s32 $0x16600;
	[sflag:s18] =	ssyncadd.s32 $0xFFFFD000  }
0x146: {  	[spmem:s3] =	stream.indirect.scatter.add.f32 [tilespmem:s13], [sflag:$0x6], $0x80, s31, s12, $0xb8;
	[tilespmem:$0x1FC00] =	vst v63  }
0x147: {  	_ =	swait.ge [sflag:s5], $0x3000  }
0x148: {  	[sflag:s5] =	ssyncset.done $0x0  }
0x149: {  	s6 =	simm.s32 $0x15B80;
	[sflag:s5] =	ssyncadd.s32 $0xFFFFD000  }
0x14a: {  	[tilespmem:s13], [sflag:$0x1] =	stream.indirect.gather [hbm4b:s1+s12], $0x80, s6, s12, $0xb8;
	[tilespmem:$0x1FC00] =	vst v63  }
0x14b: {  	_ =	swait.ge [sflag:s20], $0x3000  }
0x14c: {  	[sflag:s20] =	ssyncset.done $0x0  }
0x14d: {  	s7 =	simm.s32 $0x16680;
	[sflag:s20] =	ssyncadd.s32 $0xFFFFD000  }
0x14e: {  	[spmem:s3] =	stream.indirect.scatter.add.f32 [tilespmem:s15], [sflag:$0x6], $0x80, s7, s12, $0xb8;
	[tilespmem:$0x1FC00] =	vst v63  }
0x14f: {  	_ =	swait.ge [sflag:s5], $0x3000  }
0x150: {  	[sflag:s5] =	ssyncset.done $0x0  }
0x151: {  	s10 =	simm.s32 $0x15C00;
	[sflag:s5] =	ssyncadd.s32 $0xFFFFD000  }
0x152: {  	[tilespmem:s15], [sflag:$0x2] =	stream.indirect.gather [hbm4b:s1+s12], $0x80, s10, s12, $0xb8;
	[tilespmem:$0x1FC00] =	vst v63  }
0x153: {  	_ =	swait.ge [sflag:s23], $0x3000  }
0x154: {  	[sflag:s23] =	ssyncset.done $0x0  }
0x155: {  	s11 =	simm.s32 $0x16700;
	[sflag:s23] =	ssyncadd.s32 $0xFFFFD000  }
0x156: {  	[spmem:s3] =	stream.indirect.scatter.add.f32 [tilespmem:s17], [sflag:$0x6], $0x80, s11, s12, $0xb8;
	[tilespmem:$0x1FC00] =	vst v63  }
0x157: {  	_ =	swait.ge [sflag:s5], $0x3000  }
0x158: {  	[sflag:s5] =	ssyncset.done $0x0  }
0x159: {  	s25 =	simm.s32 $0x15C80;
	[sflag:s5] =	ssyncadd.s32 $0xFFFFD000  }
0x15a: {  	[tilespmem:s17], [sflag:$0x3] =	stream.indirect.gather [hbm4b:s1+s12], $0x80, s25, s12, $0xb8;
	[tilespmem:$0x1FC00] =	vst v63  }
0x15b: {  	_ =	swait.ge [sflag:s18], $0x3000  }
0x15c: {  	[sflag:s18] =	ssyncset.done $0x0  }
0x15d: {  	s24 =	simm.s32 $0x16780;
	[sflag:s18] =	ssyncadd.s32 $0xFFFFD000  }
0x15e: {  	[spmem:s3] =	stream.indirect.scatter.add.f32 [tilespmem:s13], [sflag:$0x6], $0x80, s24, s12, $0xb8;
	[tilespmem:$0x1FC00] =	vst v63  }
0x15f: {  	_ =	swait.ge [sflag:s5], $0x3000  }
0x160: {  	[sflag:s5] =	ssyncset.done $0x0  }
0x161: {  	s22 =	simm.s32 $0x15D00;
	[sflag:s5] =	ssyncadd.s32 $0xFFFFD000  }
0x162: {  	[tilespmem:s13], [sflag:$0x1] =	stream.indirect.gather [hbm4b:s1+s12], $0x80, s22, s12, $0xb8;
	[tilespmem:$0x1FC00] =	vst v63  }
0x163: {  	_ =	swait.ge [sflag:s20], $0x3000  }
0x164: {  	[sflag:s20] =	ssyncset.done $0x0  }
0x165: {  	s21 =	simm.s32 $0x16800;
	[sflag:s20] =	ssyncadd.s32 $0xFFFFD000  }
0x166: {  	[spmem:s3] =	stream.indirect.scatter.add.f32 [tilespmem:s15], [sflag:$0x6], $0x80, s21, s12, $0xb8;
	[tilespmem:$0x1FC00] =	vst v63  }
0x167: {  	_ =	swait.ge [sflag:s5], $0x3000  }
0x168: {  	[sflag:s5] =	ssyncset.done $0x0  }
0x169: {  	s19 =	simm.s32 $0x15D80;
	[sflag:s5] =	ssyncadd.s32 $0xFFFFD000  }
0x16a: {  	[tilespmem:s15], [sflag:$0x2] =	stream.indirect.gather [hbm4b:s1+s12], $0x80, s19, s12, $0xb8;
	[tilespmem:$0x1FC00] =	vst v63  }
0x16b: {  	_ =	swait.ge [sflag:s23], $0x3000  }
0x16c: {  	[sflag:s23] =	ssyncset.done $0x0  }
0x16d: {  	s16 =	simm.s32 $0x16880;
	[sflag:s23] =	ssyncadd.s32 $0xFFFFD000  }
0x16e: {  	[spmem:s3] =	stream.indirect.scatter.add.f32 [tilespmem:s17], [sflag:$0x6], $0x80, s16, s12, $0xb8;
	[tilespmem:$0x1FC00] =	vst v63  }
0x16f: {  	_ =	swait.ge [sflag:s5], $0x3000  }
0x170: {  	[sflag:s5] =	ssyncset.done $0x0  }
0x171: {  	s11 =	simm.s32 $0x15E00;
	[sflag:s5] =	ssyncadd.s32 $0xFFFFD000  }
0x172: {  	[tilespmem:s17], [sflag:$0x3] =	stream.indirect.gather [hbm4b:s1+s12], $0x80, s11, s12, $0xb8;
	[tilespmem:$0x1FC00] =	vst v63  }
0x173: {  	_ =	swait.ge [sflag:s18], $0x3000  }
0x174: {  	[sflag:s18] =	ssyncset.done $0x0  }
0x175: {  	s10 =	simm.s32 $0x16900;
	[sflag:s18] =	ssyncadd.s32 $0xFFFFD000  }
0x176: {  	[spmem:s3] =	stream.indirect.scatter.add.f32 [tilespmem:s13], [sflag:$0x6], $0x80, s10, s12, $0xb8;
	[tilespmem:$0x1FC00] =	vst v63  }
0x177: {  	_ =	swait.ge [sflag:s5], $0x3000  }
0x178: {  	[sflag:s5] =	ssyncset.done $0x0  }
0x179: {  	[sflag:s5] =	ssyncadd.s32 $0xFFFFD000  }
0x17a: {  	_ =	swait.ge [sflag:s20], $0x3000  }
0x17b: {  	[sflag:s20] =	ssyncset.done $0x0  }
0x17c: {  	s7 =	simm.s32 $0x16980;
	[sflag:s20] =	ssyncadd.s32 $0xFFFFD000  }
0x17d: {  	[spmem:s3] =	stream.indirect.scatter.add.f32 [tilespmem:s15], [sflag:$0x6], $0x80, s7, s12, $0xb8;
	[tilespmem:$0x1FC00] =	vst v63  }
0x17e: {  	_ =	swait.ge [sflag:s5], $0x3000  }
0x17f: {  	[sflag:s5] =	ssyncset.done $0x0  }
0x180: {  	[sflag:s5] =	ssyncadd.s32 $0xFFFFD000  }
0x181: {  	_ =	swait.ge [sflag:s23], $0x3000  }
0x182: {  	[sflag:s23] =	ssyncset.done $0x0  }
0x183: {  	s6 =	simm.s32 $0x16A00;
	[sflag:s23] =	ssyncadd.s32 $0xFFFFD000  }
0x184: {  	[spmem:s3] =	stream.indirect.scatter.add.f32 [tilespmem:s17], [sflag:$0x6], $0x80, s6, s12, $0xb8;
	[tilespmem:$0x1FC00] =	vst v63  }
0x185: {  	_ =	swait.ge [sflag:s5], $0x3000  }
0x186: {  	[sflag:s5] =	ssyncset.done $0x0  }
0x187: {  	[sflag:s5] =	ssyncadd.s32 $0xFFFFD000  }
0x188: {  	_ =	swait.ge [sflag:s8], $0xA80  }
0x189: {  	[sflag:s8] =	ssyncset.done $0x0  }
0x18a: {  	[sflag:s8] =	ssyncadd.s32 $0xFFFFF580  }
0x18b: {  	_ =	swait.ge [sflag:s0], $0xA80  }
0x18c: {  	[sflag:s0] =	ssyncset.done $0x0  }
0x18d: {  	s14 =	rddreg [dreg:$0xd];
	[sflag:s0] =	ssyncadd.s32 $0xFFFFF580  }
0x18e: {  	[tilespmem:s26], [sflag:$0x4] =	stream.linear.gather [hbm4b:s14+s28], $0xA80, $0x38;
	[tilespmem:$0x1FC00] =	vst v63  }
0x18f: {  	s2 =	simm.s32 $0x16000;
	s31 =	rddreg [dreg:$0xe]  }
0x190: {  	[tilespmem:s2], [sflag:$0x5] =	stream.linear.gather [hbm4b:s31+s28], $0xA80, $0x38;
	[tilespmem:$0x1FC00] =	vst v63  }
0x191: {  	_ = 	snop  }
0x192: {  	[tilespmem:s13], [sflag:$0x1] =	stream.indirect.gather [hbm4b:s1+s12], $0x80, s29, s12, $0xb8;
	[tilespmem:$0x1FC00] =	vst v63  }
0x193: {  	s31 =	simm.s32 $0x13C80  }
0x194: {  	[tilespmem:s15], [sflag:$0x2] =	stream.indirect.gather [hbm4b:s1+s12], $0x80, s31, s12, $0xb8;
	[tilespmem:$0x1FC00] =	vst v63  }
0x195: {  	s31 =	simm.s32 $0x13D00  }
0x196: {  	[tilespmem:s17], [sflag:$0x3] =	stream.indirect.gather [hbm4b:s1+s12], $0x80, s31, s12, $0xb8;
	[tilespmem:$0x1FC00] =	vst v63  }
0x197: {  	_ =	swait.ge [sflag:s18], $0x3000  }
0x198: {  	[sflag:s18] =	ssyncset.done $0x0  }
0x199: {  	[sflag:s18] =	ssyncadd.s32 $0xFFFFD000  }
0x19a: {  	[spmem:s3] =	stream.indirect.scatter.add.f32 [tilespmem:s13], [sflag:$0x6], $0x80, s4, s12, $0xb8;
	[tilespmem:$0x1FC00] =	vst v63  }
0x19b: {  	_ =	swait.ge [sflag:s5], $0x3000  }
0x19c: {  	[sflag:s5] =	ssyncset.done $0x0  }
0x19d: {  	s31 =	simm.s32 $0x13D80;
	[sflag:s5] =	ssyncadd.s32 $0xFFFFD000  }
0x19e: {  	[tilespmem:s13], [sflag:$0x1] =	stream.indirect.gather [hbm4b:s1+s12], $0x80, s31, s12, $0xb8;
	[tilespmem:$0x1FC00] =	vst v63  }
0x19f: {  	_ =	swait.ge [sflag:s20], $0x3000  }
0x1a0: {  	[sflag:s20] =	ssyncset.done $0x0  }
0x1a1: {  	s31 =	simm.s32 $0x14880;
	[sflag:s20] =	ssyncadd.s32 $0xFFFFD000  }
0x1a2: {  	[spmem:s3] =	stream.indirect.scatter.add.f32 [tilespmem:s15], [sflag:$0x6], $0x80, s31, s12, $0xb8;
	[tilespmem:$0x1FC00] =	vst v63  }
0x1a3: {  	_ =	swait.ge [sflag:s5], $0x3000  }
0x1a4: {  	[sflag:s5] =	ssyncset.done $0x0  }
0x1a5: {  	s31 =	simm.s32 $0x13E00;
	[sflag:s5] =	ssyncadd.s32 $0xFFFFD000  }
0x1a6: {  	[tilespmem:s15], [sflag:$0x2] =	stream.indirect.gather [hbm4b:s1+s12], $0x80, s31, s12, $0xb8;
	[tilespmem:$0x1FC00] =	vst v63  }
0x1a7: {  	_ =	swait.ge [sflag:s23], $0x3000  }
0x1a8: {  	[sflag:s23] =	ssyncset.done $0x0  }
0x1a9: {  	s31 =	simm.s32 $0x14900;
	[sflag:s23] =	ssyncadd.s32 $0xFFFFD000  }
0x1aa: {  	[spmem:s3] =	stream.indirect.scatter.add.f32 [tilespmem:s17], [sflag:$0x6], $0x80, s31, s12, $0xb8;
	[tilespmem:$0x1FC00] =	vst v63  }
0x1ab: {  	_ =	swait.ge [sflag:s5], $0x3000  }
0x1ac: {  	[sflag:s5] =	ssyncset.done $0x0  }
0x1ad: {  	s31 =	simm.s32 $0x13E80;
	[sflag:s5] =	ssyncadd.s32 $0xFFFFD000  }
0x1ae: {  	[tilespmem:s17], [sflag:$0x3] =	stream.indirect.gather [hbm4b:s1+s12], $0x80, s31, s12, $0xb8;
	[tilespmem:$0x1FC00] =	vst v63  }
0x1af: {  	_ =	swait.ge [sflag:s18], $0x3000  }
0x1b0: {  	[sflag:s18] =	ssyncset.done $0x0  }
0x1b1: {  	s31 =	simm.s32 $0x14980;
	[sflag:s18] =	ssyncadd.s32 $0xFFFFD000  }
0x1b2: {  	[spmem:s3] =	stream.indirect.scatter.add.f32 [tilespmem:s13], [sflag:$0x6], $0x80, s31, s12, $0xb8;
	[tilespmem:$0x1FC00] =	vst v63  }
0x1b3: {  	_ =	swait.ge [sflag:s5], $0x3000  }
0x1b4: {  	[sflag:s5] =	ssyncset.done $0x0  }
0x1b5: {  	s31 =	simm.s32 $0x13F00;
	[sflag:s5] =	ssyncadd.s32 $0xFFFFD000  }
0x1b6: {  	[tilespmem:s13], [sflag:$0x1] =	stream.indirect.gather [hbm4b:s1+s12], $0x80, s31, s12, $0xb8;
	[tilespmem:$0x1FC00] =	vst v63  }
0x1b7: {  	_ =	swait.ge [sflag:s20], $0x3000  }
0x1b8: {  	[sflag:s20] =	ssyncset.done $0x0  }
0x1b9: {  	s31 =	simm.s32 $0x14A00;
	[sflag:s20] =	ssyncadd.s32 $0xFFFFD000  }
0x1ba: {  	[spmem:s3] =	stream.indirect.scatter.add.f32 [tilespmem:s15], [sflag:$0x6], $0x80, s31, s12, $0xb8;
	[tilespmem:$0x1FC00] =	vst v63  }
0x1bb: {  	_ =	swait.ge [sflag:s5], $0x3000  }
0x1bc: {  	[sflag:s5] =	ssyncset.done $0x0  }
0x1bd: {  	s31 =	simm.s32 $0x13F80;
	[sflag:s5] =	ssyncadd.s32 $0xFFFFD000  }
0x1be: {  	[tilespmem:s15], [sflag:$0x2] =	stream.indirect.gather [hbm4b:s1+s12], $0x80, s31, s12, $0xb8;
	[tilespmem:$0x1FC00] =	vst v63  }
0x1bf: {  	_ =	swait.ge [sflag:s23], $0x3000  }
0x1c0: {  	[sflag:s23] =	ssyncset.done $0x0  }
0x1c1: {  	s31 =	simm.s32 $0x14A80;
	[sflag:s23] =	ssyncadd.s32 $0xFFFFD000  }
0x1c2: {  	[spmem:s3] =	stream.indirect.scatter.add.f32 [tilespmem:s17], [sflag:$0x6], $0x80, s31, s12, $0xb8;
	[tilespmem:$0x1FC00] =	vst v63  }
0x1c3: {  	_ =	swait.ge [sflag:s5], $0x3000  }
0x1c4: {  	[sflag:s5] =	ssyncset.done $0x0  }
0x1c5: {  	s31 =	simm.s32 $0x14000;
	[sflag:s5] =	ssyncadd.s32 $0xFFFFD000  }
0x1c6: {  	[tilespmem:s17], [sflag:$0x3] =	stream.indirect.gather [hbm4b:s1+s12], $0x80, s31, s12, $0xb8;
	[tilespmem:$0x1FC00] =	vst v63  }
0x1c7: {  	_ =	swait.ge [sflag:s18], $0x3000  }
0x1c8: {  	[sflag:s18] =	ssyncset.done $0x0  }
0x1c9: {  	s31 =	simm.s32 $0x14B00;
	[sflag:s18] =	ssyncadd.s32 $0xFFFFD000  }
0x1ca: {  	[spmem:s3] =	stream.indirect.scatter.add.f32 [tilespmem:s13], [sflag:$0x6], $0x80, s31, s12, $0xb8;
	[tilespmem:$0x1FC00] =	vst v63  }
0x1cb: {  	_ =	swait.ge [sflag:s5], $0x3000  }
0x1cc: {  	[sflag:s5] =	ssyncset.done $0x0  }
0x1cd: {  	s31 =	simm.s32 $0x14080;
	[sflag:s5] =	ssyncadd.s32 $0xFFFFD000  }
0x1ce: {  	[tilespmem:s13], [sflag:$0x1] =	stream.indirect.gather [hbm4b:s1+s12], $0x80, s31, s12, $0xb8;
	[tilespmem:$0x1FC00] =	vst v63  }
0x1cf: {  	_ =	swait.ge [sflag:s20], $0x3000  }
0x1d0: {  	[sflag:s20] =	ssyncset.done $0x0  }
0x1d1: {  	s31 =	simm.s32 $0x14B80;
	[sflag:s20] =	ssyncadd.s32 $0xFFFFD000  }
0x1d2: {  	[spmem:s3] =	stream.indirect.scatter.add.f32 [tilespmem:s15], [sflag:$0x6], $0x80, s31, s12, $0xb8;
	[tilespmem:$0x1FC00] =	vst v63  }
0x1d3: {  	_ =	swait.ge [sflag:s5], $0x3000  }
0x1d4: {  	[sflag:s5] =	ssyncset.done $0x0  }
0x1d5: {  	s31 =	simm.s32 $0x14100;
	[sflag:s5] =	ssyncadd.s32 $0xFFFFD000  }
0x1d6: {  	[tilespmem:s15], [sflag:$0x2] =	stream.indirect.gather [hbm4b:s1+s12], $0x80, s31, s12, $0xb8;
	[tilespmem:$0x1FC00] =	vst v63  }
0x1d7: {  	_ =	swait.ge [sflag:s23], $0x3000  }
0x1d8: {  	[sflag:s23] =	ssyncset.done $0x0  }
0x1d9: {  	s31 =	simm.s32 $0x14C00;
	[sflag:s23] =	ssyncadd.s32 $0xFFFFD000  }
0x1da: {  	[spmem:s3] =	stream.indirect.scatter.add.f32 [tilespmem:s17], [sflag:$0x6], $0x80, s31, s12, $0xb8;
	[tilespmem:$0x1FC00] =	vst v63  }
0x1db: {  	_ =	swait.ge [sflag:s5], $0x3000  }
0x1dc: {  	[sflag:s5] =	ssyncset.done $0x0  }
0x1dd: {  	s31 =	simm.s32 $0x14180;
	[sflag:s5] =	ssyncadd.s32 $0xFFFFD000  }
0x1de: {  	[tilespmem:s17], [sflag:$0x3] =	stream.indirect.gather [hbm4b:s1+s12], $0x80, s31, s12, $0xb8;
	[tilespmem:$0x1FC00] =	vst v63  }
0x1df: {  	_ =	swait.ge [sflag:s18], $0x3000  }
0x1e0: {  	[sflag:s18] =	ssyncset.done $0x0  }
0x1e1: {  	s31 =	simm.s32 $0x14C80;
	[sflag:s18] =	ssyncadd.s32 $0xFFFFD000  }
0x1e2: {  	[spmem:s3] =	stream.indirect.scatter.add.f32 [tilespmem:s13], [sflag:$0x6], $0x80, s31, s12, $0xb8;
	[tilespmem:$0x1FC00] =	vst v63  }
0x1e3: {  	_ =	swait.ge [sflag:s5], $0x3000  }
0x1e4: {  	[sflag:s5] =	ssyncset.done $0x0  }
0x1e5: {  	s31 =	simm.s32 $0x14200;
	[sflag:s5] =	ssyncadd.s32 $0xFFFFD000  }
0x1e6: {  	[tilespmem:s13], [sflag:$0x1] =	stream.indirect.gather [hbm4b:s1+s12], $0x80, s31, s12, $0xb8;
	[tilespmem:$0x1FC00] =	vst v63  }
0x1e7: {  	_ =	swait.ge [sflag:s20], $0x3000  }
0x1e8: {  	[sflag:s20] =	ssyncset.done $0x0  }
0x1e9: {  	s31 =	simm.s32 $0x14D00;
	[sflag:s20] =	ssyncadd.s32 $0xFFFFD000  }
0x1ea: {  	[spmem:s3] =	stream.indirect.scatter.add.f32 [tilespmem:s15], [sflag:$0x6], $0x80, s31, s12, $0xb8;
	[tilespmem:$0x1FC00] =	vst v63  }
0x1eb: {  	_ =	swait.ge [sflag:s5], $0x3000  }
0x1ec: {  	[sflag:s5] =	ssyncset.done $0x0  }
0x1ed: {  	s31 =	simm.s32 $0x14280;
	[sflag:s5] =	ssyncadd.s32 $0xFFFFD000  }
0x1ee: {  	[tilespmem:s15], [sflag:$0x2] =	stream.indirect.gather [hbm4b:s1+s12], $0x80, s31, s12, $0xb8;
	[tilespmem:$0x1FC00] =	vst v63  }
0x1ef: {  	_ =	swait.ge [sflag:s23], $0x3000  }
0x1f0: {  	[sflag:s23] =	ssyncset.done $0x0  }
0x1f1: {  	s31 =	simm.s32 $0x14D80;
	[sflag:s23] =	ssyncadd.s32 $0xFFFFD000  }
0x1f2: {  	[spmem:s3] =	stream.indirect.scatter.add.f32 [tilespmem:s17], [sflag:$0x6], $0x80, s31, s12, $0xb8;
	[tilespmem:$0x1FC00] =	vst v63  }
0x1f3: {  	_ =	swait.ge [sflag:s5], $0x3000  }
0x1f4: {  	[sflag:s5] =	ssyncset.done $0x0  }
0x1f5: {  	s31 =	simm.s32 $0x14300;
	[sflag:s5] =	ssyncadd.s32 $0xFFFFD000  }
0x1f6: {  	[tilespmem:s17], [sflag:$0x3] =	stream.indirect.gather [hbm4b:s1+s12], $0x80, s31, s12, $0xb8;
	[tilespmem:$0x1FC00] =	vst v63  }
0x1f7: {  	_ =	swait.ge [sflag:s18], $0x3000  }
0x1f8: {  	[sflag:s18] =	ssyncset.done $0x0  }
0x1f9: {  	s31 =	simm.s32 $0x14E00;
	[sflag:s18] =	ssyncadd.s32 $0xFFFFD000  }
0x1fa: {  	[spmem:s3] =	stream.indirect.scatter.add.f32 [tilespmem:s13], [sflag:$0x6], $0x80, s31, s12, $0xb8;
	[tilespmem:$0x1FC00] =	vst v63  }
0x1fb: {  	_ =	swait.ge [sflag:s5], $0x3000  }
0x1fc: {  	[sflag:s5] =	ssyncset.done $0x0  }
0x1fd: {  	s31 =	simm.s32 $0x14380;
	[sflag:s5] =	ssyncadd.s32 $0xFFFFD000  }
0x1fe: {  	[tilespmem:s13], [sflag:$0x1] =	stream.indirect.gather [hbm4b:s1+s12], $0x80, s31, s12, $0xb8;
	[tilespmem:$0x1FC00] =	vst v63  }
0x1ff: {  	_ =	swait.ge [sflag:s20], $0x3000  }
0x200: {  	[sflag:s20] =	ssyncset.done $0x0  }
0x201: {  	s31 =	simm.s32 $0x14E80;
	[sflag:s20] =	ssyncadd.s32 $0xFFFFD000  }
0x202: {  	[spmem:s3] =	stream.indirect.scatter.add.f32 [tilespmem:s15], [sflag:$0x6], $0x80, s31, s12, $0xb8;
	[tilespmem:$0x1FC00] =	vst v63  }
0x203: {  	_ =	swait.ge [sflag:s5], $0x3000  }
0x204: {  	[sflag:s5] =	ssyncset.done $0x0  }
0x205: {  	s31 =	simm.s32 $0x14400;
	[sflag:s5] =	ssyncadd.s32 $0xFFFFD000  }
0x206: {  	[tilespmem:s15], [sflag:$0x2] =	stream.indirect.gather [hbm4b:s1+s12], $0x80, s31, s12, $0xb8;
	[tilespmem:$0x1FC00] =	vst v63  }
0x207: {  	_ =	swait.ge [sflag:s23], $0x3000  }
0x208: {  	[sflag:s23] =	ssyncset.done $0x0  }
0x209: {  	s31 =	simm.s32 $0x14F00;
	[sflag:s23] =	ssyncadd.s32 $0xFFFFD000  }
0x20a: {  	[spmem:s3] =	stream.indirect.scatter.add.f32 [tilespmem:s17], [sflag:$0x6], $0x80, s31, s12, $0xb8;
	[tilespmem:$0x1FC00] =	vst v63  }
0x20b: {  	_ =	swait.ge [sflag:s5], $0x3000  }
0x20c: {  	[sflag:s5] =	ssyncset.done $0x0  }
0x20d: {  	s31 =	simm.s32 $0x14480;
	[sflag:s5] =	ssyncadd.s32 $0xFFFFD000  }
0x20e: {  	[tilespmem:s17], [sflag:$0x3] =	stream.indirect.gather [hbm4b:s1+s12], $0x80, s31, s12, $0xb8;
	[tilespmem:$0x1FC00] =	vst v63  }
0x20f: {  	_ =	swait.ge [sflag:s18], $0x3000  }
0x210: {  	[sflag:s18] =	ssyncset.done $0x0  }
0x211: {  	s31 =	simm.s32 $0x14F80;
	[sflag:s18] =	ssyncadd.s32 $0xFFFFD000  }
0x212: {  	[spmem:s3] =	stream.indirect.scatter.add.f32 [tilespmem:s13], [sflag:$0x6], $0x80, s31, s12, $0xb8;
	[tilespmem:$0x1FC00] =	vst v63  }
0x213: {  	_ =	swait.ge [sflag:s5], $0x3000  }
0x214: {  	[sflag:s5] =	ssyncset.done $0x0  }
0x215: {  	s31 =	simm.s32 $0x14500;
	[sflag:s5] =	ssyncadd.s32 $0xFFFFD000  }
0x216: {  	[tilespmem:s13], [sflag:$0x1] =	stream.indirect.gather [hbm4b:s1+s12], $0x80, s31, s12, $0xb8;
	[tilespmem:$0x1FC00] =	vst v63  }
0x217: {  	_ =	swait.ge [sflag:s20], $0x3000  }
0x218: {  	[sflag:s20] =	ssyncset.done $0x0  }
0x219: {  	s31 =	simm.s32 $0x15000;
	[sflag:s20] =	ssyncadd.s32 $0xFFFFD000  }
0x21a: {  	[spmem:s3] =	stream.indirect.scatter.add.f32 [tilespmem:s15], [sflag:$0x6], $0x80, s31, s12, $0xb8;
	[tilespmem:$0x1FC00] =	vst v63  }
0x21b: {  	_ =	swait.ge [sflag:s5], $0x3000  }
0x21c: {  	[sflag:s5] =	ssyncset.done $0x0  }
0x21d: {  	s31 =	simm.s32 $0x14580;
	[sflag:s5] =	ssyncadd.s32 $0xFFFFD000  }
0x21e: {  	[tilespmem:s15], [sflag:$0x2] =	stream.indirect.gather [hbm4b:s1+s12], $0x80, s31, s12, $0xb8;
	[tilespmem:$0x1FC00] =	vst v63  }
0x21f: {  	_ =	swait.ge [sflag:s23], $0x3000  }
0x220: {  	[sflag:s23] =	ssyncset.done $0x0  }
0x221: {  	s31 =	simm.s32 $0x15080;
	[sflag:s23] =	ssyncadd.s32 $0xFFFFD000  }
0x222: {  	[spmem:s3] =	stream.indirect.scatter.add.f32 [tilespmem:s17], [sflag:$0x6], $0x80, s31, s12, $0xb8;
	[tilespmem:$0x1FC00] =	vst v63  }
0x223: {  	_ =	swait.ge [sflag:s5], $0x3000  }
0x224: {  	[sflag:s5] =	ssyncset.done $0x0  }
0x225: {  	s31 =	simm.s32 $0x14600;
	[sflag:s5] =	ssyncadd.s32 $0xFFFFD000  }
0x226: {  	[tilespmem:s17], [sflag:$0x3] =	stream.indirect.gather [hbm4b:s1+s12], $0x80, s31, s12, $0xb8;
	[tilespmem:$0x1FC00] =	vst v63  }
0x227: {  	_ =	swait.ge [sflag:s18], $0x3000  }
0x228: {  	[sflag:s18] =	ssyncset.done $0x0  }
0x229: {  	s31 =	simm.s32 $0x15100;
	[sflag:s18] =	ssyncadd.s32 $0xFFFFD000  }
0x22a: {  	[spmem:s3] =	stream.indirect.scatter.add.f32 [tilespmem:s13], [sflag:$0x6], $0x80, s31, s12, $0xb8;
	[tilespmem:$0x1FC00] =	vst v63  }
0x22b: {  	_ =	swait.ge [sflag:s5], $0x3000  }
0x22c: {  	[sflag:s5] =	ssyncset.done $0x0  }
0x22d: {  	[sflag:s5] =	ssyncadd.s32 $0xFFFFD000  }
0x22e: {  	_ =	swait.ge [sflag:s20], $0x3000  }
0x22f: {  	[sflag:s20] =	ssyncset.done $0x0  }
0x230: {  	s31 =	simm.s32 $0x15180;
	[sflag:s20] =	ssyncadd.s32 $0xFFFFD000  }
0x231: {  	[spmem:s3] =	stream.indirect.scatter.add.f32 [tilespmem:s15], [sflag:$0x6], $0x80, s31, s12, $0xb8;
	[tilespmem:$0x1FC00] =	vst v63  }
0x232: {  	_ =	swait.ge [sflag:s5], $0x3000  }
0x233: {  	[sflag:s5] =	ssyncset.done $0x0  }
0x234: {  	[sflag:s5] =	ssyncadd.s32 $0xFFFFD000  }
0x235: {  	_ =	swait.ge [sflag:s23], $0x3000  }
0x236: {  	[sflag:s23] =	ssyncset.done $0x0  }
0x237: {  	s31 =	simm.s32 $0x15200;
	[sflag:s23] =	ssyncadd.s32 $0xFFFFD000  }
0x238: {  	[spmem:s3] =	stream.indirect.scatter.add.f32 [tilespmem:s17], [sflag:$0x6], $0x80, s31, s12, $0xb8;
	[tilespmem:$0x1FC00] =	vst v63  }
0x239: {  	_ =	swait.ge [sflag:s5], $0x3000  }
0x23a: {  	[sflag:s5] =	ssyncset.done $0x0  }
0x23b: {  	[sflag:s5] =	ssyncadd.s32 $0xFFFFD000  }
0x23c: {  	_ =	swait.ge [sflag:s8], $0xA80  }
0x23d: {  	[sflag:s8] =	ssyncset.done $0x0  }
0x23e: {  	[sflag:s8] =	ssyncadd.s32 $0xFFFFF580  }
0x23f: {  	_ =	swait.ge [sflag:s0], $0xA80  }
0x240: {  	s31 =	rddreg [dreg:$0xf]  }
0x241: {  	[sflag:s0] =	ssyncset.done $0x0;
	[dreg:$0x15] =	wrdreg s31  }
0x242: {  	[sflag:s0] =	ssyncadd.s32 $0xFFFFF580;
	s31 =	rddreg [dreg:$0x15]  }
0x243: {  	[tilespmem:s29], [sflag:$0x4] =	stream.linear.gather [hbm4b:s31+s28], $0xA80, $0x38;
	[tilespmem:$0x1FC00] =	vst v63  }
0x244: {  	s14 =	rddreg [dreg:$0x10]  }
0x245: {  	[tilespmem:s4], [sflag:$0x5] =	stream.linear.gather [hbm4b:s14+s28], $0xA80, $0x38;
	[tilespmem:$0x1FC00] =	vst v63  }
0x246: {  	_ = 	snop  }
0x247: {  	[tilespmem:s13], [sflag:$0x1] =	stream.indirect.gather [hbm4b:s1+s12], $0x80, s26, s12, $0xb8;
	[tilespmem:$0x1FC00] =	vst v63  }
0x248: {  	s28 =	simm.s32 $0x15480  }
0x249: {  	[tilespmem:s15], [sflag:$0x2] =	stream.indirect.gather [hbm4b:s1+s12], $0x80, s28, s12, $0xb8;
	[tilespmem:$0x1FC00] =	vst v63  }
0x24a: {  	s31 =	simm.s32 $0x15500  }
0x24b: {  	[tilespmem:s17], [sflag:$0x3] =	stream.indirect.gather [hbm4b:s1+s12], $0x80, s31, s12, $0xb8;
	[tilespmem:$0x1FC00] =	vst v63  }
0x24c: {  	_ =	swait.ge [sflag:s18], $0x3000  }
0x24d: {  	[sflag:s18] =	ssyncset.done $0x0  }
0x24e: {  	[sflag:s18] =	ssyncadd.s32 $0xFFFFD000  }
0x24f: {  	[spmem:s3] =	stream.indirect.scatter.add.f32 [tilespmem:s13], [sflag:$0x6], $0x80, s2, s12, $0xb8;
	[tilespmem:$0x1FC00] =	vst v63  }
0x250: {  	_ =	swait.ge [sflag:s5], $0x3000  }
0x251: {  	[sflag:s5] =	ssyncset.done $0x0  }
0x252: {  	s14 =	simm.s32 $0x15580;
	[sflag:s5] =	ssyncadd.s32 $0xFFFFD000  }
0x253: {  	[tilespmem:s13], [sflag:$0x1] =	stream.indirect.gather [hbm4b:s1+s12], $0x80, s14, s12, $0xb8;
	[tilespmem:$0x1FC00] =	vst v63  }
0x254: {  	_ =	swait.ge [sflag:s20], $0x3000  }
0x255: {  	[sflag:s20] =	ssyncset.done $0x0  }
0x256: {  	s26 =	simm.s32 $0x16080;
	[sflag:s20] =	ssyncadd.s32 $0xFFFFD000  }
0x257: {  	[spmem:s3] =	stream.indirect.scatter.add.f32 [tilespmem:s15], [sflag:$0x6], $0x80, s26, s12, $0xb8;
	[tilespmem:$0x1FC00] =	vst v63  }
0x258: {  	_ =	swait.ge [sflag:s5], $0x3000  }
0x259: {  	[sflag:s5] =	ssyncset.done $0x0  }
0x25a: {  	s28 =	simm.s32 $0x15600;
	[sflag:s5] =	ssyncadd.s32 $0xFFFFD000  }
0x25b: {  	[tilespmem:s15], [sflag:$0x2] =	stream.indirect.gather [hbm4b:s1+s12], $0x80, s28, s12, $0xb8;
	[tilespmem:$0x1FC00] =	vst v63  }
0x25c: {  	_ =	swait.ge [sflag:s23], $0x3000  }
0x25d: {  	[sflag:s23] =	ssyncset.done $0x0  }
0x25e: {  	s31 =	simm.s32 $0x16100;
	[sflag:s23] =	ssyncadd.s32 $0xFFFFD000  }
0x25f: {  	[spmem:s3] =	stream.indirect.scatter.add.f32 [tilespmem:s17], [sflag:$0x6], $0x80, s31, s12, $0xb8;
	[tilespmem:$0x1FC00] =	vst v63  }
0x260: {  	_ =	swait.ge [sflag:s5], $0x3000  }
0x261: {  	[sflag:s5] =	ssyncset.done $0x0  }
0x262: {  	s14 =	simm.s32 $0x15680;
	[sflag:s5] =	ssyncadd.s32 $0xFFFFD000  }
0x263: {  	[tilespmem:s17], [sflag:$0x3] =	stream.indirect.gather [hbm4b:s1+s12], $0x80, s14, s12, $0xb8;
	[tilespmem:$0x1FC00] =	vst v63  }
0x264: {  	_ =	swait.ge [sflag:s18], $0x3000  }
0x265: {  	[sflag:s18] =	ssyncset.done $0x0  }
0x266: {  	s26 =	simm.s32 $0x16180;
	[sflag:s18] =	ssyncadd.s32 $0xFFFFD000  }
0x267: {  	[spmem:s3] =	stream.indirect.scatter.add.f32 [tilespmem:s13], [sflag:$0x6], $0x80, s26, s12, $0xb8;
	[tilespmem:$0x1FC00] =	vst v63  }
0x268: {  	_ =	swait.ge [sflag:s5], $0x3000  }
0x269: {  	[sflag:s5] =	ssyncset.done $0x0  }
0x26a: {  	s28 =	simm.s32 $0x15700;
	[sflag:s5] =	ssyncadd.s32 $0xFFFFD000  }
0x26b: {  	[tilespmem:s13], [sflag:$0x1] =	stream.indirect.gather [hbm4b:s1+s12], $0x80, s28, s12, $0xb8;
	[tilespmem:$0x1FC00] =	vst v63  }
0x26c: {  	_ =	swait.ge [sflag:s20], $0x3000  }
0x26d: {  	[sflag:s20] =	ssyncset.done $0x0  }
0x26e: {  	s31 =	simm.s32 $0x16200;
	[sflag:s20] =	ssyncadd.s32 $0xFFFFD000  }
0x26f: {  	[spmem:s3] =	stream.indirect.scatter.add.f32 [tilespmem:s15], [sflag:$0x6], $0x80, s31, s12, $0xb8;
	[tilespmem:$0x1FC00] =	vst v63  }
0x270: {  	_ =	swait.ge [sflag:s5], $0x3000  }
0x271: {  	[sflag:s5] =	ssyncset.done $0x0  }
0x272: {  	s14 =	simm.s32 $0x15780;
	[sflag:s5] =	ssyncadd.s32 $0xFFFFD000  }
0x273: {  	[tilespmem:s15], [sflag:$0x2] =	stream.indirect.gather [hbm4b:s1+s12], $0x80, s14, s12, $0xb8;
	[tilespmem:$0x1FC00] =	vst v63  }
0x274: {  	_ =	swait.ge [sflag:s23], $0x3000  }
0x275: {  	[sflag:s23] =	ssyncset.done $0x0  }
0x276: {  	s26 =	simm.s32 $0x16280;
	[sflag:s23] =	ssyncadd.s32 $0xFFFFD000  }
0x277: {  	[spmem:s3] =	stream.indirect.scatter.add.f32 [tilespmem:s17], [sflag:$0x6], $0x80, s26, s12, $0xb8;
	[tilespmem:$0x1FC00] =	vst v63  }
0x278: {  	_ =	swait.ge [sflag:s5], $0x3000  }
0x279: {  	[sflag:s5] =	ssyncset.done $0x0  }
0x27a: {  	s28 =	simm.s32 $0x15800;
	[sflag:s5] =	ssyncadd.s32 $0xFFFFD000  }
0x27b: {  	[tilespmem:s17], [sflag:$0x3] =	stream.indirect.gather [hbm4b:s1+s12], $0x80, s28, s12, $0xb8;
	[tilespmem:$0x1FC00] =	vst v63  }
0x27c: {  	_ =	swait.ge [sflag:s18], $0x3000  }
0x27d: {  	[sflag:s18] =	ssyncset.done $0x0  }
0x27e: {  	s31 =	simm.s32 $0x16300;
	[sflag:s18] =	ssyncadd.s32 $0xFFFFD000  }
0x27f: {  	[spmem:s3] =	stream.indirect.scatter.add.f32 [tilespmem:s13], [sflag:$0x6], $0x80, s31, s12, $0xb8;
	[tilespmem:$0x1FC00] =	vst v63  }
0x280: {  	_ =	swait.ge [sflag:s5], $0x3000  }
0x281: {  	[sflag:s5] =	ssyncset.done $0x0  }
0x282: {  	s14 =	simm.s32 $0x15880;
	[sflag:s5] =	ssyncadd.s32 $0xFFFFD000  }
0x283: {  	[tilespmem:s13], [sflag:$0x1] =	stream.indirect.gather [hbm4b:s1+s12], $0x80, s14, s12, $0xb8;
	[tilespmem:$0x1FC00] =	vst v63  }
0x284: {  	_ =	swait.ge [sflag:s20], $0x3000  }
0x285: {  	[sflag:s20] =	ssyncset.done $0x0  }
0x286: {  	s26 =	simm.s32 $0x16380;
	[sflag:s20] =	ssyncadd.s32 $0xFFFFD000  }
0x287: {  	[spmem:s3] =	stream.indirect.scatter.add.f32 [tilespmem:s15], [sflag:$0x6], $0x80, s26, s12, $0xb8;
	[tilespmem:$0x1FC00] =	vst v63  }
0x288: {  	_ =	swait.ge [sflag:s5], $0x3000  }
0x289: {  	[sflag:s5] =	ssyncset.done $0x0  }
0x28a: {  	s28 =	simm.s32 $0x15900;
	[sflag:s5] =	ssyncadd.s32 $0xFFFFD000  }
0x28b: {  	[tilespmem:s15], [sflag:$0x2] =	stream.indirect.gather [hbm4b:s1+s12], $0x80, s28, s12, $0xb8;
	[tilespmem:$0x1FC00] =	vst v63  }
0x28c: {  	_ =	swait.ge [sflag:s23], $0x3000  }
0x28d: {  	[sflag:s23] =	ssyncset.done $0x0  }
0x28e: {  	s31 =	simm.s32 $0x16400;
	[sflag:s23] =	ssyncadd.s32 $0xFFFFD000  }
0x28f: {  	[spmem:s3] =	stream.indirect.scatter.add.f32 [tilespmem:s17], [sflag:$0x6], $0x80, s31, s12, $0xb8;
	[tilespmem:$0x1FC00] =	vst v63  }
0x290: {  	_ =	swait.ge [sflag:s5], $0x3000  }
0x291: {  	[sflag:s5] =	ssyncset.done $0x0  }
0x292: {  	s14 =	simm.s32 $0x15980;
	[sflag:s5] =	ssyncadd.s32 $0xFFFFD000  }
0x293: {  	[tilespmem:s17], [sflag:$0x3] =	stream.indirect.gather [hbm4b:s1+s12], $0x80, s14, s12, $0xb8;
	[tilespmem:$0x1FC00] =	vst v63  }
0x294: {  	_ =	swait.ge [sflag:s18], $0x3000  }
0x295: {  	[sflag:s18] =	ssyncset.done $0x0  }
0x296: {  	s26 =	simm.s32 $0x16480;
	[sflag:s18] =	ssyncadd.s32 $0xFFFFD000  }
0x297: {  	[spmem:s3] =	stream.indirect.scatter.add.f32 [tilespmem:s13], [sflag:$0x6], $0x80, s26, s12, $0xb8;
	[tilespmem:$0x1FC00] =	vst v63  }
0x298: {  	_ =	swait.ge [sflag:s5], $0x3000  }
0x299: {  	[sflag:s5] =	ssyncset.done $0x0  }
0x29a: {  	s28 =	simm.s32 $0x15A00;
	[sflag:s5] =	ssyncadd.s32 $0xFFFFD000  }
0x29b: {  	[tilespmem:s13], [sflag:$0x1] =	stream.indirect.gather [hbm4b:s1+s12], $0x80, s28, s12, $0xb8;
	[tilespmem:$0x1FC00] =	vst v63  }
0x29c: {  	_ =	swait.ge [sflag:s20], $0x3000  }
0x29d: {  	[sflag:s20] =	ssyncset.done $0x0  }
0x29e: {  	s31 =	simm.s32 $0x16500;
	[sflag:s20] =	ssyncadd.s32 $0xFFFFD000  }
0x29f: {  	[spmem:s3] =	stream.indirect.scatter.add.f32 [tilespmem:s15], [sflag:$0x6], $0x80, s31, s12, $0xb8;
	[tilespmem:$0x1FC00] =	vst v63  }
0x2a0: {  	_ =	swait.ge [sflag:s5], $0x3000  }
0x2a1: {  	[sflag:s5] =	ssyncset.done $0x0  }
0x2a2: {  	s14 =	simm.s32 $0x15A80;
	[sflag:s5] =	ssyncadd.s32 $0xFFFFD000  }
0x2a3: {  	[tilespmem:s15], [sflag:$0x2] =	stream.indirect.gather [hbm4b:s1+s12], $0x80, s14, s12, $0xb8;
	[tilespmem:$0x1FC00] =	vst v63  }
0x2a4: {  	_ =	swait.ge [sflag:s23], $0x3000  }
0x2a5: {  	[sflag:s23] =	ssyncset.done $0x0  }
0x2a6: {  	s26 =	simm.s32 $0x16580;
	[sflag:s23] =	ssyncadd.s32 $0xFFFFD000  }
0x2a7: {  	[spmem:s3] =	stream.indirect.scatter.add.f32 [tilespmem:s17], [sflag:$0x6], $0x80, s26, s12, $0xb8;
	[tilespmem:$0x1FC00] =	vst v63  }
0x2a8: {  	_ =	swait.ge [sflag:s5], $0x3000  }
0x2a9: {  	[sflag:s5] =	ssyncset.done $0x0  }
0x2aa: {  	s28 =	simm.s32 $0x15B00;
	[sflag:s5] =	ssyncadd.s32 $0xFFFFD000  }
0x2ab: {  	[tilespmem:s17], [sflag:$0x3] =	stream.indirect.gather [hbm4b:s1+s12], $0x80, s28, s12, $0xb8;
	[tilespmem:$0x1FC00] =	vst v63  }
0x2ac: {  	_ =	swait.ge [sflag:s18], $0x3000  }
0x2ad: {  	[sflag:s18] =	ssyncset.done $0x0  }
0x2ae: {  	s31 =	simm.s32 $0x16600;
	[sflag:s18] =	ssyncadd.s32 $0xFFFFD000  }
0x2af: {  	[spmem:s3] =	stream.indirect.scatter.add.f32 [tilespmem:s13], [sflag:$0x6], $0x80, s31, s12, $0xb8;
	[tilespmem:$0x1FC00] =	vst v63  }
0x2b0: {  	_ =	swait.ge [sflag:s5], $0x3000  }
0x2b1: {  	[sflag:s5] =	ssyncset.done $0x0  }
0x2b2: {  	s14 =	simm.s32 $0x15B80;
	[sflag:s5] =	ssyncadd.s32 $0xFFFFD000  }
0x2b3: {  	[tilespmem:s13], [sflag:$0x1] =	stream.indirect.gather [hbm4b:s1+s12], $0x80, s14, s12, $0xb8;
	[tilespmem:$0x1FC00] =	vst v63  }
0x2b4: {  	_ =	swait.ge [sflag:s20], $0x3000  }
0x2b5: {  	[sflag:s20] =	ssyncset.done $0x0  }
0x2b6: {  	s26 =	simm.s32 $0x16680;
	[sflag:s20] =	ssyncadd.s32 $0xFFFFD000  }
0x2b7: {  	[spmem:s3] =	stream.indirect.scatter.add.f32 [tilespmem:s15], [sflag:$0x6], $0x80, s26, s12, $0xb8;
	[tilespmem:$0x1FC00] =	vst v63  }
0x2b8: {  	_ =	swait.ge [sflag:s5], $0x3000  }
0x2b9: {  	[sflag:s5] =	ssyncset.done $0x0  }
0x2ba: {  	s28 =	simm.s32 $0x15C00;
	[sflag:s5] =	ssyncadd.s32 $0xFFFFD000  }
0x2bb: {  	[tilespmem:s15], [sflag:$0x2] =	stream.indirect.gather [hbm4b:s1+s12], $0x80, s28, s12, $0xb8;
	[tilespmem:$0x1FC00] =	vst v63  }
0x2bc: {  	_ =	swait.ge [sflag:s23], $0x3000  }
0x2bd: {  	[sflag:s23] =	ssyncset.done $0x0  }
0x2be: {  	s31 =	simm.s32 $0x16700;
	[sflag:s23] =	ssyncadd.s32 $0xFFFFD000  }
0x2bf: {  	[spmem:s3] =	stream.indirect.scatter.add.f32 [tilespmem:s17], [sflag:$0x6], $0x80, s31, s12, $0xb8;
	[tilespmem:$0x1FC00] =	vst v63  }
0x2c0: {  	_ =	swait.ge [sflag:s5], $0x3000  }
0x2c1: {  	[sflag:s5] =	ssyncset.done $0x0  }
0x2c2: {  	[sflag:s5] =	ssyncadd.s32 $0xFFFFD000  }
0x2c3: {  	[tilespmem:s17], [sflag:$0x3] =	stream.indirect.gather [hbm4b:s1+s12], $0x80, s25, s12, $0xb8;
	[tilespmem:$0x1FC00] =	vst v63  }
0x2c4: {  	_ =	swait.ge [sflag:s18], $0x3000  }
0x2c5: {  	[sflag:s18] =	ssyncset.done $0x0  }
0x2c6: {  	[sflag:s18] =	ssyncadd.s32 $0xFFFFD000  }
0x2c7: {  	[spmem:s3] =	stream.indirect.scatter.add.f32 [tilespmem:s13], [sflag:$0x6], $0x80, s24, s12, $0xb8;
	[tilespmem:$0x1FC00] =	vst v63  }
0x2c8: {  	_ =	swait.ge [sflag:s5], $0x3000  }
0x2c9: {  	[sflag:s5] =	ssyncset.done $0x0  }
0x2ca: {  	[sflag:s5] =	ssyncadd.s32 $0xFFFFD000  }
0x2cb: {  	[tilespmem:s13], [sflag:$0x1] =	stream.indirect.gather [hbm4b:s1+s12], $0x80, s22, s12, $0xb8;
	[tilespmem:$0x1FC00] =	vst v63  }
0x2cc: {  	_ =	swait.ge [sflag:s20], $0x3000  }
0x2cd: {  	[sflag:s20] =	ssyncset.done $0x0  }
0x2ce: {  	[sflag:s20] =	ssyncadd.s32 $0xFFFFD000  }
0x2cf: {  	[spmem:s3] =	stream.indirect.scatter.add.f32 [tilespmem:s15], [sflag:$0x6], $0x80, s21, s12, $0xb8;
	[tilespmem:$0x1FC00] =	vst v63  }
0x2d0: {  	_ =	swait.ge [sflag:s5], $0x3000  }
0x2d1: {  	[sflag:s5] =	ssyncset.done $0x0  }
0x2d2: {  	[sflag:s5] =	ssyncadd.s32 $0xFFFFD000  }
0x2d3: {  	[tilespmem:s15], [sflag:$0x2] =	stream.indirect.gather [hbm4b:s1+s12], $0x80, s19, s12, $0xb8;
	[tilespmem:$0x1FC00] =	vst v63  }
0x2d4: {  	_ =	swait.ge [sflag:s23], $0x3000  }
0x2d5: {  	[sflag:s23] =	ssyncset.done $0x0  }
0x2d6: {  	[sflag:s23] =	ssyncadd.s32 $0xFFFFD000  }
0x2d7: {  	[spmem:s3] =	stream.indirect.scatter.add.f32 [tilespmem:s17], [sflag:$0x6], $0x80, s16, s12, $0xb8;
	[tilespmem:$0x1FC00] =	vst v63  }
0x2d8: {  	_ =	swait.ge [sflag:s5], $0x3000  }
0x2d9: {  	[sflag:s5] =	ssyncset.done $0x0  }
0x2da: {  	[sflag:s5] =	ssyncadd.s32 $0xFFFFD000  }
0x2db: {  	[tilespmem:s17], [sflag:$0x3] =	stream.indirect.gather [hbm4b:s1+s12], $0x80, s11, s12, $0xb8;
	[tilespmem:$0x1FC00] =	vst v63  }
0x2dc: {  	_ =	swait.ge [sflag:s18], $0x3000  }
0x2dd: {  	[sflag:s18] =	ssyncset.done $0x0  }
0x2de: {  	[sflag:s18] =	ssyncadd.s32 $0xFFFFD000  }
0x2df: {  	[spmem:s3] =	stream.indirect.scatter.add.f32 [tilespmem:s13], [sflag:$0x6], $0x80, s10, s12, $0xb8;
	[tilespmem:$0x1FC00] =	vst v63  }
0x2e0: {  	_ =	swait.ge [sflag:s5], $0x3000  }
0x2e1: {  	[sflag:s5] =	ssyncset.done $0x0  }
0x2e2: {  	[sflag:s5] =	ssyncadd.s32 $0xFFFFD000  }
0x2e3: {  	_ =	swait.ge [sflag:s20], $0x3000  }
0x2e4: {  	[sflag:s20] =	ssyncset.done $0x0  }
0x2e5: {  	[sflag:s20] =	ssyncadd.s32 $0xFFFFD000  }
0x2e6: {  	[spmem:s3] =	stream.indirect.scatter.add.f32 [tilespmem:s15], [sflag:$0x6], $0x80, s7, s12, $0xb8;
	[tilespmem:$0x1FC00] =	vst v63  }
0x2e7: {  	_ =	swait.ge [sflag:s5], $0x3000  }
0x2e8: {  	[sflag:s5] =	ssyncset.done $0x0  }
0x2e9: {  	[sflag:s5] =	ssyncadd.s32 $0xFFFFD000  }
0x2ea: {  	_ =	swait.ge [sflag:s23], $0x3000  }
0x2eb: {  	[sflag:s23] =	ssyncset.done $0x0  }
0x2ec: {  	[sflag:s23] =	ssyncadd.s32 $0xFFFFD000  }
0x2ed: {  	[spmem:s3] =	stream.indirect.scatter.add.f32 [tilespmem:s17], [sflag:$0x6], $0x80, s6, s12, $0xb8;
	[tilespmem:$0x1FC00] =	vst v63  }
0x2ee: {  	_ =	swait.ge [sflag:s5], $0x3000  }
0x2ef: {  	[sflag:s5] =	ssyncset.done $0x0  }
0x2f0: {  	[sflag:s5] =	ssyncadd.s32 $0xFFFFD000  }
0x2f1: {  	_ =	swait.ge [sflag:s8], $0xA80  }
0x2f2: {  	[sflag:s8] =	ssyncset.done $0x0  }
0x2f3: {  	[sflag:s8] =	ssyncadd.s32 $0xFFFFF580  }
0x2f4: {  	_ =	swait.ge [sflag:s0], $0xA80  }
0x2f5: {  	[sflag:s0] =	ssyncset.done $0x0  }
0x2f6: {  	[sflag:s0] =	ssyncadd.s32 $0xFFFFF580  }
0x2f7: {  	[tilespmem:s13], [sflag:$0x1] =	stream.indirect.gather [hbm4b:s1+s12], $0x80, s29, s12, $0xb8;
	[tilespmem:$0x1FC00] =	vst v63  }
0x2f8: {  	s14 =	simm.s32 $0x13C80  }
0x2f9: {  	[tilespmem:s15], [sflag:$0x2] =	stream.indirect.gather [hbm4b:s1+s12], $0x80, s14, s12, $0xb8;
	[tilespmem:$0x1FC00] =	vst v63  }
0x2fa: {  	s16 =	simm.s32 $0x13D00  }
0x2fb: {  	[tilespmem:s17], [sflag:$0x3] =	stream.indirect.gather [hbm4b:s1+s12], $0x80, s16, s12, $0xb8;
	[tilespmem:$0x1FC00] =	vst v63  }
0x2fc: {  	_ =	swait.ge [sflag:s18], $0x3000  }
0x2fd: {  	[sflag:s18] =	ssyncset.done $0x0  }
0x2fe: {  	[sflag:s18] =	ssyncadd.s32 $0xFFFFD000  }
0x2ff: {  	[spmem:s3] =	stream.indirect.scatter.add.f32 [tilespmem:s13], [sflag:$0x6], $0x80, s4, s12, $0xb8;
	[tilespmem:$0x1FC00] =	vst v63  }
0x300: {  	_ =	swait.ge [sflag:s5], $0x3000  }
0x301: {  	[sflag:s5] =	ssyncset.done $0x0  }
0x302: {  	s19 =	simm.s32 $0x13D80;
	[sflag:s5] =	ssyncadd.s32 $0xFFFFD000  }
0x303: {  	[tilespmem:s13], [sflag:$0x1] =	stream.indirect.gather [hbm4b:s1+s12], $0x80, s19, s12, $0xb8;
	[tilespmem:$0x1FC00] =	vst v63  }
0x304: {  	_ =	swait.ge [sflag:s20], $0x3000  }
0x305: {  	[sflag:s20] =	ssyncset.done $0x0  }
0x306: {  	s21 =	simm.s32 $0x14880;
	[sflag:s20] =	ssyncadd.s32 $0xFFFFD000  }
0x307: {  	[spmem:s3] =	stream.indirect.scatter.add.f32 [tilespmem:s15], [sflag:$0x6], $0x80, s21, s12, $0xb8;
	[tilespmem:$0x1FC00] =	vst v63  }
0x308: {  	_ =	swait.ge [sflag:s5], $0x3000  }
0x309: {  	[sflag:s5] =	ssyncset.done $0x0  }
0x30a: {  	s22 =	simm.s32 $0x13E00;
	[sflag:s5] =	ssyncadd.s32 $0xFFFFD000  }
0x30b: {  	[tilespmem:s15], [sflag:$0x2] =	stream.indirect.gather [hbm4b:s1+s12], $0x80, s22, s12, $0xb8;
	[tilespmem:$0x1FC00] =	vst v63  }
0x30c: {  	_ =	swait.ge [sflag:s23], $0x3000  }
0x30d: {  	[sflag:s23] =	ssyncset.done $0x0  }
0x30e: {  	s24 =	simm.s32 $0x14900;
	[sflag:s23] =	ssyncadd.s32 $0xFFFFD000  }
0x30f: {  	[spmem:s3] =	stream.indirect.scatter.add.f32 [tilespmem:s17], [sflag:$0x6], $0x80, s24, s12, $0xb8;
	[tilespmem:$0x1FC00] =	vst v63  }
0x310: {  	_ =	swait.ge [sflag:s5], $0x3000  }
0x311: {  	[sflag:s5] =	ssyncset.done $0x0  }
0x312: {  	s25 =	simm.s32 $0x13E80;
	[sflag:s5] =	ssyncadd.s32 $0xFFFFD000  }
0x313: {  	[tilespmem:s17], [sflag:$0x3] =	stream.indirect.gather [hbm4b:s1+s12], $0x80, s25, s12, $0xb8;
	[tilespmem:$0x1FC00] =	vst v63  }
0x314: {  	_ =	swait.ge [sflag:s18], $0x3000  }
0x315: {  	[sflag:s18] =	ssyncset.done $0x0  }
0x316: {  	s26 =	simm.s32 $0x14980;
	[sflag:s18] =	ssyncadd.s32 $0xFFFFD000  }
0x317: {  	[spmem:s3] =	stream.indirect.scatter.add.f32 [tilespmem:s13], [sflag:$0x6], $0x80, s26, s12, $0xb8;
	[tilespmem:$0x1FC00] =	vst v63  }
0x318: {  	_ =	swait.ge [sflag:s5], $0x3000  }
0x319: {  	[sflag:s5] =	ssyncset.done $0x0  }
0x31a: {  	s28 =	simm.s32 $0x13F00;
	[sflag:s5] =	ssyncadd.s32 $0xFFFFD000  }
0x31b: {  	[tilespmem:s13], [sflag:$0x1] =	stream.indirect.gather [hbm4b:s1+s12], $0x80, s28, s12, $0xb8;
	[tilespmem:$0x1FC00] =	vst v63  }
0x31c: {  	_ =	swait.ge [sflag:s20], $0x3000  }
0x31d: {  	[sflag:s20] =	ssyncset.done $0x0  }
0x31e: {  	s29 =	simm.s32 $0x14A00;
	[sflag:s20] =	ssyncadd.s32 $0xFFFFD000  }
0x31f: {  	[spmem:s3] =	stream.indirect.scatter.add.f32 [tilespmem:s15], [sflag:$0x6], $0x80, s29, s12, $0xb8;
	[tilespmem:$0x1FC00] =	vst v63  }
0x320: {  	_ =	swait.ge [sflag:s5], $0x3000  }
0x321: {  	[sflag:s5] =	ssyncset.done $0x0  }
0x322: {  	s31 =	simm.s32 $0x13F80;
	[sflag:s5] =	ssyncadd.s32 $0xFFFFD000  }
0x323: {  	[tilespmem:s15], [sflag:$0x2] =	stream.indirect.gather [hbm4b:s1+s12], $0x80, s31, s12, $0xb8;
	[tilespmem:$0x1FC00] =	vst v63  }
0x324: {  	_ =	swait.ge [sflag:s23], $0x3000  }
0x325: {  	[sflag:s23] =	ssyncset.done $0x0  }
0x326: {  	s4 =	simm.s32 $0x14A80;
	[sflag:s23] =	ssyncadd.s32 $0xFFFFD000  }
0x327: {  	[spmem:s3] =	stream.indirect.scatter.add.f32 [tilespmem:s17], [sflag:$0x6], $0x80, s4, s12, $0xb8;
	[tilespmem:$0x1FC00] =	vst v63  }
0x328: {  	_ =	swait.ge [sflag:s5], $0x3000  }
0x329: {  	[sflag:s5] =	ssyncset.done $0x0  }
0x32a: {  	s6 =	simm.s32 $0x14000;
	[sflag:s5] =	ssyncadd.s32 $0xFFFFD000  }
0x32b: {  	[tilespmem:s17], [sflag:$0x3] =	stream.indirect.gather [hbm4b:s1+s12], $0x80, s6, s12, $0xb8;
	[tilespmem:$0x1FC00] =	vst v63  }
0x32c: {  	_ =	swait.ge [sflag:s18], $0x3000  }
0x32d: {  	[sflag:s18] =	ssyncset.done $0x0  }
0x32e: {  	s7 =	simm.s32 $0x14B00;
	[sflag:s18] =	ssyncadd.s32 $0xFFFFD000  }
0x32f: {  	[spmem:s3] =	stream.indirect.scatter.add.f32 [tilespmem:s13], [sflag:$0x6], $0x80, s7, s12, $0xb8;
	[tilespmem:$0x1FC00] =	vst v63  }
0x330: {  	_ =	swait.ge [sflag:s5], $0x3000  }
0x331: {  	[sflag:s5] =	ssyncset.done $0x0  }
0x332: {  	s10 =	simm.s32 $0x14080;
	[sflag:s5] =	ssyncadd.s32 $0xFFFFD000  }
0x333: {  	[tilespmem:s13], [sflag:$0x1] =	stream.indirect.gather [hbm4b:s1+s12], $0x80, s10, s12, $0xb8;
	[tilespmem:$0x1FC00] =	vst v63  }
0x334: {  	_ =	swait.ge [sflag:s20], $0x3000  }
0x335: {  	[sflag:s20] =	ssyncset.done $0x0  }
0x336: {  	s11 =	simm.s32 $0x14B80;
	[sflag:s20] =	ssyncadd.s32 $0xFFFFD000  }
0x337: {  	[spmem:s3] =	stream.indirect.scatter.add.f32 [tilespmem:s15], [sflag:$0x6], $0x80, s11, s12, $0xb8;
	[tilespmem:$0x1FC00] =	vst v63  }
0x338: {  	_ =	swait.ge [sflag:s5], $0x3000  }
0x339: {  	[sflag:s5] =	ssyncset.done $0x0  }
0x33a: {  	s14 =	simm.s32 $0x14100;
	[sflag:s5] =	ssyncadd.s32 $0xFFFFD000  }
0x33b: {  	[tilespmem:s15], [sflag:$0x2] =	stream.indirect.gather [hbm4b:s1+s12], $0x80, s14, s12, $0xb8;
	[tilespmem:$0x1FC00] =	vst v63  }
0x33c: {  	_ =	swait.ge [sflag:s23], $0x3000  }
0x33d: {  	[sflag:s23] =	ssyncset.done $0x0  }
0x33e: {  	s16 =	simm.s32 $0x14C00;
	[sflag:s23] =	ssyncadd.s32 $0xFFFFD000  }
0x33f: {  	[spmem:s3] =	stream.indirect.scatter.add.f32 [tilespmem:s17], [sflag:$0x6], $0x80, s16, s12, $0xb8;
	[tilespmem:$0x1FC00] =	vst v63  }
0x340: {  	_ =	swait.ge [sflag:s5], $0x3000  }
0x341: {  	[sflag:s5] =	ssyncset.done $0x0  }
0x342: {  	s19 =	simm.s32 $0x14180;
	[sflag:s5] =	ssyncadd.s32 $0xFFFFD000  }
0x343: {  	[tilespmem:s17], [sflag:$0x3] =	stream.indirect.gather [hbm4b:s1+s12], $0x80, s19, s12, $0xb8;
	[tilespmem:$0x1FC00] =	vst v63  }
0x344: {  	_ =	swait.ge [sflag:s18], $0x3000  }
0x345: {  	[sflag:s18] =	ssyncset.done $0x0  }
0x346: {  	s21 =	simm.s32 $0x14C80;
	[sflag:s18] =	ssyncadd.s32 $0xFFFFD000  }
0x347: {  	[spmem:s3] =	stream.indirect.scatter.add.f32 [tilespmem:s13], [sflag:$0x6], $0x80, s21, s12, $0xb8;
	[tilespmem:$0x1FC00] =	vst v63  }
0x348: {  	_ =	swait.ge [sflag:s5], $0x3000  }
0x349: {  	[sflag:s5] =	ssyncset.done $0x0  }
0x34a: {  	s22 =	simm.s32 $0x14200;
	[sflag:s5] =	ssyncadd.s32 $0xFFFFD000  }
0x34b: {  	[tilespmem:s13], [sflag:$0x1] =	stream.indirect.gather [hbm4b:s1+s12], $0x80, s22, s12, $0xb8;
	[tilespmem:$0x1FC00] =	vst v63  }
0x34c: {  	_ =	swait.ge [sflag:s20], $0x3000  }
0x34d: {  	[sflag:s20] =	ssyncset.done $0x0  }
0x34e: {  	s24 =	simm.s32 $0x14D00;
	[sflag:s20] =	ssyncadd.s32 $0xFFFFD000  }
0x34f: {  	[spmem:s3] =	stream.indirect.scatter.add.f32 [tilespmem:s15], [sflag:$0x6], $0x80, s24, s12, $0xb8;
	[tilespmem:$0x1FC00] =	vst v63  }
0x350: {  	_ =	swait.ge [sflag:s5], $0x3000  }
0x351: {  	[sflag:s5] =	ssyncset.done $0x0  }
0x352: {  	s25 =	simm.s32 $0x14280;
	[sflag:s5] =	ssyncadd.s32 $0xFFFFD000  }
0x353: {  	[tilespmem:s15], [sflag:$0x2] =	stream.indirect.gather [hbm4b:s1+s12], $0x80, s25, s12, $0xb8;
	[tilespmem:$0x1FC00] =	vst v63  }
0x354: {  	_ =	swait.ge [sflag:s23], $0x3000  }
0x355: {  	[sflag:s23] =	ssyncset.done $0x0  }
0x356: {  	s26 =	simm.s32 $0x14D80;
	[sflag:s23] =	ssyncadd.s32 $0xFFFFD000  }
0x357: {  	[spmem:s3] =	stream.indirect.scatter.add.f32 [tilespmem:s17], [sflag:$0x6], $0x80, s26, s12, $0xb8;
	[tilespmem:$0x1FC00] =	vst v63  }
0x358: {  	_ =	swait.ge [sflag:s5], $0x3000  }
0x359: {  	[sflag:s5] =	ssyncset.done $0x0  }
0x35a: {  	s28 =	simm.s32 $0x14300;
	[sflag:s5] =	ssyncadd.s32 $0xFFFFD000  }
0x35b: {  	[tilespmem:s17], [sflag:$0x3] =	stream.indirect.gather [hbm4b:s1+s12], $0x80, s28, s12, $0xb8;
	[tilespmem:$0x1FC00] =	vst v63  }
0x35c: {  	_ =	swait.ge [sflag:s18], $0x3000  }
0x35d: {  	[sflag:s18] =	ssyncset.done $0x0  }
0x35e: {  	s29 =	simm.s32 $0x14E00;
	[sflag:s18] =	ssyncadd.s32 $0xFFFFD000  }
0x35f: {  	[spmem:s3] =	stream.indirect.scatter.add.f32 [tilespmem:s13], [sflag:$0x6], $0x80, s29, s12, $0xb8;
	[tilespmem:$0x1FC00] =	vst v63  }
0x360: {  	_ =	swait.ge [sflag:s5], $0x3000  }
0x361: {  	[sflag:s5] =	ssyncset.done $0x0  }
0x362: {  	s31 =	simm.s32 $0x14380;
	[sflag:s5] =	ssyncadd.s32 $0xFFFFD000  }
0x363: {  	[tilespmem:s13], [sflag:$0x1] =	stream.indirect.gather [hbm4b:s1+s12], $0x80, s31, s12, $0xb8;
	[tilespmem:$0x1FC00] =	vst v63  }
0x364: {  	_ =	swait.ge [sflag:s20], $0x3000  }
0x365: {  	[sflag:s20] =	ssyncset.done $0x0  }
0x366: {  	s4 =	simm.s32 $0x14E80;
	[sflag:s20] =	ssyncadd.s32 $0xFFFFD000  }
0x367: {  	[spmem:s3] =	stream.indirect.scatter.add.f32 [tilespmem:s15], [sflag:$0x6], $0x80, s4, s12, $0xb8;
	[tilespmem:$0x1FC00] =	vst v63  }
0x368: {  	_ =	swait.ge [sflag:s5], $0x3000  }
0x369: {  	[sflag:s5] =	ssyncset.done $0x0  }
0x36a: {  	s6 =	simm.s32 $0x14400;
	[sflag:s5] =	ssyncadd.s32 $0xFFFFD000  }
0x36b: {  	[tilespmem:s15], [sflag:$0x2] =	stream.indirect.gather [hbm4b:s1+s12], $0x80, s6, s12, $0xb8;
	[tilespmem:$0x1FC00] =	vst v63  }
0x36c: {  	_ =	swait.ge [sflag:s23], $0x3000  }
0x36d: {  	[sflag:s23] =	ssyncset.done $0x0  }
0x36e: {  	s7 =	simm.s32 $0x14F00;
	[sflag:s23] =	ssyncadd.s32 $0xFFFFD000  }
0x36f: {  	[spmem:s3] =	stream.indirect.scatter.add.f32 [tilespmem:s17], [sflag:$0x6], $0x80, s7, s12, $0xb8;
	[tilespmem:$0x1FC00] =	vst v63  }
0x370: {  	_ =	swait.ge [sflag:s5], $0x3000  }
0x371: {  	[sflag:s5] =	ssyncset.done $0x0  }
0x372: {  	s10 =	simm.s32 $0x14480;
	[sflag:s5] =	ssyncadd.s32 $0xFFFFD000  }
0x373: {  	[tilespmem:s17], [sflag:$0x3] =	stream.indirect.gather [hbm4b:s1+s12], $0x80, s10, s12, $0xb8;
	[tilespmem:$0x1FC00] =	vst v63  }
0x374: {  	_ =	swait.ge [sflag:s18], $0x3000  }
0x375: {  	[sflag:s18] =	ssyncset.done $0x0  }
0x376: {  	s11 =	simm.s32 $0x14F80;
	[sflag:s18] =	ssyncadd.s32 $0xFFFFD000  }
0x377: {  	[spmem:s3] =	stream.indirect.scatter.add.f32 [tilespmem:s13], [sflag:$0x6], $0x80, s11, s12, $0xb8;
	[tilespmem:$0x1FC00] =	vst v63  }
0x378: {  	_ =	swait.ge [sflag:s5], $0x3000  }
0x379: {  	[sflag:s5] =	ssyncset.done $0x0  }
0x37a: {  	s14 =	simm.s32 $0x14500;
	[sflag:s5] =	ssyncadd.s32 $0xFFFFD000  }
0x37b: {  	[tilespmem:s13], [sflag:$0x1] =	stream.indirect.gather [hbm4b:s1+s12], $0x80, s14, s12, $0xb8;
	[tilespmem:$0x1FC00] =	vst v63  }
0x37c: {  	_ =	swait.ge [sflag:s20], $0x3000  }
0x37d: {  	[sflag:s20] =	ssyncset.done $0x0  }
0x37e: {  	s16 =	simm.s32 $0x15000;
	[sflag:s20] =	ssyncadd.s32 $0xFFFFD000  }
0x37f: {  	[spmem:s3] =	stream.indirect.scatter.add.f32 [tilespmem:s15], [sflag:$0x6], $0x80, s16, s12, $0xb8;
	[tilespmem:$0x1FC00] =	vst v63  }
0x380: {  	_ =	swait.ge [sflag:s5], $0x3000  }
0x381: {  	[sflag:s5] =	ssyncset.done $0x0  }
0x382: {  	s19 =	simm.s32 $0x14580;
	[sflag:s5] =	ssyncadd.s32 $0xFFFFD000  }
0x383: {  	[tilespmem:s15], [sflag:$0x2] =	stream.indirect.gather [hbm4b:s1+s12], $0x80, s19, s12, $0xb8;
	[tilespmem:$0x1FC00] =	vst v63  }
0x384: {  	_ =	swait.ge [sflag:s23], $0x3000  }
0x385: {  	[sflag:s23] =	ssyncset.done $0x0  }
0x386: {  	s21 =	simm.s32 $0x15080;
	[sflag:s23] =	ssyncadd.s32 $0xFFFFD000  }
0x387: {  	[spmem:s3] =	stream.indirect.scatter.add.f32 [tilespmem:s17], [sflag:$0x6], $0x80, s21, s12, $0xb8;
	[tilespmem:$0x1FC00] =	vst v63  }
0x388: {  	_ =	swait.ge [sflag:s5], $0x3000  }
0x389: {  	[sflag:s5] =	ssyncset.done $0x0  }
0x38a: {  	s22 =	simm.s32 $0x14600;
	[sflag:s5] =	ssyncadd.s32 $0xFFFFD000  }
0x38b: {  	[tilespmem:s17], [sflag:$0x3] =	stream.indirect.gather [hbm4b:s1+s12], $0x80, s22, s12, $0xb8;
	[tilespmem:$0x1FC00] =	vst v63  }
0x38c: {  	_ =	swait.ge [sflag:s18], $0x3000  }
0x38d: {  	[sflag:s18] =	ssyncset.done $0x0  }
0x38e: {  	s24 =	simm.s32 $0x15100;
	[sflag:s18] =	ssyncadd.s32 $0xFFFFD000  }
0x38f: {  	[spmem:s3] =	stream.indirect.scatter.add.f32 [tilespmem:s13], [sflag:$0x6], $0x80, s24, s12, $0xb8;
	[tilespmem:$0x1FC00] =	vst v63  }
0x390: {  	_ =	swait.ge [sflag:s5], $0x3000  }
0x391: {  	[sflag:s5] =	ssyncset.done $0x0  }
0x392: {  	[sflag:s5] =	ssyncadd.s32 $0xFFFFD000  }
0x393: {  	_ =	swait.ge [sflag:s20], $0x3000  }
0x394: {  	[sflag:s20] =	ssyncset.done $0x0  }
0x395: {  	s25 =	simm.s32 $0x15180;
	[sflag:s20] =	ssyncadd.s32 $0xFFFFD000  }
0x396: {  	[spmem:s3] =	stream.indirect.scatter.add.f32 [tilespmem:s15], [sflag:$0x6], $0x80, s25, s12, $0xb8;
	[tilespmem:$0x1FC00] =	vst v63  }
0x397: {  	_ =	swait.ge [sflag:s5], $0x3000  }
0x398: {  	[sflag:s5] =	ssyncset.done $0x0  }
0x399: {  	[sflag:s5] =	ssyncadd.s32 $0xFFFFD000  }
0x39a: {  	_ =	swait.ge [sflag:s23], $0x3000  }
0x39b: {  	[sflag:s23] =	ssyncset.done $0x0  }
0x39c: {  	s26 =	simm.s32 $0x15200;
	[sflag:s23] =	ssyncadd.s32 $0xFFFFD000  }
0x39d: {  	[spmem:s3] =	stream.indirect.scatter.add.f32 [tilespmem:s17], [sflag:$0x6], $0x80, s26, s12, $0xb8;
	[tilespmem:$0x1FC00] =	vst v63  }
0x39e: {  	_ =	swait.ge [sflag:s5], $0x3000  }
0x39f: {  	[sflag:s5] =	ssyncset.done $0x0  }
0x3a0: {  	[sflag:s5] =	ssyncadd.s32 $0xFFFFD000  }
0x3a1: {  	[bflag:$0x0] =	sbarrier.arrive $0xFFFF  }
0x3a2: {  	s28 =	rddreg [dreg:$0x14]  }
0x3a3: {  	s2 =	ssub.s32 $0x2, s28  }
0x3a4: {  	s31 =	sshrl.u32 s2, $0x1  }
0x3a5: {  	s14 =	ssub.s32 s2, s31  }
0x3a6: {  	s14 =	smax.u32 s14, $0x1  }
0x3a7: {  	p0 =	sne.s32 s14, $0x1  }
.Ltmp0:
0x3a8: {  	s29 =	rddreg [dreg:$0x11];
	(pc) =	sbr.rel @!p0 .LBB2_3-.Ltmp0, $4  }
0x3a9: {  	[dreg:$0x12] =	wrdreg s30  }
0x3aa: {  	[dreg:$0x13] =	wrdreg s9  }
0x3ab: {  	[hbm:s29], [sflag:s9] =	dma.local [spmem:s30], $0x2780  }
0x3ac: {  	_ =	swait.ge [sflag:s5], $0x2780;
	s14 =	sadd.s32 $0xFFFFFFFF, s14  }
0x3ad: {  	s7 =	simm.s32 $0x13C00;
	s11 =	simm.s32 $0x15400;
	s10 =	simm.s32 $0x15580  }
0x3ae: {  	s21 =	simm.s32 $0x16080;
	s22 =	simm.s32 $0x15600;
	s24 =	simm.s32 $0x16100  }
0x3af: {  	s25 =	simm.s32 $0x15680;
	s26 =	simm.s32 $0x16180;
	s28 =	simm.s32 $0x15700  }
0x3b0: {  	s29 =	simm.s32 $0x16200;
	s30 =	simm.s32 $0x15780;
	s31 =	simm.s32 $0x16280  }
.LBB2_2:
0x3b1: {  	[sflag:s5] =	ssyncset.done $0x0  }
0x3b2: {  	s16 =	rddreg [dreg:$0x6];
	s2 =	simm.s32 $0x0;
	[sflag:s5] =	ssyncadd.s32 $0xFFFFD880  }
0x3b3: {  	[tilespmem:s7], [sflag:$0x6] =	stream.linear.gather [hbm4b:s16+s2], $0xA80, $0x38;
	[tilespmem:$0x1FC00] =	vst v63  }
0x3b4: {  	_ =	swait.ge [sflag:s5], $0xA80  }
0x3b5: {  	[sflag:s5] =	ssyncset.done $0x0  }
0x3b6: {  	s4 =	simm.s32 $0x14800;
	s9 =	rddreg [dreg:$0x7];
	[sflag:s5] =	ssyncadd.s32 $0xFFFFF580  }
0x3b7: {  	[tilespmem:s4], [sflag:$0x6] =	stream.linear.gather [hbm4b:s9+s2], $0xA80, $0x38;
	[tilespmem:$0x1FC00] =	vst v63  }
0x3b8: {  	_ =	swait.ge [sflag:s5], $0xA80  }
0x3b9: {  	s19 =	rddreg [dreg:$0x8]  }
0x3ba: {  	[sflag:s5] =	ssyncset.done $0x0;
	s6 =	rddreg [dreg:$0x12]  }
0x3bb: {  	s9 =	rddreg [dreg:$0x13];
	[sflag:s5] =	ssyncadd.s32 $0xFFFFF580  }
0x3bc: {  	[spmem:s6], [sflag:s9] =	dma.local [hbm:s19], $0x2780  }
0x3bd: {  	_ =	swait.ge [sflag:s5], $0x2780  }
0x3be: {  	[sflag:s5] =	ssyncset.done $0x0  }
0x3bf: {  	[sflag:s5] =	ssyncadd.s32 $0xFFFFD880  }
0x3c0: {  	[bflag:$0x0] =	sbarrier.arrive $0xFFFF  }
0x3c1: {  	s9 =	rddreg [dreg:$0x9]  }
0x3c2: {  	[tilespmem:s11], [sflag:$0x4] =	stream.linear.gather [hbm4b:s9+s2], $0xA80, $0x38;
	[tilespmem:$0x1FC00] =	vst v63  }
0x3c3: {  	s6 =	simm.s32 $0x16000;
	s19 =	rddreg [dreg:$0xa]  }
0x3c4: {  	[tilespmem:s6], [sflag:$0x5] =	stream.linear.gather [hbm4b:s19+s2], $0xA80, $0x38;
	[tilespmem:$0x1FC00] =	vst v63  }
0x3c5: {  	_ = 	snop  }
0x3c6: {  	[tilespmem:s13], [sflag:$0x1] =	stream.indirect.gather [hbm4b:s1+s12], $0x80, s7, s12, $0xb8;
	[tilespmem:$0x1FC00] =	vst v63  }
0x3c7: {  	s19 =	simm.s32 $0x13C80  }
0x3c8: {  	[tilespmem:s15], [sflag:$0x2] =	stream.indirect.gather [hbm4b:s1+s12], $0x80, s19, s12, $0xb8;
	[tilespmem:$0x1FC00] =	vst v63  }
0x3c9: {  	s16 =	simm.s32 $0x13D00  }
0x3ca: {  	[tilespmem:s17], [sflag:$0x3] =	stream.indirect.gather [hbm4b:s1+s12], $0x80, s16, s12, $0xb8;
	[tilespmem:$0x1FC00] =	vst v63  }
0x3cb: {  	_ =	swait.ge [sflag:s18], $0x3000  }
0x3cc: {  	[sflag:s18] =	ssyncset.done $0x0  }
0x3cd: {  	[sflag:s18] =	ssyncadd.s32 $0xFFFFD000  }
0x3ce: {  	[spmem:s3] =	stream.indirect.scatter.add.f32 [tilespmem:s13], [sflag:$0x6], $0x80, s4, s12, $0xb8;
	[tilespmem:$0x1FC00] =	vst v63  }
0x3cf: {  	_ =	swait.ge [sflag:s5], $0x3000  }
0x3d0: {  	[sflag:s5] =	ssyncset.done $0x0  }
0x3d1: {  	s19 =	simm.s32 $0x13D80;
	[sflag:s5] =	ssyncadd.s32 $0xFFFFD000  }
0x3d2: {  	[tilespmem:s13], [sflag:$0x1] =	stream.indirect.gather [hbm4b:s1+s12], $0x80, s19, s12, $0xb8;
	[tilespmem:$0x1FC00] =	vst v63  }
0x3d3: {  	_ =	swait.ge [sflag:s20], $0x3000  }
0x3d4: {  	[sflag:s20] =	ssyncset.done $0x0  }
0x3d5: {  	s16 =	simm.s32 $0x14880;
	[sflag:s20] =	ssyncadd.s32 $0xFFFFD000  }
0x3d6: {  	[spmem:s3] =	stream.indirect.scatter.add.f32 [tilespmem:s15], [sflag:$0x6], $0x80, s16, s12, $0xb8;
	[tilespmem:$0x1FC00] =	vst v63  }
0x3d7: {  	_ =	swait.ge [sflag:s5], $0x3000  }
0x3d8: {  	[sflag:s5] =	ssyncset.done $0x0  }
0x3d9: {  	s19 =	simm.s32 $0x13E00;
	[sflag:s5] =	ssyncadd.s32 $0xFFFFD000  }
0x3da: {  	[tilespmem:s15], [sflag:$0x2] =	stream.indirect.gather [hbm4b:s1+s12], $0x80, s19, s12, $0xb8;
	[tilespmem:$0x1FC00] =	vst v63  }
0x3db: {  	_ =	swait.ge [sflag:s23], $0x3000  }
0x3dc: {  	[sflag:s23] =	ssyncset.done $0x0  }
0x3dd: {  	s16 =	simm.s32 $0x14900;
	[sflag:s23] =	ssyncadd.s32 $0xFFFFD000  }
0x3de: {  	[spmem:s3] =	stream.indirect.scatter.add.f32 [tilespmem:s17], [sflag:$0x6], $0x80, s16, s12, $0xb8;
	[tilespmem:$0x1FC00] =	vst v63  }
0x3df: {  	_ =	swait.ge [sflag:s5], $0x3000  }
0x3e0: {  	[sflag:s5] =	ssyncset.done $0x0  }
0x3e1: {  	s19 =	simm.s32 $0x13E80;
	[sflag:s5] =	ssyncadd.s32 $0xFFFFD000  }
0x3e2: {  	[tilespmem:s17], [sflag:$0x3] =	stream.indirect.gather [hbm4b:s1+s12], $0x80, s19, s12, $0xb8;
	[tilespmem:$0x1FC00] =	vst v63  }
0x3e3: {  	_ =	swait.ge [sflag:s18], $0x3000  }
0x3e4: {  	[sflag:s18] =	ssyncset.done $0x0  }
0x3e5: {  	s16 =	simm.s32 $0x14980;
	[sflag:s18] =	ssyncadd.s32 $0xFFFFD000  }
0x3e6: {  	[spmem:s3] =	stream.indirect.scatter.add.f32 [tilespmem:s13], [sflag:$0x6], $0x80, s16, s12, $0xb8;
	[tilespmem:$0x1FC00] =	vst v63  }
0x3e7: {  	_ =	swait.ge [sflag:s5], $0x3000  }
0x3e8: {  	[sflag:s5] =	ssyncset.done $0x0  }
0x3e9: {  	s19 =	simm.s32 $0x13F00;
	[sflag:s5] =	ssyncadd.s32 $0xFFFFD000  }
0x3ea: {  	[tilespmem:s13], [sflag:$0x1] =	stream.indirect.gather [hbm4b:s1+s12], $0x80, s19, s12, $0xb8;
	[tilespmem:$0x1FC00] =	vst v63  }
0x3eb: {  	_ =	swait.ge [sflag:s20], $0x3000  }
0x3ec: {  	[sflag:s20] =	ssyncset.done $0x0  }
0x3ed: {  	s16 =	simm.s32 $0x14A00;
	[sflag:s20] =	ssyncadd.s32 $0xFFFFD000  }
0x3ee: {  	[spmem:s3] =	stream.indirect.scatter.add.f32 [tilespmem:s15], [sflag:$0x6], $0x80, s16, s12, $0xb8;
	[tilespmem:$0x1FC00] =	vst v63  }
0x3ef: {  	_ =	swait.ge [sflag:s5], $0x3000  }
0x3f0: {  	[sflag:s5] =	ssyncset.done $0x0  }
0x3f1: {  	s19 =	simm.s32 $0x13F80;
	[sflag:s5] =	ssyncadd.s32 $0xFFFFD000  }
0x3f2: {  	[tilespmem:s15], [sflag:$0x2] =	stream.indirect.gather [hbm4b:s1+s12], $0x80, s19, s12, $0xb8;
	[tilespmem:$0x1FC00] =	vst v63  }
0x3f3: {  	_ =	swait.ge [sflag:s23], $0x3000  }
0x3f4: {  	[sflag:s23] =	ssyncset.done $0x0  }
0x3f5: {  	s16 =	simm.s32 $0x14A80;
	[sflag:s23] =	ssyncadd.s32 $0xFFFFD000  }
0x3f6: {  	[spmem:s3] =	stream.indirect.scatter.add.f32 [tilespmem:s17], [sflag:$0x6], $0x80, s16, s12, $0xb8;
	[tilespmem:$0x1FC00] =	vst v63  }
0x3f7: {  	_ =	swait.ge [sflag:s5], $0x3000  }
0x3f8: {  	[sflag:s5] =	ssyncset.done $0x0  }
0x3f9: {  	s19 =	simm.s32 $0x14000;
	[sflag:s5] =	ssyncadd.s32 $0xFFFFD000  }
0x3fa: {  	[tilespmem:s17], [sflag:$0x3] =	stream.indirect.gather [hbm4b:s1+s12], $0x80, s19, s12, $0xb8;
	[tilespmem:$0x1FC00] =	vst v63  }
0x3fb: {  	_ =	swait.ge [sflag:s18], $0x3000  }
0x3fc: {  	[sflag:s18] =	ssyncset.done $0x0  }
0x3fd: {  	s16 =	simm.s32 $0x14B00;
	[sflag:s18] =	ssyncadd.s32 $0xFFFFD000  }
0x3fe: {  	[spmem:s3] =	stream.indirect.scatter.add.f32 [tilespmem:s13], [sflag:$0x6], $0x80, s16, s12, $0xb8;
	[tilespmem:$0x1FC00] =	vst v63  }
0x3ff: {  	_ =	swait.ge [sflag:s5], $0x3000  }
0x400: {  	[sflag:s5] =	ssyncset.done $0x0  }
0x401: {  	s19 =	simm.s32 $0x14080;
	[sflag:s5] =	ssyncadd.s32 $0xFFFFD000  }
0x402: {  	[tilespmem:s13], [sflag:$0x1] =	stream.indirect.gather [hbm4b:s1+s12], $0x80, s19, s12, $0xb8;
	[tilespmem:$0x1FC00] =	vst v63  }
0x403: {  	_ =	swait.ge [sflag:s20], $0x3000  }
0x404: {  	[sflag:s20] =	ssyncset.done $0x0  }
0x405: {  	s16 =	simm.s32 $0x14B80;
	[sflag:s20] =	ssyncadd.s32 $0xFFFFD000  }
0x406: {  	[spmem:s3] =	stream.indirect.scatter.add.f32 [tilespmem:s15], [sflag:$0x6], $0x80, s16, s12, $0xb8;
	[tilespmem:$0x1FC00] =	vst v63  }
0x407: {  	_ =	swait.ge [sflag:s5], $0x3000  }
0x408: {  	[sflag:s5] =	ssyncset.done $0x0  }
0x409: {  	s19 =	simm.s32 $0x14100;
	[sflag:s5] =	ssyncadd.s32 $0xFFFFD000  }
0x40a: {  	[tilespmem:s15], [sflag:$0x2] =	stream.indirect.gather [hbm4b:s1+s12], $0x80, s19, s12, $0xb8;
	[tilespmem:$0x1FC00] =	vst v63  }
0x40b: {  	_ =	swait.ge [sflag:s23], $0x3000  }
0x40c: {  	[sflag:s23] =	ssyncset.done $0x0  }
0x40d: {  	s16 =	simm.s32 $0x14C00;
	[sflag:s23] =	ssyncadd.s32 $0xFFFFD000  }
0x40e: {  	[spmem:s3] =	stream.indirect.scatter.add.f32 [tilespmem:s17], [sflag:$0x6], $0x80, s16, s12, $0xb8;
	[tilespmem:$0x1FC00] =	vst v63  }
0x40f: {  	_ =	swait.ge [sflag:s5], $0x3000  }
0x410: {  	[sflag:s5] =	ssyncset.done $0x0  }
0x411: {  	s19 =	simm.s32 $0x14180;
	[sflag:s5] =	ssyncadd.s32 $0xFFFFD000  }
0x412: {  	[tilespmem:s17], [sflag:$0x3] =	stream.indirect.gather [hbm4b:s1+s12], $0x80, s19, s12, $0xb8;
	[tilespmem:$0x1FC00] =	vst v63  }
0x413: {  	_ =	swait.ge [sflag:s18], $0x3000  }
0x414: {  	[sflag:s18] =	ssyncset.done $0x0  }
0x415: {  	s16 =	simm.s32 $0x14C80;
	[sflag:s18] =	ssyncadd.s32 $0xFFFFD000  }
0x416: {  	[spmem:s3] =	stream.indirect.scatter.add.f32 [tilespmem:s13], [sflag:$0x6], $0x80, s16, s12, $0xb8;
	[tilespmem:$0x1FC00] =	vst v63  }
0x417: {  	_ =	swait.ge [sflag:s5], $0x3000  }
0x418: {  	[sflag:s5] =	ssyncset.done $0x0  }
0x419: {  	s19 =	simm.s32 $0x14200;
	[sflag:s5] =	ssyncadd.s32 $0xFFFFD000  }
0x41a: {  	[tilespmem:s13], [sflag:$0x1] =	stream.indirect.gather [hbm4b:s1+s12], $0x80, s19, s12, $0xb8;
	[tilespmem:$0x1FC00] =	vst v63  }
0x41b: {  	_ =	swait.ge [sflag:s20], $0x3000  }
0x41c: {  	[sflag:s20] =	ssyncset.done $0x0  }
0x41d: {  	s16 =	simm.s32 $0x14D00;
	[sflag:s20] =	ssyncadd.s32 $0xFFFFD000  }
0x41e: {  	[spmem:s3] =	stream.indirect.scatter.add.f32 [tilespmem:s15], [sflag:$0x6], $0x80, s16, s12, $0xb8;
	[tilespmem:$0x1FC00] =	vst v63  }
0x41f: {  	_ =	swait.ge [sflag:s5], $0x3000  }
0x420: {  	[sflag:s5] =	ssyncset.done $0x0  }
0x421: {  	s19 =	simm.s32 $0x14280;
	[sflag:s5] =	ssyncadd.s32 $0xFFFFD000  }
0x422: {  	[tilespmem:s15], [sflag:$0x2] =	stream.indirect.gather [hbm4b:s1+s12], $0x80, s19, s12, $0xb8;
	[tilespmem:$0x1FC00] =	vst v63  }
0x423: {  	_ =	swait.ge [sflag:s23], $0x3000  }
0x424: {  	[sflag:s23] =	ssyncset.done $0x0  }
0x425: {  	s16 =	simm.s32 $0x14D80;
	[sflag:s23] =	ssyncadd.s32 $0xFFFFD000  }
0x426: {  	[spmem:s3] =	stream.indirect.scatter.add.f32 [tilespmem:s17], [sflag:$0x6], $0x80, s16, s12, $0xb8;
	[tilespmem:$0x1FC00] =	vst v63  }
0x427: {  	_ =	swait.ge [sflag:s5], $0x3000  }
0x428: {  	[sflag:s5] =	ssyncset.done $0x0  }
0x429: {  	s19 =	simm.s32 $0x14300;
	[sflag:s5] =	ssyncadd.s32 $0xFFFFD000  }
0x42a: {  	[tilespmem:s17], [sflag:$0x3] =	stream.indirect.gather [hbm4b:s1+s12], $0x80, s19, s12, $0xb8;
	[tilespmem:$0x1FC00] =	vst v63  }
0x42b: {  	_ =	swait.ge [sflag:s18], $0x3000  }
0x42c: {  	[sflag:s18] =	ssyncset.done $0x0  }
0x42d: {  	s16 =	simm.s32 $0x14E00;
	[sflag:s18] =	ssyncadd.s32 $0xFFFFD000  }
0x42e: {  	[spmem:s3] =	stream.indirect.scatter.add.f32 [tilespmem:s13], [sflag:$0x6], $0x80, s16, s12, $0xb8;
	[tilespmem:$0x1FC00] =	vst v63  }
0x42f: {  	_ =	swait.ge [sflag:s5], $0x3000  }
0x430: {  	[sflag:s5] =	ssyncset.done $0x0  }
0x431: {  	s19 =	simm.s32 $0x14380;
	[sflag:s5] =	ssyncadd.s32 $0xFFFFD000  }
0x432: {  	[tilespmem:s13], [sflag:$0x1] =	stream.indirect.gather [hbm4b:s1+s12], $0x80, s19, s12, $0xb8;
	[tilespmem:$0x1FC00] =	vst v63  }
0x433: {  	_ =	swait.ge [sflag:s20], $0x3000  }
0x434: {  	[sflag:s20] =	ssyncset.done $0x0  }
0x435: {  	s16 =	simm.s32 $0x14E80;
	[sflag:s20] =	ssyncadd.s32 $0xFFFFD000  }
0x436: {  	[spmem:s3] =	stream.indirect.scatter.add.f32 [tilespmem:s15], [sflag:$0x6], $0x80, s16, s12, $0xb8;
	[tilespmem:$0x1FC00] =	vst v63  }
0x437: {  	_ =	swait.ge [sflag:s5], $0x3000  }
0x438: {  	[sflag:s5] =	ssyncset.done $0x0  }
0x439: {  	s19 =	simm.s32 $0x14400;
	[sflag:s5] =	ssyncadd.s32 $0xFFFFD000  }
0x43a: {  	[tilespmem:s15], [sflag:$0x2] =	stream.indirect.gather [hbm4b:s1+s12], $0x80, s19, s12, $0xb8;
	[tilespmem:$0x1FC00] =	vst v63  }
0x43b: {  	_ =	swait.ge [sflag:s23], $0x3000  }
0x43c: {  	[sflag:s23] =	ssyncset.done $0x0  }
0x43d: {  	s16 =	simm.s32 $0x14F00;
	[sflag:s23] =	ssyncadd.s32 $0xFFFFD000  }
0x43e: {  	[spmem:s3] =	stream.indirect.scatter.add.f32 [tilespmem:s17], [sflag:$0x6], $0x80, s16, s12, $0xb8;
	[tilespmem:$0x1FC00] =	vst v63  }
0x43f: {  	_ =	swait.ge [sflag:s5], $0x3000  }
0x440: {  	[sflag:s5] =	ssyncset.done $0x0  }
0x441: {  	s19 =	simm.s32 $0x14480;
	[sflag:s5] =	ssyncadd.s32 $0xFFFFD000  }
0x442: {  	[tilespmem:s17], [sflag:$0x3] =	stream.indirect.gather [hbm4b:s1+s12], $0x80, s19, s12, $0xb8;
	[tilespmem:$0x1FC00] =	vst v63  }
0x443: {  	_ =	swait.ge [sflag:s18], $0x3000  }
0x444: {  	[sflag:s18] =	ssyncset.done $0x0  }
0x445: {  	s16 =	simm.s32 $0x14F80;
	[sflag:s18] =	ssyncadd.s32 $0xFFFFD000  }
0x446: {  	[spmem:s3] =	stream.indirect.scatter.add.f32 [tilespmem:s13], [sflag:$0x6], $0x80, s16, s12, $0xb8;
	[tilespmem:$0x1FC00] =	vst v63  }
0x447: {  	_ =	swait.ge [sflag:s5], $0x3000  }
0x448: {  	[sflag:s5] =	ssyncset.done $0x0  }
0x449: {  	s19 =	simm.s32 $0x14500;
	[sflag:s5] =	ssyncadd.s32 $0xFFFFD000  }
0x44a: {  	[tilespmem:s13], [sflag:$0x1] =	stream.indirect.gather [hbm4b:s1+s12], $0x80, s19, s12, $0xb8;
	[tilespmem:$0x1FC00] =	vst v63  }
0x44b: {  	_ =	swait.ge [sflag:s20], $0x3000  }
0x44c: {  	[sflag:s20] =	ssyncset.done $0x0  }
0x44d: {  	s16 =	simm.s32 $0x15000;
	[sflag:s20] =	ssyncadd.s32 $0xFFFFD000  }
0x44e: {  	[spmem:s3] =	stream.indirect.scatter.add.f32 [tilespmem:s15], [sflag:$0x6], $0x80, s16, s12, $0xb8;
	[tilespmem:$0x1FC00] =	vst v63  }
0x44f: {  	_ =	swait.ge [sflag:s5], $0x3000  }
0x450: {  	[sflag:s5] =	ssyncset.done $0x0  }
0x451: {  	s19 =	simm.s32 $0x14580;
	[sflag:s5] =	ssyncadd.s32 $0xFFFFD000  }
0x452: {  	[tilespmem:s15], [sflag:$0x2] =	stream.indirect.gather [hbm4b:s1+s12], $0x80, s19, s12, $0xb8;
	[tilespmem:$0x1FC00] =	vst v63  }
0x453: {  	_ =	swait.ge [sflag:s23], $0x3000  }
0x454: {  	[sflag:s23] =	ssyncset.done $0x0  }
0x455: {  	s16 =	simm.s32 $0x15080;
	[sflag:s23] =	ssyncadd.s32 $0xFFFFD000  }
0x456: {  	[spmem:s3] =	stream.indirect.scatter.add.f32 [tilespmem:s17], [sflag:$0x6], $0x80, s16, s12, $0xb8;
	[tilespmem:$0x1FC00] =	vst v63  }
0x457: {  	_ =	swait.ge [sflag:s5], $0x3000  }
0x458: {  	[sflag:s5] =	ssyncset.done $0x0  }
0x459: {  	s19 =	simm.s32 $0x14600;
	[sflag:s5] =	ssyncadd.s32 $0xFFFFD000  }
0x45a: {  	[tilespmem:s17], [sflag:$0x3] =	stream.indirect.gather [hbm4b:s1+s12], $0x80, s19, s12, $0xb8;
	[tilespmem:$0x1FC00] =	vst v63  }
0x45b: {  	_ =	swait.ge [sflag:s18], $0x3000  }
0x45c: {  	[sflag:s18] =	ssyncset.done $0x0  }
0x45d: {  	s16 =	simm.s32 $0x15100;
	[sflag:s18] =	ssyncadd.s32 $0xFFFFD000  }
0x45e: {  	[spmem:s3] =	stream.indirect.scatter.add.f32 [tilespmem:s13], [sflag:$0x6], $0x80, s16, s12, $0xb8;
	[tilespmem:$0x1FC00] =	vst v63  }
0x45f: {  	_ =	swait.ge [sflag:s5], $0x3000  }
0x460: {  	[sflag:s5] =	ssyncset.done $0x0  }
0x461: {  	[sflag:s5] =	ssyncadd.s32 $0xFFFFD000  }
0x462: {  	_ =	swait.ge [sflag:s20], $0x3000  }
0x463: {  	[sflag:s20] =	ssyncset.done $0x0  }
0x464: {  	s19 =	simm.s32 $0x15180;
	[sflag:s20] =	ssyncadd.s32 $0xFFFFD000  }
0x465: {  	[spmem:s3] =	stream.indirect.scatter.add.f32 [tilespmem:s15], [sflag:$0x6], $0x80, s19, s12, $0xb8;
	[tilespmem:$0x1FC00] =	vst v63  }
0x466: {  	_ =	swait.ge [sflag:s5], $0x3000  }
0x467: {  	[sflag:s5] =	ssyncset.done $0x0  }
0x468: {  	[sflag:s5] =	ssyncadd.s32 $0xFFFFD000  }
0x469: {  	_ =	swait.ge [sflag:s23], $0x3000  }
0x46a: {  	[sflag:s23] =	ssyncset.done $0x0  }
0x46b: {  	s16 =	simm.s32 $0x15200;
	[sflag:s23] =	ssyncadd.s32 $0xFFFFD000  }
0x46c: {  	[spmem:s3] =	stream.indirect.scatter.add.f32 [tilespmem:s17], [sflag:$0x6], $0x80, s16, s12, $0xb8;
	[tilespmem:$0x1FC00] =	vst v63  }
0x46d: {  	_ =	swait.ge [sflag:s5], $0x3000  }
0x46e: {  	[sflag:s5] =	ssyncset.done $0x0  }
0x46f: {  	[sflag:s5] =	ssyncadd.s32 $0xFFFFD000  }
0x470: {  	_ =	swait.ge [sflag:s8], $0xA80  }
0x471: {  	[sflag:s8] =	ssyncset.done $0x0  }
0x472: {  	[sflag:s8] =	ssyncadd.s32 $0xFFFFF580  }
0x473: {  	_ =	swait.ge [sflag:s0], $0xA80  }
0x474: {  	[sflag:s0] =	ssyncset.done $0x0  }
0x475: {  	s19 =	rddreg [dreg:$0xb];
	[sflag:s0] =	ssyncadd.s32 $0xFFFFF580  }
0x476: {  	[tilespmem:s7], [sflag:$0x4] =	stream.linear.gather [hbm4b:s19+s2], $0xA80, $0x38;
	[tilespmem:$0x1FC00] =	vst v63  }
0x477: {  	s9 =	rddreg [dreg:$0xc]  }
0x478: {  	[tilespmem:s4], [sflag:$0x5] =	stream.linear.gather [hbm4b:s9+s2], $0xA80, $0x38;
	[tilespmem:$0x1FC00] =	vst v63  }
0x479: {  	_ = 	snop  }
0x47a: {  	[tilespmem:s13], [sflag:$0x1] =	stream.indirect.gather [hbm4b:s1+s12], $0x80, s11, s12, $0xb8;
	[tilespmem:$0x1FC00] =	vst v63  }
0x47b: {  	s19 =	simm.s32 $0x15480  }
0x47c: {  	[tilespmem:s15], [sflag:$0x2] =	stream.indirect.gather [hbm4b:s1+s12], $0x80, s19, s12, $0xb8;
	[tilespmem:$0x1FC00] =	vst v63  }
0x47d: {  	s16 =	simm.s32 $0x15500  }
0x47e: {  	[tilespmem:s17], [sflag:$0x3] =	stream.indirect.gather [hbm4b:s1+s12], $0x80, s16, s12, $0xb8;
	[tilespmem:$0x1FC00] =	vst v63  }
0x47f: {  	_ =	swait.ge [sflag:s18], $0x3000  }
0x480: {  	[sflag:s18] =	ssyncset.done $0x0  }
0x481: {  	[sflag:s18] =	ssyncadd.s32 $0xFFFFD000  }
0x482: {  	[spmem:s3] =	stream.indirect.scatter.add.f32 [tilespmem:s13], [sflag:$0x6], $0x80, s6, s12, $0xb8;
	[tilespmem:$0x1FC00] =	vst v63  }
0x483: {  	_ =	swait.ge [sflag:s5], $0x3000  }
0x484: {  	[sflag:s5] =	ssyncset.done $0x0  }
0x485: {  	[sflag:s5] =	ssyncadd.s32 $0xFFFFD000  }
0x486: {  	[tilespmem:s13], [sflag:$0x1] =	stream.indirect.gather [hbm4b:s1+s12], $0x80, s10, s12, $0xb8;
	[tilespmem:$0x1FC00] =	vst v63  }
0x487: {  	_ =	swait.ge [sflag:s20], $0x3000  }
0x488: {  	[sflag:s20] =	ssyncset.done $0x0  }
0x489: {  	[sflag:s20] =	ssyncadd.s32 $0xFFFFD000  }
0x48a: {  	[spmem:s3] =	stream.indirect.scatter.add.f32 [tilespmem:s15], [sflag:$0x6], $0x80, s21, s12, $0xb8;
	[tilespmem:$0x1FC00] =	vst v63  }
0x48b: {  	_ =	swait.ge [sflag:s5], $0x3000  }
0x48c: {  	[sflag:s5] =	ssyncset.done $0x0  }
0x48d: {  	[sflag:s5] =	ssyncadd.s32 $0xFFFFD000  }
0x48e: {  	[tilespmem:s15], [sflag:$0x2] =	stream.indirect.gather [hbm4b:s1+s12], $0x80, s22, s12, $0xb8;
	[tilespmem:$0x1FC00] =	vst v63  }
0x48f: {  	_ =	swait.ge [sflag:s23], $0x3000  }
0x490: {  	[sflag:s23] =	ssyncset.done $0x0  }
0x491: {  	[sflag:s23] =	ssyncadd.s32 $0xFFFFD000  }
0x492: {  	[spmem:s3] =	stream.indirect.scatter.add.f32 [tilespmem:s17], [sflag:$0x6], $0x80, s24, s12, $0xb8;
	[tilespmem:$0x1FC00] =	vst v63  }
0x493: {  	_ =	swait.ge [sflag:s5], $0x3000  }
0x494: {  	[sflag:s5] =	ssyncset.done $0x0  }
0x495: {  	[sflag:s5] =	ssyncadd.s32 $0xFFFFD000  }
0x496: {  	[tilespmem:s17], [sflag:$0x3] =	stream.indirect.gather [hbm4b:s1+s12], $0x80, s25, s12, $0xb8;
	[tilespmem:$0x1FC00] =	vst v63  }
0x497: {  	_ =	swait.ge [sflag:s18], $0x3000  }
0x498: {  	[sflag:s18] =	ssyncset.done $0x0  }
0x499: {  	[sflag:s18] =	ssyncadd.s32 $0xFFFFD000  }
0x49a: {  	[spmem:s3] =	stream.indirect.scatter.add.f32 [tilespmem:s13], [sflag:$0x6], $0x80, s26, s12, $0xb8;
	[tilespmem:$0x1FC00] =	vst v63  }
0x49b: {  	_ =	swait.ge [sflag:s5], $0x3000  }
0x49c: {  	[sflag:s5] =	ssyncset.done $0x0  }
0x49d: {  	[sflag:s5] =	ssyncadd.s32 $0xFFFFD000  }
0x49e: {  	[tilespmem:s13], [sflag:$0x1] =	stream.indirect.gather [hbm4b:s1+s12], $0x80, s28, s12, $0xb8;
	[tilespmem:$0x1FC00] =	vst v63  }
0x49f: {  	_ =	swait.ge [sflag:s20], $0x3000  }
0x4a0: {  	[sflag:s20] =	ssyncset.done $0x0  }
0x4a1: {  	[sflag:s20] =	ssyncadd.s32 $0xFFFFD000  }
0x4a2: {  	[spmem:s3] =	stream.indirect.scatter.add.f32 [tilespmem:s15], [sflag:$0x6], $0x80, s29, s12, $0xb8;
	[tilespmem:$0x1FC00] =	vst v63  }
0x4a3: {  	_ =	swait.ge [sflag:s5], $0x3000  }
0x4a4: {  	[sflag:s5] =	ssyncset.done $0x0  }
0x4a5: {  	[sflag:s5] =	ssyncadd.s32 $0xFFFFD000  }
0x4a6: {  	[tilespmem:s15], [sflag:$0x2] =	stream.indirect.gather [hbm4b:s1+s12], $0x80, s30, s12, $0xb8;
	[tilespmem:$0x1FC00] =	vst v63  }
0x4a7: {  	_ =	swait.ge [sflag:s23], $0x3000  }
0x4a8: {  	[sflag:s23] =	ssyncset.done $0x0  }
0x4a9: {  	[sflag:s23] =	ssyncadd.s32 $0xFFFFD000  }
0x4aa: {  	[spmem:s3] =	stream.indirect.scatter.add.f32 [tilespmem:s17], [sflag:$0x6], $0x80, s31, s12, $0xb8;
	[tilespmem:$0x1FC00] =	vst v63  }
0x4ab: {  	_ =	swait.ge [sflag:s5], $0x3000  }
0x4ac: {  	[sflag:s5] =	ssyncset.done $0x0  }
0x4ad: {  	s19 =	simm.s32 $0x15800;
	[sflag:s5] =	ssyncadd.s32 $0xFFFFD000  }
0x4ae: {  	[tilespmem:s17], [sflag:$0x3] =	stream.indirect.gather [hbm4b:s1+s12], $0x80, s19, s12, $0xb8;
	[tilespmem:$0x1FC00] =	vst v63  }
0x4af: {  	_ =	swait.ge [sflag:s18], $0x3000  }
0x4b0: {  	[sflag:s18] =	ssyncset.done $0x0  }
0x4b1: {  	s16 =	simm.s32 $0x16300;
	[sflag:s18] =	ssyncadd.s32 $0xFFFFD000  }
0x4b2: {  	[spmem:s3] =	stream.indirect.scatter.add.f32 [tilespmem:s13], [sflag:$0x6], $0x80, s16, s12, $0xb8;
	[tilespmem:$0x1FC00] =	vst v63  }
0x4b3: {  	_ =	swait.ge [sflag:s5], $0x3000  }
0x4b4: {  	[sflag:s5] =	ssyncset.done $0x0  }
0x4b5: {  	s19 =	simm.s32 $0x15880;
	[sflag:s5] =	ssyncadd.s32 $0xFFFFD000  }
0x4b6: {  	[tilespmem:s13], [sflag:$0x1] =	stream.indirect.gather [hbm4b:s1+s12], $0x80, s19, s12, $0xb8;
	[tilespmem:$0x1FC00] =	vst v63  }
0x4b7: {  	_ =	swait.ge [sflag:s20], $0x3000  }
0x4b8: {  	[sflag:s20] =	ssyncset.done $0x0  }
0x4b9: {  	s16 =	simm.s32 $0x16380;
	[sflag:s20] =	ssyncadd.s32 $0xFFFFD000  }
0x4ba: {  	[spmem:s3] =	stream.indirect.scatter.add.f32 [tilespmem:s15], [sflag:$0x6], $0x80, s16, s12, $0xb8;
	[tilespmem:$0x1FC00] =	vst v63  }
0x4bb: {  	_ =	swait.ge [sflag:s5], $0x3000  }
0x4bc: {  	[sflag:s5] =	ssyncset.done $0x0  }
0x4bd: {  	s19 =	simm.s32 $0x15900;
	[sflag:s5] =	ssyncadd.s32 $0xFFFFD000  }
0x4be: {  	[tilespmem:s15], [sflag:$0x2] =	stream.indirect.gather [hbm4b:s1+s12], $0x80, s19, s12, $0xb8;
	[tilespmem:$0x1FC00] =	vst v63  }
0x4bf: {  	_ =	swait.ge [sflag:s23], $0x3000  }
0x4c0: {  	[sflag:s23] =	ssyncset.done $0x0  }
0x4c1: {  	s16 =	simm.s32 $0x16400;
	[sflag:s23] =	ssyncadd.s32 $0xFFFFD000  }
0x4c2: {  	[spmem:s3] =	stream.indirect.scatter.add.f32 [tilespmem:s17], [sflag:$0x6], $0x80, s16, s12, $0xb8;
	[tilespmem:$0x1FC00] =	vst v63  }
0x4c3: {  	_ =	swait.ge [sflag:s5], $0x3000  }
0x4c4: {  	[sflag:s5] =	ssyncset.done $0x0  }
0x4c5: {  	s19 =	simm.s32 $0x15980;
	[sflag:s5] =	ssyncadd.s32 $0xFFFFD000  }
0x4c6: {  	[tilespmem:s17], [sflag:$0x3] =	stream.indirect.gather [hbm4b:s1+s12], $0x80, s19, s12, $0xb8;
	[tilespmem:$0x1FC00] =	vst v63  }
0x4c7: {  	_ =	swait.ge [sflag:s18], $0x3000  }
0x4c8: {  	[sflag:s18] =	ssyncset.done $0x0  }
0x4c9: {  	s16 =	simm.s32 $0x16480;
	[sflag:s18] =	ssyncadd.s32 $0xFFFFD000  }
0x4ca: {  	[spmem:s3] =	stream.indirect.scatter.add.f32 [tilespmem:s13], [sflag:$0x6], $0x80, s16, s12, $0xb8;
	[tilespmem:$0x1FC00] =	vst v63  }
0x4cb: {  	_ =	swait.ge [sflag:s5], $0x3000  }
0x4cc: {  	[sflag:s5] =	ssyncset.done $0x0  }
0x4cd: {  	s19 =	simm.s32 $0x15A00;
	[sflag:s5] =	ssyncadd.s32 $0xFFFFD000  }
0x4ce: {  	[tilespmem:s13], [sflag:$0x1] =	stream.indirect.gather [hbm4b:s1+s12], $0x80, s19, s12, $0xb8;
	[tilespmem:$0x1FC00] =	vst v63  }
0x4cf: {  	_ =	swait.ge [sflag:s20], $0x3000  }
0x4d0: {  	[sflag:s20] =	ssyncset.done $0x0  }
0x4d1: {  	s16 =	simm.s32 $0x16500;
	[sflag:s20] =	ssyncadd.s32 $0xFFFFD000  }
0x4d2: {  	[spmem:s3] =	stream.indirect.scatter.add.f32 [tilespmem:s15], [sflag:$0x6], $0x80, s16, s12, $0xb8;
	[tilespmem:$0x1FC00] =	vst v63  }
0x4d3: {  	_ =	swait.ge [sflag:s5], $0x3000  }
0x4d4: {  	[sflag:s5] =	ssyncset.done $0x0  }
0x4d5: {  	s19 =	simm.s32 $0x15A80;
	[sflag:s5] =	ssyncadd.s32 $0xFFFFD000  }
0x4d6: {  	[tilespmem:s15], [sflag:$0x2] =	stream.indirect.gather [hbm4b:s1+s12], $0x80, s19, s12, $0xb8;
	[tilespmem:$0x1FC00] =	vst v63  }
0x4d7: {  	_ =	swait.ge [sflag:s23], $0x3000  }
0x4d8: {  	[sflag:s23] =	ssyncset.done $0x0  }
0x4d9: {  	s16 =	simm.s32 $0x16580;
	[sflag:s23] =	ssyncadd.s32 $0xFFFFD000  }
0x4da: {  	[spmem:s3] =	stream.indirect.scatter.add.f32 [tilespmem:s17], [sflag:$0x6], $0x80, s16, s12, $0xb8;
	[tilespmem:$0x1FC00] =	vst v63  }
0x4db: {  	_ =	swait.ge [sflag:s5], $0x3000  }
0x4dc: {  	[sflag:s5] =	ssyncset.done $0x0  }
0x4dd: {  	s19 =	simm.s32 $0x15B00;
	[sflag:s5] =	ssyncadd.s32 $0xFFFFD000  }
0x4de: {  	[tilespmem:s17], [sflag:$0x3] =	stream.indirect.gather [hbm4b:s1+s12], $0x80, s19, s12, $0xb8;
	[tilespmem:$0x1FC00] =	vst v63  }
0x4df: {  	_ =	swait.ge [sflag:s18], $0x3000  }
0x4e0: {  	[sflag:s18] =	ssyncset.done $0x0  }
0x4e1: {  	s16 =	simm.s32 $0x16600;
	[sflag:s18] =	ssyncadd.s32 $0xFFFFD000  }
0x4e2: {  	[spmem:s3] =	stream.indirect.scatter.add.f32 [tilespmem:s13], [sflag:$0x6], $0x80, s16, s12, $0xb8;
	[tilespmem:$0x1FC00] =	vst v63  }
0x4e3: {  	_ =	swait.ge [sflag:s5], $0x3000  }
0x4e4: {  	[sflag:s5] =	ssyncset.done $0x0  }
0x4e5: {  	s19 =	simm.s32 $0x15B80;
	[sflag:s5] =	ssyncadd.s32 $0xFFFFD000  }
0x4e6: {  	[tilespmem:s13], [sflag:$0x1] =	stream.indirect.gather [hbm4b:s1+s12], $0x80, s19, s12, $0xb8;
	[tilespmem:$0x1FC00] =	vst v63  }
0x4e7: {  	_ =	swait.ge [sflag:s20], $0x3000  }
0x4e8: {  	[sflag:s20] =	ssyncset.done $0x0  }
0x4e9: {  	s16 =	simm.s32 $0x16680;
	[sflag:s20] =	ssyncadd.s32 $0xFFFFD000  }
0x4ea: {  	[spmem:s3] =	stream.indirect.scatter.add.f32 [tilespmem:s15], [sflag:$0x6], $0x80, s16, s12, $0xb8;
	[tilespmem:$0x1FC00] =	vst v63  }
0x4eb: {  	_ =	swait.ge [sflag:s5], $0x3000  }
0x4ec: {  	[sflag:s5] =	ssyncset.done $0x0  }
0x4ed: {  	s19 =	simm.s32 $0x15C00;
	[sflag:s5] =	ssyncadd.s32 $0xFFFFD000  }
0x4ee: {  	[tilespmem:s15], [sflag:$0x2] =	stream.indirect.gather [hbm4b:s1+s12], $0x80, s19, s12, $0xb8;
	[tilespmem:$0x1FC00] =	vst v63  }
0x4ef: {  	_ =	swait.ge [sflag:s23], $0x3000  }
0x4f0: {  	[sflag:s23] =	ssyncset.done $0x0  }
0x4f1: {  	s16 =	simm.s32 $0x16700;
	[sflag:s23] =	ssyncadd.s32 $0xFFFFD000  }
0x4f2: {  	[spmem:s3] =	stream.indirect.scatter.add.f32 [tilespmem:s17], [sflag:$0x6], $0x80, s16, s12, $0xb8;
	[tilespmem:$0x1FC00] =	vst v63  }
0x4f3: {  	_ =	swait.ge [sflag:s5], $0x3000  }
0x4f4: {  	[sflag:s5] =	ssyncset.done $0x0  }
0x4f5: {  	s19 =	simm.s32 $0x15C80;
	[sflag:s5] =	ssyncadd.s32 $0xFFFFD000  }
0x4f6: {  	[tilespmem:s17], [sflag:$0x3] =	stream.indirect.gather [hbm4b:s1+s12], $0x80, s19, s12, $0xb8;
	[tilespmem:$0x1FC00] =	vst v63  }
0x4f7: {  	_ =	swait.ge [sflag:s18], $0x3000  }
0x4f8: {  	[sflag:s18] =	ssyncset.done $0x0  }
0x4f9: {  	s16 =	simm.s32 $0x16780;
	[sflag:s18] =	ssyncadd.s32 $0xFFFFD000  }
0x4fa: {  	[spmem:s3] =	stream.indirect.scatter.add.f32 [tilespmem:s13], [sflag:$0x6], $0x80, s16, s12, $0xb8;
	[tilespmem:$0x1FC00] =	vst v63  }
0x4fb: {  	_ =	swait.ge [sflag:s5], $0x3000  }
0x4fc: {  	[sflag:s5] =	ssyncset.done $0x0  }
0x4fd: {  	s19 =	simm.s32 $0x15D00;
	[sflag:s5] =	ssyncadd.s32 $0xFFFFD000  }
0x4fe: {  	[tilespmem:s13], [sflag:$0x1] =	stream.indirect.gather [hbm4b:s1+s12], $0x80, s19, s12, $0xb8;
	[tilespmem:$0x1FC00] =	vst v63  }
0x4ff: {  	_ =	swait.ge [sflag:s20], $0x3000  }
0x500: {  	[sflag:s20] =	ssyncset.done $0x0  }
0x501: {  	s16 =	simm.s32 $0x16800;
	[sflag:s20] =	ssyncadd.s32 $0xFFFFD000  }
0x502: {  	[spmem:s3] =	stream.indirect.scatter.add.f32 [tilespmem:s15], [sflag:$0x6], $0x80, s16, s12, $0xb8;
	[tilespmem:$0x1FC00] =	vst v63  }
0x503: {  	_ =	swait.ge [sflag:s5], $0x3000  }
0x504: {  	[sflag:s5] =	ssyncset.done $0x0  }
0x505: {  	s19 =	simm.s32 $0x15D80;
	[sflag:s5] =	ssyncadd.s32 $0xFFFFD000  }
0x506: {  	[tilespmem:s15], [sflag:$0x2] =	stream.indirect.gather [hbm4b:s1+s12], $0x80, s19, s12, $0xb8;
	[tilespmem:$0x1FC00] =	vst v63  }
0x507: {  	_ =	swait.ge [sflag:s23], $0x3000  }
0x508: {  	[sflag:s23] =	ssyncset.done $0x0  }
0x509: {  	s16 =	simm.s32 $0x16880;
	[sflag:s23] =	ssyncadd.s32 $0xFFFFD000  }
0x50a: {  	[spmem:s3] =	stream.indirect.scatter.add.f32 [tilespmem:s17], [sflag:$0x6], $0x80, s16, s12, $0xb8;
	[tilespmem:$0x1FC00] =	vst v63  }
0x50b: {  	_ =	swait.ge [sflag:s5], $0x3000  }
0x50c: {  	[sflag:s5] =	ssyncset.done $0x0  }
0x50d: {  	s19 =	simm.s32 $0x15E00;
	[sflag:s5] =	ssyncadd.s32 $0xFFFFD000  }
0x50e: {  	[tilespmem:s17], [sflag:$0x3] =	stream.indirect.gather [hbm4b:s1+s12], $0x80, s19, s12, $0xb8;
	[tilespmem:$0x1FC00] =	vst v63  }
0x50f: {  	_ =	swait.ge [sflag:s18], $0x3000  }
0x510: {  	[sflag:s18] =	ssyncset.done $0x0  }
0x511: {  	s16 =	simm.s32 $0x16900;
	[sflag:s18] =	ssyncadd.s32 $0xFFFFD000  }
0x512: {  	[spmem:s3] =	stream.indirect.scatter.add.f32 [tilespmem:s13], [sflag:$0x6], $0x80, s16, s12, $0xb8;
	[tilespmem:$0x1FC00] =	vst v63  }
0x513: {  	_ =	swait.ge [sflag:s5], $0x3000  }
0x514: {  	[sflag:s5] =	ssyncset.done $0x0  }
0x515: {  	[sflag:s5] =	ssyncadd.s32 $0xFFFFD000  }
0x516: {  	_ =	swait.ge [sflag:s20], $0x3000  }
0x517: {  	[sflag:s20] =	ssyncset.done $0x0  }
0x518: {  	s19 =	simm.s32 $0x16980;
	[sflag:s20] =	ssyncadd.s32 $0xFFFFD000  }
0x519: {  	[spmem:s3] =	stream.indirect.scatter.add.f32 [tilespmem:s15], [sflag:$0x6], $0x80, s19, s12, $0xb8;
	[tilespmem:$0x1FC00] =	vst v63  }
0x51a: {  	_ =	swait.ge [sflag:s5], $0x3000  }
0x51b: {  	[sflag:s5] =	ssyncset.done $0x0  }
0x51c: {  	[sflag:s5] =	ssyncadd.s32 $0xFFFFD000  }
0x51d: {  	_ =	swait.ge [sflag:s23], $0x3000  }
0x51e: {  	[sflag:s23] =	ssyncset.done $0x0  }
0x51f: {  	s16 =	simm.s32 $0x16A00;
	[sflag:s23] =	ssyncadd.s32 $0xFFFFD000  }
0x520: {  	[spmem:s3] =	stream.indirect.scatter.add.f32 [tilespmem:s17], [sflag:$0x6], $0x80, s16, s12, $0xb8;
	[tilespmem:$0x1FC00] =	vst v63  }
0x521: {  	_ =	swait.ge [sflag:s5], $0x3000  }
0x522: {  	[sflag:s5] =	ssyncset.done $0x0  }
0x523: {  	[sflag:s5] =	ssyncadd.s32 $0xFFFFD000  }
0x524: {  	_ =	swait.ge [sflag:s8], $0xA80  }
0x525: {  	[sflag:s8] =	ssyncset.done $0x0  }
0x526: {  	[sflag:s8] =	ssyncadd.s32 $0xFFFFF580  }
0x527: {  	_ =	swait.ge [sflag:s0], $0xA80  }
0x528: {  	[sflag:s0] =	ssyncset.done $0x0  }
0x529: {  	s19 =	rddreg [dreg:$0xd];
	[sflag:s0] =	ssyncadd.s32 $0xFFFFF580  }
0x52a: {  	[tilespmem:s11], [sflag:$0x4] =	stream.linear.gather [hbm4b:s19+s2], $0xA80, $0x38;
	[tilespmem:$0x1FC00] =	vst v63  }
0x52b: {  	s9 =	rddreg [dreg:$0xe]  }
0x52c: {  	[tilespmem:s6], [sflag:$0x5] =	stream.linear.gather [hbm4b:s9+s2], $0xA80, $0x38;
	[tilespmem:$0x1FC00] =	vst v63  }
0x52d: {  	_ = 	snop  }
0x52e: {  	[tilespmem:s13], [sflag:$0x1] =	stream.indirect.gather [hbm4b:s1+s12], $0x80, s7, s12, $0xb8;
	[tilespmem:$0x1FC00] =	vst v63  }
0x52f: {  	s9 =	simm.s32 $0x13C80  }
0x530: {  	[tilespmem:s15], [sflag:$0x2] =	stream.indirect.gather [hbm4b:s1+s12], $0x80, s9, s12, $0xb8;
	[tilespmem:$0x1FC00] =	vst v63  }
0x531: {  	s19 =	simm.s32 $0x13D00  }
0x532: {  	[tilespmem:s17], [sflag:$0x3] =	stream.indirect.gather [hbm4b:s1+s12], $0x80, s19, s12, $0xb8;
	[tilespmem:$0x1FC00] =	vst v63  }
0x533: {  	_ =	swait.ge [sflag:s18], $0x3000  }
0x534: {  	[sflag:s18] =	ssyncset.done $0x0  }
0x535: {  	[sflag:s18] =	ssyncadd.s32 $0xFFFFD000  }
0x536: {  	[spmem:s3] =	stream.indirect.scatter.add.f32 [tilespmem:s13], [sflag:$0x6], $0x80, s4, s12, $0xb8;
	[tilespmem:$0x1FC00] =	vst v63  }
0x537: {  	_ =	swait.ge [sflag:s5], $0x3000  }
0x538: {  	[sflag:s5] =	ssyncset.done $0x0  }
0x539: {  	s19 =	simm.s32 $0x13D80;
	[sflag:s5] =	ssyncadd.s32 $0xFFFFD000  }
0x53a: {  	[tilespmem:s13], [sflag:$0x1] =	stream.indirect.gather [hbm4b:s1+s12], $0x80, s19, s12, $0xb8;
	[tilespmem:$0x1FC00] =	vst v63  }
0x53b: {  	_ =	swait.ge [sflag:s20], $0x3000  }
0x53c: {  	[sflag:s20] =	ssyncset.done $0x0  }
0x53d: {  	s19 =	simm.s32 $0x14880;
	[sflag:s20] =	ssyncadd.s32 $0xFFFFD000  }
0x53e: {  	[spmem:s3] =	stream.indirect.scatter.add.f32 [tilespmem:s15], [sflag:$0x6], $0x80, s19, s12, $0xb8;
	[tilespmem:$0x1FC00] =	vst v63  }
0x53f: {  	_ =	swait.ge [sflag:s5], $0x3000  }
0x540: {  	[sflag:s5] =	ssyncset.done $0x0  }
0x541: {  	s19 =	simm.s32 $0x13E00;
	[sflag:s5] =	ssyncadd.s32 $0xFFFFD000  }
0x542: {  	[tilespmem:s15], [sflag:$0x2] =	stream.indirect.gather [hbm4b:s1+s12], $0x80, s19, s12, $0xb8;
	[tilespmem:$0x1FC00] =	vst v63  }
0x543: {  	_ =	swait.ge [sflag:s23], $0x3000  }
0x544: {  	[sflag:s23] =	ssyncset.done $0x0  }
0x545: {  	s19 =	simm.s32 $0x14900;
	[sflag:s23] =	ssyncadd.s32 $0xFFFFD000  }
0x546: {  	[spmem:s3] =	stream.indirect.scatter.add.f32 [tilespmem:s17], [sflag:$0x6], $0x80, s19, s12, $0xb8;
	[tilespmem:$0x1FC00] =	vst v63  }
0x547: {  	_ =	swait.ge [sflag:s5], $0x3000  }
0x548: {  	[sflag:s5] =	ssyncset.done $0x0  }
0x549: {  	s19 =	simm.s32 $0x13E80;
	[sflag:s5] =	ssyncadd.s32 $0xFFFFD000  }
0x54a: {  	[tilespmem:s17], [sflag:$0x3] =	stream.indirect.gather [hbm4b:s1+s12], $0x80, s19, s12, $0xb8;
	[tilespmem:$0x1FC00] =	vst v63  }
0x54b: {  	_ =	swait.ge [sflag:s18], $0x3000  }
0x54c: {  	[sflag:s18] =	ssyncset.done $0x0  }
0x54d: {  	s19 =	simm.s32 $0x14980;
	[sflag:s18] =	ssyncadd.s32 $0xFFFFD000  }
0x54e: {  	[spmem:s3] =	stream.indirect.scatter.add.f32 [tilespmem:s13], [sflag:$0x6], $0x80, s19, s12, $0xb8;
	[tilespmem:$0x1FC00] =	vst v63  }
0x54f: {  	_ =	swait.ge [sflag:s5], $0x3000  }
0x550: {  	[sflag:s5] =	ssyncset.done $0x0  }
0x551: {  	s19 =	simm.s32 $0x13F00;
	[sflag:s5] =	ssyncadd.s32 $0xFFFFD000  }
0x552: {  	[tilespmem:s13], [sflag:$0x1] =	stream.indirect.gather [hbm4b:s1+s12], $0x80, s19, s12, $0xb8;
	[tilespmem:$0x1FC00] =	vst v63  }
0x553: {  	_ =	swait.ge [sflag:s20], $0x3000  }
0x554: {  	[sflag:s20] =	ssyncset.done $0x0  }
0x555: {  	s19 =	simm.s32 $0x14A00;
	[sflag:s20] =	ssyncadd.s32 $0xFFFFD000  }
0x556: {  	[spmem:s3] =	stream.indirect.scatter.add.f32 [tilespmem:s15], [sflag:$0x6], $0x80, s19, s12, $0xb8;
	[tilespmem:$0x1FC00] =	vst v63  }
0x557: {  	_ =	swait.ge [sflag:s5], $0x3000  }
0x558: {  	[sflag:s5] =	ssyncset.done $0x0  }
0x559: {  	s19 =	simm.s32 $0x13F80;
	[sflag:s5] =	ssyncadd.s32 $0xFFFFD000  }
0x55a: {  	[tilespmem:s15], [sflag:$0x2] =	stream.indirect.gather [hbm4b:s1+s12], $0x80, s19, s12, $0xb8;
	[tilespmem:$0x1FC00] =	vst v63  }
0x55b: {  	_ =	swait.ge [sflag:s23], $0x3000  }
0x55c: {  	[sflag:s23] =	ssyncset.done $0x0  }
0x55d: {  	s19 =	simm.s32 $0x14A80;
	[sflag:s23] =	ssyncadd.s32 $0xFFFFD000  }
0x55e: {  	[spmem:s3] =	stream.indirect.scatter.add.f32 [tilespmem:s17], [sflag:$0x6], $0x80, s19, s12, $0xb8;
	[tilespmem:$0x1FC00] =	vst v63  }
0x55f: {  	_ =	swait.ge [sflag:s5], $0x3000  }
0x560: {  	[sflag:s5] =	ssyncset.done $0x0  }
0x561: {  	s19 =	simm.s32 $0x14000;
	[sflag:s5] =	ssyncadd.s32 $0xFFFFD000  }
0x562: {  	[tilespmem:s17], [sflag:$0x3] =	stream.indirect.gather [hbm4b:s1+s12], $0x80, s19, s12, $0xb8;
	[tilespmem:$0x1FC00] =	vst v63  }
0x563: {  	_ =	swait.ge [sflag:s18], $0x3000  }
0x564: {  	[sflag:s18] =	ssyncset.done $0x0  }
0x565: {  	s19 =	simm.s32 $0x14B00;
	[sflag:s18] =	ssyncadd.s32 $0xFFFFD000  }
0x566: {  	[spmem:s3] =	stream.indirect.scatter.add.f32 [tilespmem:s13], [sflag:$0x6], $0x80, s19, s12, $0xb8;
	[tilespmem:$0x1FC00] =	vst v63  }
0x567: {  	_ =	swait.ge [sflag:s5], $0x3000  }
0x568: {  	[sflag:s5] =	ssyncset.done $0x0  }
0x569: {  	s19 =	simm.s32 $0x14080;
	[sflag:s5] =	ssyncadd.s32 $0xFFFFD000  }
0x56a: {  	[tilespmem:s13], [sflag:$0x1] =	stream.indirect.gather [hbm4b:s1+s12], $0x80, s19, s12, $0xb8;
	[tilespmem:$0x1FC00] =	vst v63  }
0x56b: {  	_ =	swait.ge [sflag:s20], $0x3000  }
0x56c: {  	[sflag:s20] =	ssyncset.done $0x0  }
0x56d: {  	s19 =	simm.s32 $0x14B80;
	[sflag:s20] =	ssyncadd.s32 $0xFFFFD000  }
0x56e: {  	[spmem:s3] =	stream.indirect.scatter.add.f32 [tilespmem:s15], [sflag:$0x6], $0x80, s19, s12, $0xb8;
	[tilespmem:$0x1FC00] =	vst v63  }
0x56f: {  	_ =	swait.ge [sflag:s5], $0x3000  }
0x570: {  	[sflag:s5] =	ssyncset.done $0x0  }
0x571: {  	s19 =	simm.s32 $0x14100;
	[sflag:s5] =	ssyncadd.s32 $0xFFFFD000  }
0x572: {  	[tilespmem:s15], [sflag:$0x2] =	stream.indirect.gather [hbm4b:s1+s12], $0x80, s19, s12, $0xb8;
	[tilespmem:$0x1FC00] =	vst v63  }
0x573: {  	_ =	swait.ge [sflag:s23], $0x3000  }
0x574: {  	[sflag:s23] =	ssyncset.done $0x0  }
0x575: {  	s19 =	simm.s32 $0x14C00;
	[sflag:s23] =	ssyncadd.s32 $0xFFFFD000  }
0x576: {  	[spmem:s3] =	stream.indirect.scatter.add.f32 [tilespmem:s17], [sflag:$0x6], $0x80, s19, s12, $0xb8;
	[tilespmem:$0x1FC00] =	vst v63  }
0x577: {  	_ =	swait.ge [sflag:s5], $0x3000  }
0x578: {  	[sflag:s5] =	ssyncset.done $0x0  }
0x579: {  	s19 =	simm.s32 $0x14180;
	[sflag:s5] =	ssyncadd.s32 $0xFFFFD000  }
0x57a: {  	[tilespmem:s17], [sflag:$0x3] =	stream.indirect.gather [hbm4b:s1+s12], $0x80, s19, s12, $0xb8;
	[tilespmem:$0x1FC00] =	vst v63  }
0x57b: {  	_ =	swait.ge [sflag:s18], $0x3000  }
0x57c: {  	[sflag:s18] =	ssyncset.done $0x0  }
0x57d: {  	s19 =	simm.s32 $0x14C80;
	[sflag:s18] =	ssyncadd.s32 $0xFFFFD000  }
0x57e: {  	[spmem:s3] =	stream.indirect.scatter.add.f32 [tilespmem:s13], [sflag:$0x6], $0x80, s19, s12, $0xb8;
	[tilespmem:$0x1FC00] =	vst v63  }
0x57f: {  	_ =	swait.ge [sflag:s5], $0x3000  }
0x580: {  	[sflag:s5] =	ssyncset.done $0x0  }
0x581: {  	s19 =	simm.s32 $0x14200;
	[sflag:s5] =	ssyncadd.s32 $0xFFFFD000  }
0x582: {  	[tilespmem:s13], [sflag:$0x1] =	stream.indirect.gather [hbm4b:s1+s12], $0x80, s19, s12, $0xb8;
	[tilespmem:$0x1FC00] =	vst v63  }
0x583: {  	_ =	swait.ge [sflag:s20], $0x3000  }
0x584: {  	[sflag:s20] =	ssyncset.done $0x0  }
0x585: {  	s19 =	simm.s32 $0x14D00;
	[sflag:s20] =	ssyncadd.s32 $0xFFFFD000  }
0x586: {  	[spmem:s3] =	stream.indirect.scatter.add.f32 [tilespmem:s15], [sflag:$0x6], $0x80, s19, s12, $0xb8;
	[tilespmem:$0x1FC00] =	vst v63  }
0x587: {  	_ =	swait.ge [sflag:s5], $0x3000  }
0x588: {  	[sflag:s5] =	ssyncset.done $0x0  }
0x589: {  	s19 =	simm.s32 $0x14280;
	[sflag:s5] =	ssyncadd.s32 $0xFFFFD000  }
0x58a: {  	[tilespmem:s15], [sflag:$0x2] =	stream.indirect.gather [hbm4b:s1+s12], $0x80, s19, s12, $0xb8;
	[tilespmem:$0x1FC00] =	vst v63  }
0x58b: {  	_ =	swait.ge [sflag:s23], $0x3000  }
0x58c: {  	[sflag:s23] =	ssyncset.done $0x0  }
0x58d: {  	s19 =	simm.s32 $0x14D80;
	[sflag:s23] =	ssyncadd.s32 $0xFFFFD000  }
0x58e: {  	[spmem:s3] =	stream.indirect.scatter.add.f32 [tilespmem:s17], [sflag:$0x6], $0x80, s19, s12, $0xb8;
	[tilespmem:$0x1FC00] =	vst v63  }
0x58f: {  	_ =	swait.ge [sflag:s5], $0x3000  }
0x590: {  	[sflag:s5] =	ssyncset.done $0x0  }
0x591: {  	s19 =	simm.s32 $0x14300;
	[sflag:s5] =	ssyncadd.s32 $0xFFFFD000  }
0x592: {  	[tilespmem:s17], [sflag:$0x3] =	stream.indirect.gather [hbm4b:s1+s12], $0x80, s19, s12, $0xb8;
	[tilespmem:$0x1FC00] =	vst v63  }
0x593: {  	_ =	swait.ge [sflag:s18], $0x3000  }
0x594: {  	[sflag:s18] =	ssyncset.done $0x0  }
0x595: {  	s19 =	simm.s32 $0x14E00;
	[sflag:s18] =	ssyncadd.s32 $0xFFFFD000  }
0x596: {  	[spmem:s3] =	stream.indirect.scatter.add.f32 [tilespmem:s13], [sflag:$0x6], $0x80, s19, s12, $0xb8;
	[tilespmem:$0x1FC00] =	vst v63  }
0x597: {  	_ =	swait.ge [sflag:s5], $0x3000  }
0x598: {  	[sflag:s5] =	ssyncset.done $0x0  }
0x599: {  	s19 =	simm.s32 $0x14380;
	[sflag:s5] =	ssyncadd.s32 $0xFFFFD000  }
0x59a: {  	[tilespmem:s13], [sflag:$0x1] =	stream.indirect.gather [hbm4b:s1+s12], $0x80, s19, s12, $0xb8;
	[tilespmem:$0x1FC00] =	vst v63  }
0x59b: {  	_ =	swait.ge [sflag:s20], $0x3000  }
0x59c: {  	[sflag:s20] =	ssyncset.done $0x0  }
0x59d: {  	s19 =	simm.s32 $0x14E80;
	[sflag:s20] =	ssyncadd.s32 $0xFFFFD000  }
0x59e: {  	[spmem:s3] =	stream.indirect.scatter.add.f32 [tilespmem:s15], [sflag:$0x6], $0x80, s19, s12, $0xb8;
	[tilespmem:$0x1FC00] =	vst v63  }
0x59f: {  	_ =	swait.ge [sflag:s5], $0x3000  }
0x5a0: {  	[sflag:s5] =	ssyncset.done $0x0  }
0x5a1: {  	s19 =	simm.s32 $0x14400;
	[sflag:s5] =	ssyncadd.s32 $0xFFFFD000  }
0x5a2: {  	[tilespmem:s15], [sflag:$0x2] =	stream.indirect.gather [hbm4b:s1+s12], $0x80, s19, s12, $0xb8;
	[tilespmem:$0x1FC00] =	vst v63  }
0x5a3: {  	_ =	swait.ge [sflag:s23], $0x3000  }
0x5a4: {  	[sflag:s23] =	ssyncset.done $0x0  }
0x5a5: {  	s19 =	simm.s32 $0x14F00;
	[sflag:s23] =	ssyncadd.s32 $0xFFFFD000  }
0x5a6: {  	[spmem:s3] =	stream.indirect.scatter.add.f32 [tilespmem:s17], [sflag:$0x6], $0x80, s19, s12, $0xb8;
	[tilespmem:$0x1FC00] =	vst v63  }
0x5a7: {  	_ =	swait.ge [sflag:s5], $0x3000  }
0x5a8: {  	[sflag:s5] =	ssyncset.done $0x0  }
0x5a9: {  	s19 =	simm.s32 $0x14480;
	[sflag:s5] =	ssyncadd.s32 $0xFFFFD000  }
0x5aa: {  	[tilespmem:s17], [sflag:$0x3] =	stream.indirect.gather [hbm4b:s1+s12], $0x80, s19, s12, $0xb8;
	[tilespmem:$0x1FC00] =	vst v63  }
0x5ab: {  	_ =	swait.ge [sflag:s18], $0x3000  }
0x5ac: {  	[sflag:s18] =	ssyncset.done $0x0  }
0x5ad: {  	s19 =	simm.s32 $0x14F80;
	[sflag:s18] =	ssyncadd.s32 $0xFFFFD000  }
0x5ae: {  	[spmem:s3] =	stream.indirect.scatter.add.f32 [tilespmem:s13], [sflag:$0x6], $0x80, s19, s12, $0xb8;
	[tilespmem:$0x1FC00] =	vst v63  }
0x5af: {  	_ =	swait.ge [sflag:s5], $0x3000  }
0x5b0: {  	[sflag:s5] =	ssyncset.done $0x0  }
0x5b1: {  	s19 =	simm.s32 $0x14500;
	[sflag:s5] =	ssyncadd.s32 $0xFFFFD000  }
0x5b2: {  	[tilespmem:s13], [sflag:$0x1] =	stream.indirect.gather [hbm4b:s1+s12], $0x80, s19, s12, $0xb8;
	[tilespmem:$0x1FC00] =	vst v63  }
0x5b3: {  	_ =	swait.ge [sflag:s20], $0x3000  }
0x5b4: {  	[sflag:s20] =	ssyncset.done $0x0  }
0x5b5: {  	s19 =	simm.s32 $0x15000;
	[sflag:s20] =	ssyncadd.s32 $0xFFFFD000  }
0x5b6: {  	[spmem:s3] =	stream.indirect.scatter.add.f32 [tilespmem:s15], [sflag:$0x6], $0x80, s19, s12, $0xb8;
	[tilespmem:$0x1FC00] =	vst v63  }
0x5b7: {  	_ =	swait.ge [sflag:s5], $0x3000  }
0x5b8: {  	[sflag:s5] =	ssyncset.done $0x0  }
0x5b9: {  	s19 =	simm.s32 $0x14580;
	[sflag:s5] =	ssyncadd.s32 $0xFFFFD000  }
0x5ba: {  	[tilespmem:s15], [sflag:$0x2] =	stream.indirect.gather [hbm4b:s1+s12], $0x80, s19, s12, $0xb8;
	[tilespmem:$0x1FC00] =	vst v63  }
0x5bb: {  	_ =	swait.ge [sflag:s23], $0x3000  }
0x5bc: {  	[sflag:s23] =	ssyncset.done $0x0  }
0x5bd: {  	s19 =	simm.s32 $0x15080;
	[sflag:s23] =	ssyncadd.s32 $0xFFFFD000  }
0x5be: {  	[spmem:s3] =	stream.indirect.scatter.add.f32 [tilespmem:s17], [sflag:$0x6], $0x80, s19, s12, $0xb8;
	[tilespmem:$0x1FC00] =	vst v63  }
0x5bf: {  	_ =	swait.ge [sflag:s5], $0x3000  }
0x5c0: {  	[sflag:s5] =	ssyncset.done $0x0  }
0x5c1: {  	s19 =	simm.s32 $0x14600;
	[sflag:s5] =	ssyncadd.s32 $0xFFFFD000  }
0x5c2: {  	[tilespmem:s17], [sflag:$0x3] =	stream.indirect.gather [hbm4b:s1+s12], $0x80, s19, s12, $0xb8;
	[tilespmem:$0x1FC00] =	vst v63  }
0x5c3: {  	_ =	swait.ge [sflag:s18], $0x3000  }
0x5c4: {  	[sflag:s18] =	ssyncset.done $0x0  }
0x5c5: {  	s19 =	simm.s32 $0x15100;
	[sflag:s18] =	ssyncadd.s32 $0xFFFFD000  }
0x5c6: {  	[spmem:s3] =	stream.indirect.scatter.add.f32 [tilespmem:s13], [sflag:$0x6], $0x80, s19, s12, $0xb8;
	[tilespmem:$0x1FC00] =	vst v63  }
0x5c7: {  	_ =	swait.ge [sflag:s5], $0x3000  }
0x5c8: {  	[sflag:s5] =	ssyncset.done $0x0  }
0x5c9: {  	[sflag:s5] =	ssyncadd.s32 $0xFFFFD000  }
0x5ca: {  	_ =	swait.ge [sflag:s20], $0x3000  }
0x5cb: {  	[sflag:s20] =	ssyncset.done $0x0  }
0x5cc: {  	s19 =	simm.s32 $0x15180;
	[sflag:s20] =	ssyncadd.s32 $0xFFFFD000  }
0x5cd: {  	[spmem:s3] =	stream.indirect.scatter.add.f32 [tilespmem:s15], [sflag:$0x6], $0x80, s19, s12, $0xb8;
	[tilespmem:$0x1FC00] =	vst v63  }
0x5ce: {  	_ =	swait.ge [sflag:s5], $0x3000  }
0x5cf: {  	[sflag:s5] =	ssyncset.done $0x0  }
0x5d0: {  	[sflag:s5] =	ssyncadd.s32 $0xFFFFD000  }
0x5d1: {  	_ =	swait.ge [sflag:s23], $0x3000  }
0x5d2: {  	[sflag:s23] =	ssyncset.done $0x0  }
0x5d3: {  	s19 =	simm.s32 $0x15200;
	[sflag:s23] =	ssyncadd.s32 $0xFFFFD000  }
0x5d4: {  	[spmem:s3] =	stream.indirect.scatter.add.f32 [tilespmem:s17], [sflag:$0x6], $0x80, s19, s12, $0xb8;
	[tilespmem:$0x1FC00] =	vst v63  }
0x5d5: {  	_ =	swait.ge [sflag:s5], $0x3000  }
0x5d6: {  	[sflag:s5] =	ssyncset.done $0x0  }
0x5d7: {  	[sflag:s5] =	ssyncadd.s32 $0xFFFFD000  }
0x5d8: {  	_ =	swait.ge [sflag:s8], $0xA80  }
0x5d9: {  	[sflag:s8] =	ssyncset.done $0x0  }
0x5da: {  	[sflag:s8] =	ssyncadd.s32 $0xFFFFF580  }
0x5db: {  	_ =	swait.ge [sflag:s0], $0xA80  }
0x5dc: {  	[sflag:s0] =	ssyncset.done $0x0  }
0x5dd: {  	s16 =	rddreg [dreg:$0xf];
	[sflag:s0] =	ssyncadd.s32 $0xFFFFF580  }
0x5de: {  	[tilespmem:s7], [sflag:$0x4] =	stream.linear.gather [hbm4b:s16+s2], $0xA80, $0x38;
	[tilespmem:$0x1FC00] =	vst v63  }
0x5df: {  	s19 =	rddreg [dreg:$0x10]  }
0x5e0: {  	[tilespmem:s4], [sflag:$0x5] =	stream.linear.gather [hbm4b:s19+s2], $0xA80, $0x38;
	[tilespmem:$0x1FC00] =	vst v63  }
0x5e1: {  	_ = 	snop  }
0x5e2: {  	[tilespmem:s13], [sflag:$0x1] =	stream.indirect.gather [hbm4b:s1+s12], $0x80, s11, s12, $0xb8;
	[tilespmem:$0x1FC00] =	vst v63  }
0x5e3: {  	s16 =	simm.s32 $0x15480  }
0x5e4: {  	[tilespmem:s15], [sflag:$0x2] =	stream.indirect.gather [hbm4b:s1+s12], $0x80, s16, s12, $0xb8;
	[tilespmem:$0x1FC00] =	vst v63  }
0x5e5: {  	s19 =	simm.s32 $0x15500  }
0x5e6: {  	[tilespmem:s17], [sflag:$0x3] =	stream.indirect.gather [hbm4b:s1+s12], $0x80, s19, s12, $0xb8;
	[tilespmem:$0x1FC00] =	vst v63  }
0x5e7: {  	_ =	swait.ge [sflag:s18], $0x3000  }
0x5e8: {  	[sflag:s18] =	ssyncset.done $0x0  }
0x5e9: {  	[sflag:s18] =	ssyncadd.s32 $0xFFFFD000  }
0x5ea: {  	[spmem:s3] =	stream.indirect.scatter.add.f32 [tilespmem:s13], [sflag:$0x6], $0x80, s6, s12, $0xb8;
	[tilespmem:$0x1FC00] =	vst v63  }
0x5eb: {  	_ =	swait.ge [sflag:s5], $0x3000  }
0x5ec: {  	[sflag:s5] =	ssyncset.done $0x0  }
0x5ed: {  	[sflag:s5] =	ssyncadd.s32 $0xFFFFD000  }
0x5ee: {  	[tilespmem:s13], [sflag:$0x1] =	stream.indirect.gather [hbm4b:s1+s12], $0x80, s10, s12, $0xb8;
	[tilespmem:$0x1FC00] =	vst v63  }
0x5ef: {  	_ =	swait.ge [sflag:s20], $0x3000  }
0x5f0: {  	[sflag:s20] =	ssyncset.done $0x0  }
0x5f1: {  	[sflag:s20] =	ssyncadd.s32 $0xFFFFD000  }
0x5f2: {  	[spmem:s3] =	stream.indirect.scatter.add.f32 [tilespmem:s15], [sflag:$0x6], $0x80, s21, s12, $0xb8;
	[tilespmem:$0x1FC00] =	vst v63  }
0x5f3: {  	_ =	swait.ge [sflag:s5], $0x3000  }
0x5f4: {  	[sflag:s5] =	ssyncset.done $0x0  }
0x5f5: {  	[sflag:s5] =	ssyncadd.s32 $0xFFFFD000  }
0x5f6: {  	[tilespmem:s15], [sflag:$0x2] =	stream.indirect.gather [hbm4b:s1+s12], $0x80, s22, s12, $0xb8;
	[tilespmem:$0x1FC00] =	vst v63  }
0x5f7: {  	_ =	swait.ge [sflag:s23], $0x3000  }
0x5f8: {  	[sflag:s23] =	ssyncset.done $0x0  }
0x5f9: {  	[sflag:s23] =	ssyncadd.s32 $0xFFFFD000  }
0x5fa: {  	[spmem:s3] =	stream.indirect.scatter.add.f32 [tilespmem:s17], [sflag:$0x6], $0x80, s24, s12, $0xb8;
	[tilespmem:$0x1FC00] =	vst v63  }
0x5fb: {  	_ =	swait.ge [sflag:s5], $0x3000  }
0x5fc: {  	[sflag:s5] =	ssyncset.done $0x0  }
0x5fd: {  	[sflag:s5] =	ssyncadd.s32 $0xFFFFD000  }
0x5fe: {  	[tilespmem:s17], [sflag:$0x3] =	stream.indirect.gather [hbm4b:s1+s12], $0x80, s25, s12, $0xb8;
	[tilespmem:$0x1FC00] =	vst v63  }
0x5ff: {  	_ =	swait.ge [sflag:s18], $0x3000  }
0x600: {  	[sflag:s18] =	ssyncset.done $0x0  }
0x601: {  	[sflag:s18] =	ssyncadd.s32 $0xFFFFD000  }
0x602: {  	[spmem:s3] =	stream.indirect.scatter.add.f32 [tilespmem:s13], [sflag:$0x6], $0x80, s26, s12, $0xb8;
	[tilespmem:$0x1FC00] =	vst v63  }
0x603: {  	_ =	swait.ge [sflag:s5], $0x3000  }
0x604: {  	[sflag:s5] =	ssyncset.done $0x0  }
0x605: {  	[sflag:s5] =	ssyncadd.s32 $0xFFFFD000  }
0x606: {  	[tilespmem:s13], [sflag:$0x1] =	stream.indirect.gather [hbm4b:s1+s12], $0x80, s28, s12, $0xb8;
	[tilespmem:$0x1FC00] =	vst v63  }
0x607: {  	_ =	swait.ge [sflag:s20], $0x3000  }
0x608: {  	[sflag:s20] =	ssyncset.done $0x0  }
0x609: {  	[sflag:s20] =	ssyncadd.s32 $0xFFFFD000  }
0x60a: {  	[spmem:s3] =	stream.indirect.scatter.add.f32 [tilespmem:s15], [sflag:$0x6], $0x80, s29, s12, $0xb8;
	[tilespmem:$0x1FC00] =	vst v63  }
0x60b: {  	_ =	swait.ge [sflag:s5], $0x3000  }
0x60c: {  	[sflag:s5] =	ssyncset.done $0x0  }
0x60d: {  	[sflag:s5] =	ssyncadd.s32 $0xFFFFD000  }
0x60e: {  	[tilespmem:s15], [sflag:$0x2] =	stream.indirect.gather [hbm4b:s1+s12], $0x80, s30, s12, $0xb8;
	[tilespmem:$0x1FC00] =	vst v63  }
0x60f: {  	_ =	swait.ge [sflag:s23], $0x3000  }
0x610: {  	[sflag:s23] =	ssyncset.done $0x0  }
0x611: {  	[sflag:s23] =	ssyncadd.s32 $0xFFFFD000  }
0x612: {  	[spmem:s3] =	stream.indirect.scatter.add.f32 [tilespmem:s17], [sflag:$0x6], $0x80, s31, s12, $0xb8;
	[tilespmem:$0x1FC00] =	vst v63  }
0x613: {  	_ =	swait.ge [sflag:s5], $0x3000  }
0x614: {  	[sflag:s5] =	ssyncset.done $0x0  }
0x615: {  	s6 =	simm.s32 $0x15800;
	[sflag:s5] =	ssyncadd.s32 $0xFFFFD000  }
0x616: {  	[tilespmem:s17], [sflag:$0x3] =	stream.indirect.gather [hbm4b:s1+s12], $0x80, s6, s12, $0xb8;
	[tilespmem:$0x1FC00] =	vst v63  }
0x617: {  	_ =	swait.ge [sflag:s18], $0x3000  }
0x618: {  	[sflag:s18] =	ssyncset.done $0x0  }
0x619: {  	s16 =	simm.s32 $0x16300;
	[sflag:s18] =	ssyncadd.s32 $0xFFFFD000  }
0x61a: {  	[spmem:s3] =	stream.indirect.scatter.add.f32 [tilespmem:s13], [sflag:$0x6], $0x80, s16, s12, $0xb8;
	[tilespmem:$0x1FC00] =	vst v63  }
0x61b: {  	_ =	swait.ge [sflag:s5], $0x3000  }
0x61c: {  	[sflag:s5] =	ssyncset.done $0x0  }
0x61d: {  	s19 =	simm.s32 $0x15880;
	[sflag:s5] =	ssyncadd.s32 $0xFFFFD000  }
0x61e: {  	[tilespmem:s13], [sflag:$0x1] =	stream.indirect.gather [hbm4b:s1+s12], $0x80, s19, s12, $0xb8;
	[tilespmem:$0x1FC00] =	vst v63  }
0x61f: {  	_ =	swait.ge [sflag:s20], $0x3000  }
0x620: {  	[sflag:s20] =	ssyncset.done $0x0  }
0x621: {  	s6 =	simm.s32 $0x16380;
	[sflag:s20] =	ssyncadd.s32 $0xFFFFD000  }
0x622: {  	[spmem:s3] =	stream.indirect.scatter.add.f32 [tilespmem:s15], [sflag:$0x6], $0x80, s6, s12, $0xb8;
	[tilespmem:$0x1FC00] =	vst v63  }
0x623: {  	_ =	swait.ge [sflag:s5], $0x3000  }
0x624: {  	[sflag:s5] =	ssyncset.done $0x0  }
0x625: {  	s16 =	simm.s32 $0x15900;
	[sflag:s5] =	ssyncadd.s32 $0xFFFFD000  }
0x626: {  	[tilespmem:s15], [sflag:$0x2] =	stream.indirect.gather [hbm4b:s1+s12], $0x80, s16, s12, $0xb8;
	[tilespmem:$0x1FC00] =	vst v63  }
0x627: {  	_ =	swait.ge [sflag:s23], $0x3000  }
0x628: {  	[sflag:s23] =	ssyncset.done $0x0  }
0x629: {  	s19 =	simm.s32 $0x16400;
	[sflag:s23] =	ssyncadd.s32 $0xFFFFD000  }
0x62a: {  	[spmem:s3] =	stream.indirect.scatter.add.f32 [tilespmem:s17], [sflag:$0x6], $0x80, s19, s12, $0xb8;
	[tilespmem:$0x1FC00] =	vst v63  }
0x62b: {  	_ =	swait.ge [sflag:s5], $0x3000  }
0x62c: {  	[sflag:s5] =	ssyncset.done $0x0  }
0x62d: {  	s6 =	simm.s32 $0x15980;
	[sflag:s5] =	ssyncadd.s32 $0xFFFFD000  }
0x62e: {  	[tilespmem:s17], [sflag:$0x3] =	stream.indirect.gather [hbm4b:s1+s12], $0x80, s6, s12, $0xb8;
	[tilespmem:$0x1FC00] =	vst v63  }
0x62f: {  	_ =	swait.ge [sflag:s18], $0x3000  }
0x630: {  	[sflag:s18] =	ssyncset.done $0x0  }
0x631: {  	s16 =	simm.s32 $0x16480;
	[sflag:s18] =	ssyncadd.s32 $0xFFFFD000  }
0x632: {  	[spmem:s3] =	stream.indirect.scatter.add.f32 [tilespmem:s13], [sflag:$0x6], $0x80, s16, s12, $0xb8;
	[tilespmem:$0x1FC00] =	vst v63  }
0x633: {  	_ =	swait.ge [sflag:s5], $0x3000  }
0x634: {  	[sflag:s5] =	ssyncset.done $0x0  }
0x635: {  	s19 =	simm.s32 $0x15A00;
	[sflag:s5] =	ssyncadd.s32 $0xFFFFD000  }
0x636: {  	[tilespmem:s13], [sflag:$0x1] =	stream.indirect.gather [hbm4b:s1+s12], $0x80, s19, s12, $0xb8;
	[tilespmem:$0x1FC00] =	vst v63  }
0x637: {  	_ =	swait.ge [sflag:s20], $0x3000  }
0x638: {  	[sflag:s20] =	ssyncset.done $0x0  }
0x639: {  	s6 =	simm.s32 $0x16500;
	[sflag:s20] =	ssyncadd.s32 $0xFFFFD000  }
0x63a: {  	[spmem:s3] =	stream.indirect.scatter.add.f32 [tilespmem:s15], [sflag:$0x6], $0x80, s6, s12, $0xb8;
	[tilespmem:$0x1FC00] =	vst v63  }
0x63b: {  	_ =	swait.ge [sflag:s5], $0x3000  }
0x63c: {  	[sflag:s5] =	ssyncset.done $0x0  }
0x63d: {  	s16 =	simm.s32 $0x15A80;
	[sflag:s5] =	ssyncadd.s32 $0xFFFFD000  }
0x63e: {  	[tilespmem:s15], [sflag:$0x2] =	stream.indirect.gather [hbm4b:s1+s12], $0x80, s16, s12, $0xb8;
	[tilespmem:$0x1FC00] =	vst v63  }
0x63f: {  	_ =	swait.ge [sflag:s23], $0x3000  }
0x640: {  	[sflag:s23] =	ssyncset.done $0x0  }
0x641: {  	s19 =	simm.s32 $0x16580;
	[sflag:s23] =	ssyncadd.s32 $0xFFFFD000  }
0x642: {  	[spmem:s3] =	stream.indirect.scatter.add.f32 [tilespmem:s17], [sflag:$0x6], $0x80, s19, s12, $0xb8;
	[tilespmem:$0x1FC00] =	vst v63  }
0x643: {  	_ =	swait.ge [sflag:s5], $0x3000  }
0x644: {  	[sflag:s5] =	ssyncset.done $0x0  }
0x645: {  	s6 =	simm.s32 $0x15B00;
	[sflag:s5] =	ssyncadd.s32 $0xFFFFD000  }
0x646: {  	[tilespmem:s17], [sflag:$0x3] =	stream.indirect.gather [hbm4b:s1+s12], $0x80, s6, s12, $0xb8;
	[tilespmem:$0x1FC00] =	vst v63  }
0x647: {  	_ =	swait.ge [sflag:s18], $0x3000  }
0x648: {  	[sflag:s18] =	ssyncset.done $0x0  }
0x649: {  	s16 =	simm.s32 $0x16600;
	[sflag:s18] =	ssyncadd.s32 $0xFFFFD000  }
0x64a: {  	[spmem:s3] =	stream.indirect.scatter.add.f32 [tilespmem:s13], [sflag:$0x6], $0x80, s16, s12, $0xb8;
	[tilespmem:$0x1FC00] =	vst v63  }
0x64b: {  	_ =	swait.ge [sflag:s5], $0x3000  }
0x64c: {  	[sflag:s5] =	ssyncset.done $0x0  }
0x64d: {  	s19 =	simm.s32 $0x15B80;
	[sflag:s5] =	ssyncadd.s32 $0xFFFFD000  }
0x64e: {  	[tilespmem:s13], [sflag:$0x1] =	stream.indirect.gather [hbm4b:s1+s12], $0x80, s19, s12, $0xb8;
	[tilespmem:$0x1FC00] =	vst v63  }
0x64f: {  	_ =	swait.ge [sflag:s20], $0x3000  }
0x650: {  	[sflag:s20] =	ssyncset.done $0x0  }
0x651: {  	s6 =	simm.s32 $0x16680;
	[sflag:s20] =	ssyncadd.s32 $0xFFFFD000  }
0x652: {  	[spmem:s3] =	stream.indirect.scatter.add.f32 [tilespmem:s15], [sflag:$0x6], $0x80, s6, s12, $0xb8;
	[tilespmem:$0x1FC00] =	vst v63  }
0x653: {  	_ =	swait.ge [sflag:s5], $0x3000  }
0x654: {  	[sflag:s5] =	ssyncset.done $0x0  }
0x655: {  	s16 =	simm.s32 $0x15C00;
	[sflag:s5] =	ssyncadd.s32 $0xFFFFD000  }
0x656: {  	[tilespmem:s15], [sflag:$0x2] =	stream.indirect.gather [hbm4b:s1+s12], $0x80, s16, s12, $0xb8;
	[tilespmem:$0x1FC00] =	vst v63  }
0x657: {  	_ =	swait.ge [sflag:s23], $0x3000  }
0x658: {  	[sflag:s23] =	ssyncset.done $0x0  }
0x659: {  	s19 =	simm.s32 $0x16700;
	[sflag:s23] =	ssyncadd.s32 $0xFFFFD000  }
0x65a: {  	[spmem:s3] =	stream.indirect.scatter.add.f32 [tilespmem:s17], [sflag:$0x6], $0x80, s19, s12, $0xb8;
	[tilespmem:$0x1FC00] =	vst v63  }
0x65b: {  	_ =	swait.ge [sflag:s5], $0x3000  }
0x65c: {  	[sflag:s5] =	ssyncset.done $0x0  }
0x65d: {  	s6 =	simm.s32 $0x15C80;
	[sflag:s5] =	ssyncadd.s32 $0xFFFFD000  }
0x65e: {  	[tilespmem:s17], [sflag:$0x3] =	stream.indirect.gather [hbm4b:s1+s12], $0x80, s6, s12, $0xb8;
	[tilespmem:$0x1FC00] =	vst v63  }
0x65f: {  	_ =	swait.ge [sflag:s18], $0x3000  }
0x660: {  	[sflag:s18] =	ssyncset.done $0x0  }
0x661: {  	s16 =	simm.s32 $0x16780;
	[sflag:s18] =	ssyncadd.s32 $0xFFFFD000  }
0x662: {  	[spmem:s3] =	stream.indirect.scatter.add.f32 [tilespmem:s13], [sflag:$0x6], $0x80, s16, s12, $0xb8;
	[tilespmem:$0x1FC00] =	vst v63  }
0x663: {  	_ =	swait.ge [sflag:s5], $0x3000  }
0x664: {  	[sflag:s5] =	ssyncset.done $0x0  }
0x665: {  	s19 =	simm.s32 $0x15D00;
	[sflag:s5] =	ssyncadd.s32 $0xFFFFD000  }
0x666: {  	[tilespmem:s13], [sflag:$0x1] =	stream.indirect.gather [hbm4b:s1+s12], $0x80, s19, s12, $0xb8;
	[tilespmem:$0x1FC00] =	vst v63  }
0x667: {  	_ =	swait.ge [sflag:s20], $0x3000  }
0x668: {  	[sflag:s20] =	ssyncset.done $0x0  }
0x669: {  	s6 =	simm.s32 $0x16800;
	[sflag:s20] =	ssyncadd.s32 $0xFFFFD000  }
0x66a: {  	[spmem:s3] =	stream.indirect.scatter.add.f32 [tilespmem:s15], [sflag:$0x6], $0x80, s6, s12, $0xb8;
	[tilespmem:$0x1FC00] =	vst v63  }
0x66b: {  	_ =	swait.ge [sflag:s5], $0x3000  }
0x66c: {  	[sflag:s5] =	ssyncset.done $0x0  }
0x66d: {  	s16 =	simm.s32 $0x15D80;
	[sflag:s5] =	ssyncadd.s32 $0xFFFFD000  }
0x66e: {  	[tilespmem:s15], [sflag:$0x2] =	stream.indirect.gather [hbm4b:s1+s12], $0x80, s16, s12, $0xb8;
	[tilespmem:$0x1FC00] =	vst v63  }
0x66f: {  	_ =	swait.ge [sflag:s23], $0x3000  }
0x670: {  	[sflag:s23] =	ssyncset.done $0x0  }
0x671: {  	s19 =	simm.s32 $0x16880;
	[sflag:s23] =	ssyncadd.s32 $0xFFFFD000  }
0x672: {  	[spmem:s3] =	stream.indirect.scatter.add.f32 [tilespmem:s17], [sflag:$0x6], $0x80, s19, s12, $0xb8;
	[tilespmem:$0x1FC00] =	vst v63  }
0x673: {  	_ =	swait.ge [sflag:s5], $0x3000  }
0x674: {  	[sflag:s5] =	ssyncset.done $0x0  }
0x675: {  	s6 =	simm.s32 $0x15E00;
	[sflag:s5] =	ssyncadd.s32 $0xFFFFD000  }
0x676: {  	[tilespmem:s17], [sflag:$0x3] =	stream.indirect.gather [hbm4b:s1+s12], $0x80, s6, s12, $0xb8;
	[tilespmem:$0x1FC00] =	vst v63  }
0x677: {  	_ =	swait.ge [sflag:s18], $0x3000  }
0x678: {  	[sflag:s18] =	ssyncset.done $0x0  }
0x679: {  	s16 =	simm.s32 $0x16900;
	[sflag:s18] =	ssyncadd.s32 $0xFFFFD000  }
0x67a: {  	[spmem:s3] =	stream.indirect.scatter.add.f32 [tilespmem:s13], [sflag:$0x6], $0x80, s16, s12, $0xb8;
	[tilespmem:$0x1FC00] =	vst v63  }
0x67b: {  	_ =	swait.ge [sflag:s5], $0x3000  }
0x67c: {  	[sflag:s5] =	ssyncset.done $0x0  }
0x67d: {  	[sflag:s5] =	ssyncadd.s32 $0xFFFFD000  }
0x67e: {  	_ =	swait.ge [sflag:s20], $0x3000  }
0x67f: {  	[sflag:s20] =	ssyncset.done $0x0  }
0x680: {  	s19 =	simm.s32 $0x16980;
	[sflag:s20] =	ssyncadd.s32 $0xFFFFD000  }
0x681: {  	[spmem:s3] =	stream.indirect.scatter.add.f32 [tilespmem:s15], [sflag:$0x6], $0x80, s19, s12, $0xb8;
	[tilespmem:$0x1FC00] =	vst v63  }
0x682: {  	_ =	swait.ge [sflag:s5], $0x3000  }
0x683: {  	[sflag:s5] =	ssyncset.done $0x0  }
0x684: {  	[sflag:s5] =	ssyncadd.s32 $0xFFFFD000  }
0x685: {  	_ =	swait.ge [sflag:s23], $0x3000  }
0x686: {  	[sflag:s23] =	ssyncset.done $0x0  }
0x687: {  	s6 =	simm.s32 $0x16A00;
	[sflag:s23] =	ssyncadd.s32 $0xFFFFD000  }
0x688: {  	[spmem:s3] =	stream.indirect.scatter.add.f32 [tilespmem:s17], [sflag:$0x6], $0x80, s6, s12, $0xb8;
	[tilespmem:$0x1FC00] =	vst v63  }
0x689: {  	_ =	swait.ge [sflag:s5], $0x3000  }
0x68a: {  	[sflag:s5] =	ssyncset.done $0x0  }
0x68b: {  	[sflag:s5] =	ssyncadd.s32 $0xFFFFD000  }
0x68c: {  	_ =	swait.ge [sflag:s8], $0xA80  }
0x68d: {  	[sflag:s8] =	ssyncset.done $0x0  }
0x68e: {  	[sflag:s8] =	ssyncadd.s32 $0xFFFFF580  }
0x68f: {  	_ =	swait.ge [sflag:s0], $0xA80  }
0x690: {  	[sflag:s0] =	ssyncset.done $0x0  }
0x691: {  	[sflag:s0] =	ssyncadd.s32 $0xFFFFF580  }
0x692: {  	[tilespmem:s13], [sflag:$0x1] =	stream.indirect.gather [hbm4b:s1+s12], $0x80, s7, s12, $0xb8;
	[tilespmem:$0x1FC00] =	vst v63  }
0x693: {  	_ = 	snop  }
0x694: {  	[tilespmem:s15], [sflag:$0x2] =	stream.indirect.gather [hbm4b:s1+s12], $0x80, s9, s12, $0xb8;
	[tilespmem:$0x1FC00] =	vst v63  }
0x695: {  	s9 =	simm.s32 $0x13D00  }
0x696: {  	[tilespmem:s17], [sflag:$0x3] =	stream.indirect.gather [hbm4b:s1+s12], $0x80, s9, s12, $0xb8;
	[tilespmem:$0x1FC00] =	vst v63  }
0x697: {  	_ =	swait.ge [sflag:s18], $0x3000  }
0x698: {  	[sflag:s18] =	ssyncset.done $0x0  }
0x699: {  	[sflag:s18] =	ssyncadd.s32 $0xFFFFD000  }
0x69a: {  	[spmem:s3] =	stream.indirect.scatter.add.f32 [tilespmem:s13], [sflag:$0x6], $0x80, s4, s12, $0xb8;
	[tilespmem:$0x1FC00] =	vst v63  }
0x69b: {  	_ =	swait.ge [sflag:s5], $0x3000  }
0x69c: {  	[sflag:s5] =	ssyncset.done $0x0  }
0x69d: {  	s16 =	simm.s32 $0x13D80;
	[sflag:s5] =	ssyncadd.s32 $0xFFFFD000  }
0x69e: {  	[tilespmem:s13], [sflag:$0x1] =	stream.indirect.gather [hbm4b:s1+s12], $0x80, s16, s12, $0xb8;
	[tilespmem:$0x1FC00] =	vst v63  }
0x69f: {  	_ =	swait.ge [sflag:s20], $0x3000  }
0x6a0: {  	[sflag:s20] =	ssyncset.done $0x0  }
0x6a1: {  	s19 =	simm.s32 $0x14880;
	[sflag:s20] =	ssyncadd.s32 $0xFFFFD000  }
0x6a2: {  	[spmem:s3] =	stream.indirect.scatter.add.f32 [tilespmem:s15], [sflag:$0x6], $0x80, s19, s12, $0xb8;
	[tilespmem:$0x1FC00] =	vst v63  }
0x6a3: {  	_ =	swait.ge [sflag:s5], $0x3000  }
0x6a4: {  	[sflag:s5] =	ssyncset.done $0x0  }
0x6a5: {  	s4 =	simm.s32 $0x13E00;
	[sflag:s5] =	ssyncadd.s32 $0xFFFFD000  }
0x6a6: {  	[tilespmem:s15], [sflag:$0x2] =	stream.indirect.gather [hbm4b:s1+s12], $0x80, s4, s12, $0xb8;
	[tilespmem:$0x1FC00] =	vst v63  }
0x6a7: {  	_ =	swait.ge [sflag:s23], $0x3000  }
0x6a8: {  	[sflag:s23] =	ssyncset.done $0x0  }
0x6a9: {  	s6 =	simm.s32 $0x14900;
	[sflag:s23] =	ssyncadd.s32 $0xFFFFD000  }
0x6aa: {  	[spmem:s3] =	stream.indirect.scatter.add.f32 [tilespmem:s17], [sflag:$0x6], $0x80, s6, s12, $0xb8;
	[tilespmem:$0x1FC00] =	vst v63  }
0x6ab: {  	_ =	swait.ge [sflag:s5], $0x3000  }
0x6ac: {  	[sflag:s5] =	ssyncset.done $0x0  }
0x6ad: {  	s9 =	simm.s32 $0x13E80;
	[sflag:s5] =	ssyncadd.s32 $0xFFFFD000  }
0x6ae: {  	[tilespmem:s17], [sflag:$0x3] =	stream.indirect.gather [hbm4b:s1+s12], $0x80, s9, s12, $0xb8;
	[tilespmem:$0x1FC00] =	vst v63  }
0x6af: {  	_ =	swait.ge [sflag:s18], $0x3000  }
0x6b0: {  	[sflag:s18] =	ssyncset.done $0x0  }
0x6b1: {  	s16 =	simm.s32 $0x14980;
	[sflag:s18] =	ssyncadd.s32 $0xFFFFD000  }
0x6b2: {  	[spmem:s3] =	stream.indirect.scatter.add.f32 [tilespmem:s13], [sflag:$0x6], $0x80, s16, s12, $0xb8;
	[tilespmem:$0x1FC00] =	vst v63  }
0x6b3: {  	_ =	swait.ge [sflag:s5], $0x3000  }
0x6b4: {  	[sflag:s5] =	ssyncset.done $0x0  }
0x6b5: {  	s19 =	simm.s32 $0x13F00;
	[sflag:s5] =	ssyncadd.s32 $0xFFFFD000  }
0x6b6: {  	[tilespmem:s13], [sflag:$0x1] =	stream.indirect.gather [hbm4b:s1+s12], $0x80, s19, s12, $0xb8;
	[tilespmem:$0x1FC00] =	vst v63  }
0x6b7: {  	_ =	swait.ge [sflag:s20], $0x3000  }
0x6b8: {  	[sflag:s20] =	ssyncset.done $0x0  }
0x6b9: {  	s4 =	simm.s32 $0x14A00;
	[sflag:s20] =	ssyncadd.s32 $0xFFFFD000  }
0x6ba: {  	[spmem:s3] =	stream.indirect.scatter.add.f32 [tilespmem:s15], [sflag:$0x6], $0x80, s4, s12, $0xb8;
	[tilespmem:$0x1FC00] =	vst v63  }
0x6bb: {  	_ =	swait.ge [sflag:s5], $0x3000  }
0x6bc: {  	[sflag:s5] =	ssyncset.done $0x0  }
0x6bd: {  	s6 =	simm.s32 $0x13F80;
	[sflag:s5] =	ssyncadd.s32 $0xFFFFD000  }
0x6be: {  	[tilespmem:s15], [sflag:$0x2] =	stream.indirect.gather [hbm4b:s1+s12], $0x80, s6, s12, $0xb8;
	[tilespmem:$0x1FC00] =	vst v63  }
0x6bf: {  	_ =	swait.ge [sflag:s23], $0x3000  }
0x6c0: {  	[sflag:s23] =	ssyncset.done $0x0  }
0x6c1: {  	s9 =	simm.s32 $0x14A80;
	[sflag:s23] =	ssyncadd.s32 $0xFFFFD000  }
0x6c2: {  	[spmem:s3] =	stream.indirect.scatter.add.f32 [tilespmem:s17], [sflag:$0x6], $0x80, s9, s12, $0xb8;
	[tilespmem:$0x1FC00] =	vst v63  }
0x6c3: {  	_ =	swait.ge [sflag:s5], $0x3000  }
0x6c4: {  	[sflag:s5] =	ssyncset.done $0x0  }
0x6c5: {  	s16 =	simm.s32 $0x14000;
	[sflag:s5] =	ssyncadd.s32 $0xFFFFD000  }
0x6c6: {  	[tilespmem:s17], [sflag:$0x3] =	stream.indirect.gather [hbm4b:s1+s12], $0x80, s16, s12, $0xb8;
	[tilespmem:$0x1FC00] =	vst v63  }
0x6c7: {  	_ =	swait.ge [sflag:s18], $0x3000  }
0x6c8: {  	[sflag:s18] =	ssyncset.done $0x0  }
0x6c9: {  	s19 =	simm.s32 $0x14B00;
	[sflag:s18] =	ssyncadd.s32 $0xFFFFD000  }
0x6ca: {  	[spmem:s3] =	stream.indirect.scatter.add.f32 [tilespmem:s13], [sflag:$0x6], $0x80, s19, s12, $0xb8;
	[tilespmem:$0x1FC00] =	vst v63  }
0x6cb: {  	_ =	swait.ge [sflag:s5], $0x3000  }
0x6cc: {  	[sflag:s5] =	ssyncset.done $0x0  }
0x6cd: {  	s4 =	simm.s32 $0x14080;
	[sflag:s5] =	ssyncadd.s32 $0xFFFFD000  }
0x6ce: {  	[tilespmem:s13], [sflag:$0x1] =	stream.indirect.gather [hbm4b:s1+s12], $0x80, s4, s12, $0xb8;
	[tilespmem:$0x1FC00] =	vst v63  }
0x6cf: {  	_ =	swait.ge [sflag:s20], $0x3000  }
0x6d0: {  	[sflag:s20] =	ssyncset.done $0x0  }
0x6d1: {  	s6 =	simm.s32 $0x14B80;
	[sflag:s20] =	ssyncadd.s32 $0xFFFFD000  }
0x6d2: {  	[spmem:s3] =	stream.indirect.scatter.add.f32 [tilespmem:s15], [sflag:$0x6], $0x80, s6, s12, $0xb8;
	[tilespmem:$0x1FC00] =	vst v63  }
0x6d3: {  	_ =	swait.ge [sflag:s5], $0x3000  }
0x6d4: {  	[sflag:s5] =	ssyncset.done $0x0  }
0x6d5: {  	s9 =	simm.s32 $0x14100;
	[sflag:s5] =	ssyncadd.s32 $0xFFFFD000  }
0x6d6: {  	[tilespmem:s15], [sflag:$0x2] =	stream.indirect.gather [hbm4b:s1+s12], $0x80, s9, s12, $0xb8;
	[tilespmem:$0x1FC00] =	vst v63  }
0x6d7: {  	_ =	swait.ge [sflag:s23], $0x3000  }
0x6d8: {  	[sflag:s23] =	ssyncset.done $0x0  }
0x6d9: {  	s16 =	simm.s32 $0x14C00;
	[sflag:s23] =	ssyncadd.s32 $0xFFFFD000  }
0x6da: {  	[spmem:s3] =	stream.indirect.scatter.add.f32 [tilespmem:s17], [sflag:$0x6], $0x80, s16, s12, $0xb8;
	[tilespmem:$0x1FC00] =	vst v63  }
0x6db: {  	_ =	swait.ge [sflag:s5], $0x3000  }
0x6dc: {  	[sflag:s5] =	ssyncset.done $0x0  }
0x6dd: {  	s19 =	simm.s32 $0x14180;
	[sflag:s5] =	ssyncadd.s32 $0xFFFFD000  }
0x6de: {  	[tilespmem:s17], [sflag:$0x3] =	stream.indirect.gather [hbm4b:s1+s12], $0x80, s19, s12, $0xb8;
	[tilespmem:$0x1FC00] =	vst v63  }
0x6df: {  	_ =	swait.ge [sflag:s18], $0x3000  }
0x6e0: {  	[sflag:s18] =	ssyncset.done $0x0  }
0x6e1: {  	s4 =	simm.s32 $0x14C80;
	[sflag:s18] =	ssyncadd.s32 $0xFFFFD000  }
0x6e2: {  	[spmem:s3] =	stream.indirect.scatter.add.f32 [tilespmem:s13], [sflag:$0x6], $0x80, s4, s12, $0xb8;
	[tilespmem:$0x1FC00] =	vst v63  }
0x6e3: {  	_ =	swait.ge [sflag:s5], $0x3000  }
0x6e4: {  	[sflag:s5] =	ssyncset.done $0x0  }
0x6e5: {  	s6 =	simm.s32 $0x14200;
	[sflag:s5] =	ssyncadd.s32 $0xFFFFD000  }
0x6e6: {  	[tilespmem:s13], [sflag:$0x1] =	stream.indirect.gather [hbm4b:s1+s12], $0x80, s6, s12, $0xb8;
	[tilespmem:$0x1FC00] =	vst v63  }
0x6e7: {  	_ =	swait.ge [sflag:s20], $0x3000  }
0x6e8: {  	[sflag:s20] =	ssyncset.done $0x0  }
0x6e9: {  	s9 =	simm.s32 $0x14D00;
	[sflag:s20] =	ssyncadd.s32 $0xFFFFD000  }
0x6ea: {  	[spmem:s3] =	stream.indirect.scatter.add.f32 [tilespmem:s15], [sflag:$0x6], $0x80, s9, s12, $0xb8;
	[tilespmem:$0x1FC00] =	vst v63  }
0x6eb: {  	_ =	swait.ge [sflag:s5], $0x3000  }
0x6ec: {  	[sflag:s5] =	ssyncset.done $0x0  }
0x6ed: {  	s16 =	simm.s32 $0x14280;
	[sflag:s5] =	ssyncadd.s32 $0xFFFFD000  }
0x6ee: {  	[tilespmem:s15], [sflag:$0x2] =	stream.indirect.gather [hbm4b:s1+s12], $0x80, s16, s12, $0xb8;
	[tilespmem:$0x1FC00] =	vst v63  }
0x6ef: {  	_ =	swait.ge [sflag:s23], $0x3000  }
0x6f0: {  	[sflag:s23] =	ssyncset.done $0x0  }
0x6f1: {  	s19 =	simm.s32 $0x14D80;
	[sflag:s23] =	ssyncadd.s32 $0xFFFFD000  }
0x6f2: {  	[spmem:s3] =	stream.indirect.scatter.add.f32 [tilespmem:s17], [sflag:$0x6], $0x80, s19, s12, $0xb8;
	[tilespmem:$0x1FC00] =	vst v63  }
0x6f3: {  	_ =	swait.ge [sflag:s5], $0x3000  }
0x6f4: {  	[sflag:s5] =	ssyncset.done $0x0  }
0x6f5: {  	s4 =	simm.s32 $0x14300;
	[sflag:s5] =	ssyncadd.s32 $0xFFFFD000  }
0x6f6: {  	[tilespmem:s17], [sflag:$0x3] =	stream.indirect.gather [hbm4b:s1+s12], $0x80, s4, s12, $0xb8;
	[tilespmem:$0x1FC00] =	vst v63  }
0x6f7: {  	_ =	swait.ge [sflag:s18], $0x3000  }
0x6f8: {  	[sflag:s18] =	ssyncset.done $0x0  }
0x6f9: {  	s6 =	simm.s32 $0x14E00;
	[sflag:s18] =	ssyncadd.s32 $0xFFFFD000  }
0x6fa: {  	[spmem:s3] =	stream.indirect.scatter.add.f32 [tilespmem:s13], [sflag:$0x6], $0x80, s6, s12, $0xb8;
	[tilespmem:$0x1FC00] =	vst v63  }
0x6fb: {  	_ =	swait.ge [sflag:s5], $0x3000  }
0x6fc: {  	[sflag:s5] =	ssyncset.done $0x0  }
0x6fd: {  	s9 =	simm.s32 $0x14380;
	[sflag:s5] =	ssyncadd.s32 $0xFFFFD000  }
0x6fe: {  	[tilespmem:s13], [sflag:$0x1] =	stream.indirect.gather [hbm4b:s1+s12], $0x80, s9, s12, $0xb8;
	[tilespmem:$0x1FC00] =	vst v63  }
0x6ff: {  	_ =	swait.ge [sflag:s20], $0x3000  }
0x700: {  	[sflag:s20] =	ssyncset.done $0x0  }
0x701: {  	s16 =	simm.s32 $0x14E80;
	[sflag:s20] =	ssyncadd.s32 $0xFFFFD000  }
0x702: {  	[spmem:s3] =	stream.indirect.scatter.add.f32 [tilespmem:s15], [sflag:$0x6], $0x80, s16, s12, $0xb8;
	[tilespmem:$0x1FC00] =	vst v63  }
0x703: {  	_ =	swait.ge [sflag:s5], $0x3000  }
0x704: {  	[sflag:s5] =	ssyncset.done $0x0  }
0x705: {  	s19 =	simm.s32 $0x14400;
	[sflag:s5] =	ssyncadd.s32 $0xFFFFD000  }
0x706: {  	[tilespmem:s15], [sflag:$0x2] =	stream.indirect.gather [hbm4b:s1+s12], $0x80, s19, s12, $0xb8;
	[tilespmem:$0x1FC00] =	vst v63  }
0x707: {  	_ =	swait.ge [sflag:s23], $0x3000  }
0x708: {  	[sflag:s23] =	ssyncset.done $0x0  }
0x709: {  	s4 =	simm.s32 $0x14F00;
	[sflag:s23] =	ssyncadd.s32 $0xFFFFD000  }
0x70a: {  	[spmem:s3] =	stream.indirect.scatter.add.f32 [tilespmem:s17], [sflag:$0x6], $0x80, s4, s12, $0xb8;
	[tilespmem:$0x1FC00] =	vst v63  }
0x70b: {  	_ =	swait.ge [sflag:s5], $0x3000  }
0x70c: {  	[sflag:s5] =	ssyncset.done $0x0  }
0x70d: {  	s6 =	simm.s32 $0x14480;
	[sflag:s5] =	ssyncadd.s32 $0xFFFFD000  }
0x70e: {  	[tilespmem:s17], [sflag:$0x3] =	stream.indirect.gather [hbm4b:s1+s12], $0x80, s6, s12, $0xb8;
	[tilespmem:$0x1FC00] =	vst v63  }
0x70f: {  	_ =	swait.ge [sflag:s18], $0x3000  }
0x710: {  	[sflag:s18] =	ssyncset.done $0x0  }
0x711: {  	s9 =	simm.s32 $0x14F80;
	[sflag:s18] =	ssyncadd.s32 $0xFFFFD000  }
0x712: {  	[spmem:s3] =	stream.indirect.scatter.add.f32 [tilespmem:s13], [sflag:$0x6], $0x80, s9, s12, $0xb8;
	[tilespmem:$0x1FC00] =	vst v63  }
0x713: {  	_ =	swait.ge [sflag:s5], $0x3000  }
0x714: {  	[sflag:s5] =	ssyncset.done $0x0  }
0x715: {  	s16 =	simm.s32 $0x14500;
	[sflag:s5] =	ssyncadd.s32 $0xFFFFD000  }
0x716: {  	[tilespmem:s13], [sflag:$0x1] =	stream.indirect.gather [hbm4b:s1+s12], $0x80, s16, s12, $0xb8;
	[tilespmem:$0x1FC00] =	vst v63  }
0x717: {  	_ =	swait.ge [sflag:s20], $0x3000  }
0x718: {  	[sflag:s20] =	ssyncset.done $0x0  }
0x719: {  	s19 =	simm.s32 $0x15000;
	[sflag:s20] =	ssyncadd.s32 $0xFFFFD000  }
0x71a: {  	[spmem:s3] =	stream.indirect.scatter.add.f32 [tilespmem:s15], [sflag:$0x6], $0x80, s19, s12, $0xb8;
	[tilespmem:$0x1FC00] =	vst v63  }
0x71b: {  	_ =	swait.ge [sflag:s5], $0x3000  }
0x71c: {  	[sflag:s5] =	ssyncset.done $0x0  }
0x71d: {  	s4 =	simm.s32 $0x14580;
	[sflag:s5] =	ssyncadd.s32 $0xFFFFD000  }
0x71e: {  	[tilespmem:s15], [sflag:$0x2] =	stream.indirect.gather [hbm4b:s1+s12], $0x80, s4, s12, $0xb8;
	[tilespmem:$0x1FC00] =	vst v63  }
0x71f: {  	_ =	swait.ge [sflag:s23], $0x3000  }
0x720: {  	[sflag:s23] =	ssyncset.done $0x0  }
0x721: {  	s6 =	simm.s32 $0x15080;
	[sflag:s23] =	ssyncadd.s32 $0xFFFFD000  }
0x722: {  	[spmem:s3] =	stream.indirect.scatter.add.f32 [tilespmem:s17], [sflag:$0x6], $0x80, s6, s12, $0xb8;
	[tilespmem:$0x1FC00] =	vst v63  }
0x723: {  	_ =	swait.ge [sflag:s5], $0x3000  }
0x724: {  	[sflag:s5] =	ssyncset.done $0x0  }
0x725: {  	s9 =	simm.s32 $0x14600;
	[sflag:s5] =	ssyncadd.s32 $0xFFFFD000  }
0x726: {  	[tilespmem:s17], [sflag:$0x3] =	stream.indirect.gather [hbm4b:s1+s12], $0x80, s9, s12, $0xb8;
	[tilespmem:$0x1FC00] =	vst v63  }
0x727: {  	_ =	swait.ge [sflag:s18], $0x3000  }
0x728: {  	[sflag:s18] =	ssyncset.done $0x0  }
0x729: {  	s16 =	simm.s32 $0x15100;
	[sflag:s18] =	ssyncadd.s32 $0xFFFFD000  }
0x72a: {  	[spmem:s3] =	stream.indirect.scatter.add.f32 [tilespmem:s13], [sflag:$0x6], $0x80, s16, s12, $0xb8;
	[tilespmem:$0x1FC00] =	vst v63  }
0x72b: {  	_ =	swait.ge [sflag:s5], $0x3000  }
0x72c: {  	[sflag:s5] =	ssyncset.done $0x0  }
0x72d: {  	[sflag:s5] =	ssyncadd.s32 $0xFFFFD000  }
0x72e: {  	_ =	swait.ge [sflag:s20], $0x3000  }
0x72f: {  	[sflag:s20] =	ssyncset.done $0x0  }
0x730: {  	s19 =	simm.s32 $0x15180;
	[sflag:s20] =	ssyncadd.s32 $0xFFFFD000  }
0x731: {  	[spmem:s3] =	stream.indirect.scatter.add.f32 [tilespmem:s15], [sflag:$0x6], $0x80, s19, s12, $0xb8;
	[tilespmem:$0x1FC00] =	vst v63  }
0x732: {  	_ =	swait.ge [sflag:s5], $0x3000  }
0x733: {  	[sflag:s5] =	ssyncset.done $0x0  }
0x734: {  	[sflag:s5] =	ssyncadd.s32 $0xFFFFD000  }
0x735: {  	_ =	swait.ge [sflag:s23], $0x3000  }
0x736: {  	[sflag:s23] =	ssyncset.done $0x0  }
0x737: {  	s4 =	simm.s32 $0x15200;
	[sflag:s23] =	ssyncadd.s32 $0xFFFFD000  }
0x738: {  	[spmem:s3] =	stream.indirect.scatter.add.f32 [tilespmem:s17], [sflag:$0x6], $0x80, s4, s12, $0xb8;
	[tilespmem:$0x1FC00] =	vst v63  }
0x739: {  	_ =	swait.ge [sflag:s5], $0x3000  }
0x73a: {  	[sflag:s5] =	ssyncset.done $0x0  }
0x73b: {  	[sflag:s5] =	ssyncadd.s32 $0xFFFFD000  }
0x73c: {  	p0 =	sne.s32 s14, $0x1;
	[bflag:$0x0] =	sbarrier.arrive $0xFFFF  }
.Ltmp1:
0x73d: {  	s6 =	rddreg [dreg:$0x11];
	(pc) =	sbr.rel @p0 .LBB2_2-.Ltmp1, $4  }
0x73e: {  	s9 =	rddreg [dreg:$0x13]  }
0x73f: {  	s19 =	rddreg [dreg:$0x12]  }
0x740: {  	[hbm:s6], [sflag:s9] =	dma.local [spmem:s19], $0x2780  }
0x741: {  	s14 =	sadd.s32 $0xFFFFFFFF, s14;
	_ =	swait.ge [sflag:s5], $0x2780  }
.LBB2_3:
0x742: {  	[sflag:s5] =	ssyncset.done $0x0  }
0x743: {  	[sflag:s5] =	ssyncadd.s32 $0xFFFFD880  }
0x744: {  	_ =	sfence.sel $0x180000  }
0x745: {  	[bflag:$0x0] =	sbarrier.arrive $0xFFFF  }
0x746: {  	_ =	strace $0x90000047  }
0x747: {  	s0 =	stileid.u32;
	[bflag:$0x2] =	sbarrier.arrive $0xFFFF  }
0x748: {  	p0 =	sne.s32 s0, $0x0;
	s0 =	rddreg [dreg:$0x5]  }
0x749: {  	s0 =	sadd.s32 @!p0 $0x100000, s0  }
0x74a: {  	[sflag:s0] =	ssyncadd.tile.s32 @!p0 $0x1;
	_ =	shalt  }
.Lfunc_end2:
_tile_overlayer_lowered:
.L_overlay_start_2:
0x74b: {  	(tag) =	ssettag $0x2  }
0x74c: {  	s0 =	rddreg [dreg:$0x0];
	s2 =	stileid.u32  }
0x74d: {  	s1 =	rddreg [dreg:$0x1];
	p0 =	sne.s32 s2, $0x0  }
0x74e: {  	s3 =	rddreg [dreg:$0x2];
	[bflag:$0x3] =	sbarrier.arrive $0xFFFF;
	s2 =	simm.s32 @!p0 $0x1C06  }
0x74f: {  	[timem:s3], [sflag:s2] =	dma.local @!p0 [hbm:s0], s1  }
0x750: {  	s0 =	simm.s32 @!p0 $0x6  }
0x751: {  	_ =	swait.ge @!p0 [sflag:s0], s1  }
0x752: {  	s1 =	ssub.s32 @!p0 $0x0, s1;
	[sflag:s0] =	ssyncset.done @!p0 $0x0  }
0x753: {  	[sflag:s0] =	ssyncadd.s32 @!p0 s1  }
0x754: {  	[bflag:$0x3] =	sbarrier.arrive $0xFFFF  }
0x755: {  	_ =	shalt  }

</sc_bundles>
